<compile_context>
chip_gen: v7x
topology: tpu7x:2x2x1
jax: 0.10.2.dev20260603
libtpu: 0.0.44.dev20260713+nightly
codegen_flags: <defaults>
</compile_context>

<pallas_src>
import functools

import jax
import jax.numpy as jnp
from jax import lax
from jax.experimental import pallas as pl
from jax.experimental.pallas import tpu as pltpu
from jax.experimental.pallas import tpu_sc as plsc

N_NODES = 10000
D = 128
N_PAD = 10240
NC = 2
NS = 16
NW = NC * NS
NB = 80
B = 128
NBP = 40
NCHW = 4
N0 = 2
N1 = NCHW - N0
NCH = NS * NCHW
EPT = NB * B
E_PAD = NW * EPT

_mesh = plsc.VectorSubcoreMesh(core_axis_name="c", subcore_axis_name="s")

_SEG = N_PAD // NS


@functools.partial(
    pl.kernel,
    out_type=jax.ShapeDtypeStruct((NC, N_PAD), jnp.float32),
    mesh=_mesh,
    scratch_types=[
        pltpu.VMEM((NB, B), jnp.int32),
        pltpu.VMEM((B,), jnp.float32),
        pltpu.VMEM((_SEG,), jnp.float32),
        pltpu.VMEM_SHARED((N_PAD,), jnp.float32),
    ],
)
def _deg_kernel(dst_hbm, ones_hbm, zeros_hbm, degpart_hbm, dstv, onesv, bounce,
                deg_sh):
    c = lax.axis_index("c")
    s = lax.axis_index("s")
    tid = c * NS + s
    lo = s * _SEG
    pltpu.sync_copy(zeros_hbm.at[pl.ds(lo, _SEG)], deg_sh.at[pl.ds(lo, _SEG)])
    pltpu.sync_copy(ones_hbm, onesv)
    pltpu.sync_copy(dst_hbm.at[tid], dstv)
    plsc.subcore_barrier()

    def body(j, carry):
        pltpu.sync_copy(onesv, deg_sh.at[dstv.at[j]], add=True)
        return carry

    lax.fori_loop(0, NB, body, 0)
    plsc.subcore_barrier()
    pltpu.sync_copy(deg_sh.at[pl.ds(lo, _SEG)], bounce)
    pltpu.sync_copy(bounce, degpart_hbm.at[c, pl.ds(lo, _SEG)])


@functools.partial(
    pl.kernel,
    out_type=jax.ShapeDtypeStruct((NC, N_PAD, D), jnp.float32),
    mesh=_mesh,
    scratch_types=[
        pltpu.VMEM((NBP, B), jnp.int32),
        pltpu.VMEM((NBP, B), jnp.int32),
        pltpu.VMEM((2, B, D), jnp.float32),
        pltpu.VMEM_SHARED((N_PAD, D), jnp.float32),
        pltpu.SemaphoreType.DMA,
        pltpu.SemaphoreType.DMA,
    ],
)
def _agg_kernel(hp_hbm, src_hbm, dst_hbm, zeros2_hbm, acc_hbm, srcv, dstv,
                rowbuf, acc_sh, g0, g1):
    c = lax.axis_index("c")
    s = lax.axis_index("s")
    tid = c * NS + s
    lo = s * _SEG
    gsem = (g0, g1)
    pltpu.sync_copy(zeros2_hbm.at[pl.ds(lo, _SEG)], acc_sh.at[pl.ds(lo, _SEG)])
    plsc.subcore_barrier()

    def gather(j, p):
        pltpu.async_copy(hp_hbm.at[srcv.at[j]], rowbuf.at[p], gsem[p])

    def gather_wait(j, p):
        pltpu.make_async_copy(hp_hbm.at[srcv.at[j]], rowbuf.at[p],
                              gsem[p]).wait()

    def run_chunk(ck, carry):
        pltpu.sync_copy(src_hbm.at[ck], srcv)
        pltpu.sync_copy(dst_hbm.at[ck], dstv)
        gather(0, 0)

        def body(g, c2):
            for u in range(2):
                j = g * 2 + u
                p = u
                q = 1 - u

                @pl.when(j + 1 < NBP)
                def _():
                    gather(j + 1, q)

                gather_wait(j, p)
                pltpu.sync_copy(rowbuf.at[p], acc_sh.at[dstv.at[j]],
                                add=True)

            return c2

        lax.fori_loop(0, NBP // 2, body, 0)
        return carry

    @pl.when(c == 0)
    def _():
        lax.fori_loop(s * N0, s * N0 + N0, run_chunk, 0)

    @pl.when(c == 1)
    def _():
        base = NS * N0 + s * N1
        lax.fori_loop(base, base + N1, run_chunk, 0)

    plsc.subcore_barrier()

    pltpu.sync_copy(acc_sh.at[pl.ds(lo, _SEG)],
                    acc_hbm.at[c, pl.ds(lo, _SEG)])


def _tc1_body(degp, x_r, w_r, out_r):
    dis = lax.rsqrt(degp[0, :] + degp[1, :] + 1.0)
    h = jnp.dot(x_r[...], w_r[...], preferred_element_type=jnp.float32)
    out_r[...] = h * dis[:, None]


def _tc2_body(degp, a0, a1, hp1, b1r, w2r, out_r):
    dis = lax.rsqrt(degp[0, :] + degp[1, :] + 1.0)
    pre = (a0[...] + a1[...] + hp1[...]) * dis[:, None] + b1r[...]
    h2 = jnp.maximum(pre, 0.0)
    out_r[...] = jnp.dot(h2, w2r[...],
                         preferred_element_type=jnp.float32) * dis[:, None]


def _tc3_body(degp, a0, a1, hp2, b2r, out_r):
    dis = lax.rsqrt(degp[0, :] + degp[1, :] + 1.0)
    out_r[...] = (a0[...] + a1[...] + hp2[...]) * dis[:, None] + b2r[...]


_RB = 1024
_NRB = N_PAD // _RB
_GRID = (_NRB,)
_degp_spec = pl.BlockSpec((2, _RB), lambda i: (0, i))
_row_spec = pl.BlockSpec((_RB, D), lambda i: (i, 0))
_w_spec = pl.BlockSpec((D, D), lambda i: (0, 0))
_b_spec = pl.BlockSpec((1, D), lambda i: (0, 0))
_out_sds = jax.ShapeDtypeStruct((N_PAD, D), jnp.float32)

_tc1 = pl.pallas_call(
    _tc1_body, grid=_GRID,
    in_specs=[_degp_spec, _row_spec, _w_spec],
    out_specs=_row_spec, out_shape=_out_sds)

_tc2 = pl.pallas_call(
    _tc2_body, grid=_GRID,
    in_specs=[_degp_spec, _row_spec, _row_spec, _row_spec, _b_spec, _w_spec],
    out_specs=_row_spec, out_shape=_out_sds)

_tc3 = pl.pallas_call(
    _tc3_body, grid=_GRID,
    in_specs=[_degp_spec, _row_spec, _row_spec, _row_spec, _b_spec],
    out_specs=_row_spec, out_shape=_out_sds)


def kernel(x, edge_index, W1, b1, W2, b2):
    ei = edge_index.astype(jnp.int32)
    n_edges = ei.shape[1]
    pad = E_PAD - n_edges
    sink_src = jnp.full((pad,), N_NODES, dtype=jnp.int32)
    sink_dst = jnp.arange(pad, dtype=jnp.int32) % N_NODES
    src_p = jnp.concatenate([ei[0], sink_src]).reshape(NCH, NBP, B)
    dst_p = jnp.concatenate([ei[1], sink_dst]).reshape(NCH, NBP, B)
    dst_deg = jnp.concatenate([ei[1], sink_src]).reshape(NW, NB, B)
    x_pad = jnp.concatenate(
        [x, jnp.zeros((N_PAD - N_NODES, D), jnp.float32)], axis=0)
    ones_b = jnp.ones((B,), jnp.float32)
    zeros1 = jnp.zeros((N_PAD,), jnp.float32)
    zeros2 = jnp.zeros((N_PAD, D), jnp.float32)
    b1r = b1.reshape(1, D).astype(jnp.float32)
    b2r = b2.reshape(1, D).astype(jnp.float32)

    degpart = _deg_kernel(dst_deg, ones_b, zeros1)
    hp1 = _tc1(degpart, x_pad, W1)
    acc1 = _agg_kernel(hp1, src_p, dst_p, zeros2)
    hp2 = _tc2(degpart, acc1[0], acc1[1], hp1, b1r, W2)
    acc2 = _agg_kernel(hp2, src_p, dst_p, zeros2)
    out = _tc3(degpart, acc2[0], acc2[1], hp2, b2r)
    return out[:N_NODES]

# --- scband reference (transcript-rebuilt; emitter-appended) ---
"""Pipeline reference for scband-gcnencoder-6932077215862 (READ-ONLY COPY).

The authoritative reference and input builder live on the scoring server;
editing this copy changes nothing except your own understanding.
"""

import jax, jax.numpy as jnp
import numpy as np

N_NODES = 10000
N_EDGES = 320000
D_IN = 128
D_HID = 128
D_OUT = 128


def setup_inputs(seed: int = 0) -> dict:
    key = jax.random.key(seed)
    k1, k2, k3, k4, k5, k6 = jax.random.split(key, 6)
    x = jax.random.normal(k1, (N_NODES, D_IN), dtype=jnp.float32)
    edge_index = jax.random.randint(k2, (2, N_EDGES), 0, N_NODES, dtype=jnp.int64)
    # GCNConv weights (glorot-ish scale) and zero biases, matching torch_geometric GCNConv defaults
    W1 = jax.random.normal(k3, (D_IN, D_HID), dtype=jnp.float32) * (1.0 / np.sqrt(D_IN))
    b1 = jnp.zeros((D_HID,), dtype=jnp.float32)
    W2 = jax.random.normal(k4, (D_HID, D_OUT), dtype=jnp.float32) * (1.0 / np.sqrt(D_HID))
    b2 = jnp.zeros((D_OUT,), dtype=jnp.float32)
    return {"x": x, "edge_index": edge_index, "W1": W1, "b1": b1, "W2": W2, "b2": b2}


def _gcn_conv(x, src, dst, W, b, num_nodes):
    # torch_geometric GCNConv: add self-loops, symmetric normalization D^-1/2 (A+I) D^-1/2 X W + b
    h = x @ W
    deg = jnp.zeros((num_nodes,), dtype=x.dtype).at[dst].add(1.0)
    deg_inv_sqrt = jnp.where(deg > 0, jax.lax.rsqrt(jnp.maximum(deg, 1e-12)), 0.0)
    norm = deg_inv_sqrt[src] * deg_inv_sqrt[dst]
    msg = h[src] * norm[:, None]
    out = jnp.zeros((num_nodes, h.shape[1]), dtype=h.dtype).at[dst].add(msg)
    return out + b


def reference(x, edge_index, W1, b1, W2, b2):
    num_nodes = x.shape[0]
    loop = jnp.arange(num_nodes, dtype=edge_index.dtype)
    src = jnp.concatenate([edge_index[0], loop])
    dst = jnp.concatenate([edge_index[1], loop])
    h = _gcn_conv(x, src, dst, W1, b1, num_nodes)
    h = jax.nn.relu(h)
    # dropout=0.0 -> identity in eval/train
    out = _gcn_conv(h, src, dst, W2, b2, num_nodes)
    return out

if __name__ == "__main__":
    import jax
    _d = setup_inputs()
    print(jax.jit(kernel)(*tuple(_d.values())))

</pallas_src>

<mosaic_0001>
#map = affine_map<(d0, d1) -> (0, 0, 0)>
#map1 = affine_map<(d0, d1) -> (0)>
#map2 = affine_map<(d0, d1) -> (0, 0)>
module attributes {stable_mosaic.version = 14 : i64} {
  func.func @_deg_kernel(%arg0: i32, %arg1: i32, %arg2: memref<32x80x128xi32, #tpu.memory_space<hbm>>, %arg3: memref<128xf32, #tpu.memory_space<hbm>>, %arg4: memref<10240xf32, #tpu.memory_space<hbm>>, %arg5: memref<2x10240xf32, #tpu.memory_space<hbm>>, %arg6: memref<80x128xi32, #tpu.memory_space<vmem>>, %arg7: memref<128xf32, #tpu.memory_space<vmem>>, %arg8: memref<640xf32, #tpu.memory_space<vmem>>, %arg9: memref<10240xf32, #tpu.memory_space<vmem_shared>>) attributes {dimension_semantics = [#tpu.dimension_semantics<core_parallel>, #tpu.dimension_semantics<subcore_parallel>], iteration_bounds = array<i64: 2, 16>, scalar_prefetch = 0 : i64, scratch_operands = 4 : i64, tpu.core_type = #tpu.core_type<sc_vector_subcore>, window_params = [{transform_indices = #map}, {transform_indices = #map1}, {transform_indices = #map1}, {transform_indices = #map2}]} {
    %mul3A = arith.constant 16 : i32
    %mul3A_0 = arith.muli %arg0, %mul3A : i32
    %add3A = arith.addi %mul3A_0, %arg1 : i32
    %mul3A_1 = arith.constant 640 : i32
    %mul3A_2 = arith.muli %arg1, %mul3A_1 : i32
    "tpu.region"() ({
      %run_scoped3A = tpu.sem_alloc : memref<!tpu.dma_semaphore, #tpu.memory_space<semaphore_mem>>
      %dma_start3A = tpu.memref_slice %arg9[%mul3A_2] : memref<10240xf32, #tpu.memory_space<vmem_shared>> -> memref<640xf32, #tpu.memory_space<vmem_shared>>
      %dma_start3A_9 = tpu.memref_slice %arg4[%mul3A_2] : memref<10240xf32, #tpu.memory_space<hbm>> -> memref<640xf32, #tpu.memory_space<hbm>>
      tpu.enqueue_dma source(%dma_start3A_9 : memref<640xf32, #tpu.memory_space<hbm>>) target(%dma_start3A : memref<640xf32, #tpu.memory_space<vmem_shared>>) target_semaphore(%run_scoped3A : memref<!tpu.dma_semaphore, #tpu.memory_space<semaphore_mem>>)
      %dma_wait3A = tpu.memref_slice %arg9[%mul3A_2] : memref<10240xf32, #tpu.memory_space<vmem_shared>> -> memref<640xf32, #tpu.memory_space<vmem_shared>>
      %dma_wait3A_10 = tpu.memref_slice %arg4[%mul3A_2] : memref<10240xf32, #tpu.memory_space<hbm>> -> memref<640xf32, #tpu.memory_space<hbm>>
      tpu.wait_dma2 semaphore(%run_scoped3A : memref<!tpu.dma_semaphore, #tpu.memory_space<semaphore_mem>>) src(%dma_wait3A_10 : memref<640xf32, #tpu.memory_space<hbm>>) dst(%dma_wait3A : memref<640xf32, #tpu.memory_space<vmem_shared>>)
      tpu.yield
    }) : () -> ()
    "tpu.region"() ({
      %run_scoped3A = tpu.sem_alloc : memref<!tpu.dma_semaphore, #tpu.memory_space<semaphore_mem>>
      tpu.enqueue_dma source(%arg3 : memref<128xf32, #tpu.memory_space<hbm>>) target(%arg7 : memref<128xf32, #tpu.memory_space<vmem>>) target_semaphore(%run_scoped3A : memref<!tpu.dma_semaphore, #tpu.memory_space<semaphore_mem>>)
      tpu.wait_dma2 semaphore(%run_scoped3A : memref<!tpu.dma_semaphore, #tpu.memory_space<semaphore_mem>>) src(%arg3 : memref<128xf32, #tpu.memory_space<hbm>>) dst(%arg7 : memref<128xf32, #tpu.memory_space<vmem>>)
      tpu.yield
    }) : () -> ()
    "tpu.region"() ({
      %run_scoped3A = tpu.sem_alloc : memref<!tpu.dma_semaphore, #tpu.memory_space<semaphore_mem>>
      %dma_start3A = arith.constant 0 : i32
      %dma_start3A_9 = arith.constant 0 : i32
      %dma_start3A_10 = tpu.memref_slice %arg2[%add3A, %dma_start3A, %dma_start3A_9] : memref<32x80x128xi32, #tpu.memory_space<hbm>> -> memref<1x80x128xi32, #tpu.memory_space<hbm>>
      %dma_start3A_11 = tpu.memref_squeeze %dma_start3A_10 : memref<1x80x128xi32, #tpu.memory_space<hbm>> -> memref<80x128xi32, #tpu.memory_space<hbm>>
      %dma_start3A_12 = arith.constant 0 : i32
      %dma_start3A_13 = arith.constant 0 : i32
      %dma_start3A_14 = tpu.memref_slice %arg2[%add3A, %dma_start3A_12, %dma_start3A_13] : memref<32x80x128xi32, #tpu.memory_space<hbm>> -> memref<1x80x128xi32, #tpu.memory_space<hbm>>
      %dma_start3A_15 = tpu.memref_squeeze %dma_start3A_14 : memref<1x80x128xi32, #tpu.memory_space<hbm>> -> memref<80x128xi32, #tpu.memory_space<hbm>>
      tpu.enqueue_dma source(%dma_start3A_15 : memref<80x128xi32, #tpu.memory_space<hbm>>) target(%arg6 : memref<80x128xi32, #tpu.memory_space<vmem>>) target_semaphore(%run_scoped3A : memref<!tpu.dma_semaphore, #tpu.memory_space<semaphore_mem>>)
      %dma_wait3A = arith.constant 0 : i32
      %dma_wait3A_16 = arith.constant 0 : i32
      %dma_wait3A_17 = tpu.memref_slice %arg2[%add3A, %dma_wait3A, %dma_wait3A_16] : memref<32x80x128xi32, #tpu.memory_space<hbm>> -> memref<1x80x128xi32, #tpu.memory_space<hbm>>
      %dma_wait3A_18 = tpu.memref_squeeze %dma_wait3A_17 : memref<1x80x128xi32, #tpu.memory_space<hbm>> -> memref<80x128xi32, #tpu.memory_space<hbm>>
      %dma_wait3A_19 = arith.constant 0 : i32
      %dma_wait3A_20 = arith.constant 0 : i32
      %dma_wait3A_21 = tpu.memref_slice %arg2[%add3A, %dma_wait3A_19, %dma_wait3A_20] : memref<32x80x128xi32, #tpu.memory_space<hbm>> -> memref<1x80x128xi32, #tpu.memory_space<hbm>>
      %dma_wait3A_22 = tpu.memref_squeeze %dma_wait3A_21 : memref<1x80x128xi32, #tpu.memory_space<hbm>> -> memref<80x128xi32, #tpu.memory_space<hbm>>
      tpu.wait_dma2 semaphore(%run_scoped3A : memref<!tpu.dma_semaphore, #tpu.memory_space<semaphore_mem>>) src(%dma_wait3A_22 : memref<80x128xi32, #tpu.memory_space<hbm>>) dst(%arg6 : memref<80x128xi32, #tpu.memory_space<vmem>>)
      tpu.yield
    }) : () -> ()
    %barrier3A = arith.constant 0 : index
    tpu.barrier barrier_id(%barrier3A)
    %scan3A = arith.constant 0 : i32
    %scan3A_3 = arith.constant 0 : i32
    %scan3A_4 = arith.constant 80 : i32
    %scan3A_5 = arith.addi %scan3A_3, %scan3A_4 : i32
    %scan3A_6 = arith.constant 1 : i32
    scf.for %scan3A_9 = %scan3A_3 to %scan3A_5 step %scan3A_6  : i32 {
      "tpu.region"() ({
        %run_scoped3A = tpu.sem_alloc : memref<!tpu.dma_semaphore, #tpu.memory_space<semaphore_mem>>
        %dma_start3A = arith.constant 0 : i32
        %dma_start3A_10 = tpu.memref_slice %arg6[%scan3A_9, %dma_start3A] : memref<80x128xi32, #tpu.memory_space<vmem>> -> memref<1x128xi32, #tpu.memory_space<vmem>>
        %dma_start3A_11 = tpu.memref_squeeze %dma_start3A_10 : memref<1x128xi32, #tpu.memory_space<vmem>> -> memref<128xi32, #tpu.memory_space<vmem>>
        %dma_start3A_12 = arith.constant 0 : i32
        %dma_start3A_13 = tpu.memref_slice %arg9[%dma_start3A_12] : memref<10240xf32, #tpu.memory_space<vmem_shared>> -> memref<10240xf32, #tpu.memory_space<vmem_shared>>
        tpu.enqueue_indirect_dma source(%arg7 : memref<128xf32, #tpu.memory_space<vmem>>) target(%dma_start3A_13 : memref<10240xf32, #tpu.memory_space<vmem_shared>>) offsets(%dma_start3A_11 : memref<128xi32, #tpu.memory_space<vmem>>) semaphore(%run_scoped3A : memref<!tpu.dma_semaphore, #tpu.memory_space<semaphore_mem>>) {add = true}
        %dma_wait3A = arith.constant 0 : i32
        %dma_wait3A_14 = tpu.memref_slice %arg6[%scan3A_9, %dma_wait3A] : memref<80x128xi32, #tpu.memory_space<vmem>> -> memref<1x128xi32, #tpu.memory_space<vmem>>
        %dma_wait3A_15 = tpu.memref_squeeze %dma_wait3A_14 : memref<1x128xi32, #tpu.memory_space<vmem>> -> memref<128xi32, #tpu.memory_space<vmem>>
        %dma_wait3A_16 = arith.constant 0 : i32
        %dma_wait3A_17 = tpu.memref_slice %arg9[%dma_wait3A_16] : memref<10240xf32, #tpu.memory_space<vmem_shared>> -> memref<10240xf32, #tpu.memory_space<vmem_shared>>
        tpu.wait_indirect_dma semaphore(%run_scoped3A : memref<!tpu.dma_semaphore, #tpu.memory_space<semaphore_mem>>) src(%arg7 : memref<128xf32, #tpu.memory_space<vmem>>) dst(%dma_wait3A_17 : memref<10240xf32, #tpu.memory_space<vmem_shared>>)
        tpu.yield
      }) : () -> ()
    }
    %scan3A_7 = arith.constant 80 : i32
    %barrier3A_8 = arith.constant 0 : index
    tpu.barrier barrier_id(%barrier3A_8)
    "tpu.region"() ({
      %run_scoped3A = tpu.sem_alloc : memref<!tpu.dma_semaphore, #tpu.memory_space<semaphore_mem>>
      %dma_start3A = tpu.memref_slice %arg9[%mul3A_2] : memref<10240xf32, #tpu.memory_space<vmem_shared>> -> memref<640xf32, #tpu.memory_space<vmem_shared>>
      %dma_start3A_9 = tpu.memref_slice %arg9[%mul3A_2] : memref<10240xf32, #tpu.memory_space<vmem_shared>> -> memref<640xf32, #tpu.memory_space<vmem_shared>>
      tpu.enqueue_dma source(%dma_start3A_9 : memref<640xf32, #tpu.memory_space<vmem_shared>>) target(%arg8 : memref<640xf32, #tpu.memory_space<vmem>>) target_semaphore(%run_scoped3A : memref<!tpu.dma_semaphore, #tpu.memory_space<semaphore_mem>>)
      %dma_wait3A = tpu.memref_slice %arg9[%mul3A_2] : memref<10240xf32, #tpu.memory_space<vmem_shared>> -> memref<640xf32, #tpu.memory_space<vmem_shared>>
      %dma_wait3A_10 = tpu.memref_slice %arg9[%mul3A_2] : memref<10240xf32, #tpu.memory_space<vmem_shared>> -> memref<640xf32, #tpu.memory_space<vmem_shared>>
      tpu.wait_dma2 semaphore(%run_scoped3A : memref<!tpu.dma_semaphore, #tpu.memory_space<semaphore_mem>>) src(%dma_wait3A_10 : memref<640xf32, #tpu.memory_space<vmem_shared>>) dst(%arg8 : memref<640xf32, #tpu.memory_space<vmem>>)
      tpu.yield
    }) : () -> ()
    "tpu.region"() ({
      %run_scoped3A = tpu.sem_alloc : memref<!tpu.dma_semaphore, #tpu.memory_space<semaphore_mem>>
      %dma_start3A = tpu.memref_slice %arg5[%arg0, %mul3A_2] : memref<2x10240xf32, #tpu.memory_space<hbm>> -> memref<1x640xf32, #tpu.memory_space<hbm>>
      %dma_start3A_9 = tpu.memref_squeeze %dma_start3A : memref<1x640xf32, #tpu.memory_space<hbm>> -> memref<640xf32, #tpu.memory_space<hbm>>
      %dma_start3A_10 = tpu.memref_slice %arg5[%arg0, %mul3A_2] : memref<2x10240xf32, #tpu.memory_space<hbm>> -> memref<1x640xf32, #tpu.memory_space<hbm>>
      %dma_start3A_11 = tpu.memref_squeeze %dma_start3A_10 : memref<1x640xf32, #tpu.memory_space<hbm>> -> memref<640xf32, #tpu.memory_space<hbm>>
      tpu.enqueue_dma source(%arg8 : memref<640xf32, #tpu.memory_space<vmem>>) target(%dma_start3A_11 : memref<640xf32, #tpu.memory_space<hbm>>) target_semaphore(%run_scoped3A : memref<!tpu.dma_semaphore, #tpu.memory_space<semaphore_mem>>)
      %dma_wait3A = tpu.memref_slice %arg5[%arg0, %mul3A_2] : memref<2x10240xf32, #tpu.memory_space<hbm>> -> memref<1x640xf32, #tpu.memory_space<hbm>>
      %dma_wait3A_12 = tpu.memref_squeeze %dma_wait3A : memref<1x640xf32, #tpu.memory_space<hbm>> -> memref<640xf32, #tpu.memory_space<hbm>>
      %dma_wait3A_13 = tpu.memref_slice %arg5[%arg0, %mul3A_2] : memref<2x10240xf32, #tpu.memory_space<hbm>> -> memref<1x640xf32, #tpu.memory_space<hbm>>
      %dma_wait3A_14 = tpu.memref_squeeze %dma_wait3A_13 : memref<1x640xf32, #tpu.memory_space<hbm>> -> memref<640xf32, #tpu.memory_space<hbm>>
      tpu.wait_dma2 semaphore(%run_scoped3A : memref<!tpu.dma_semaphore, #tpu.memory_space<semaphore_mem>>) src(%arg8 : memref<640xf32, #tpu.memory_space<vmem>>) dst(%dma_wait3A_14 : memref<640xf32, #tpu.memory_space<hbm>>)
      tpu.yield
    }) : () -> ()
    return
  }
}

#map = affine_map<(d0, d1) -> (0, 0)>
#map1 = affine_map<(d0, d1) -> (0, 0, 0)>
module attributes {stable_mosaic.version = 14 : i64} {
  func.func @_agg_kernel(%arg0: i32, %arg1: i32, %arg2: memref<10240x128xf32, #tpu.memory_space<hbm>>, %arg3: memref<64x40x128xi32, #tpu.memory_space<hbm>>, %arg4: memref<64x40x128xi32, #tpu.memory_space<hbm>>, %arg5: memref<10240x128xf32, #tpu.memory_space<hbm>>, %arg6: memref<2x10240x128xf32, #tpu.memory_space<hbm>>, %arg7: memref<40x128xi32, #tpu.memory_space<vmem>>, %arg8: memref<40x128xi32, #tpu.memory_space<vmem>>, %arg9: memref<2x128x128xf32, #tpu.memory_space<vmem>>, %arg10: memref<10240x128xf32, #tpu.memory_space<vmem_shared>>, %arg11: memref<!tpu.dma_semaphore, #tpu.memory_space<semaphore_mem>>, %arg12: memref<!tpu.dma_semaphore, #tpu.memory_space<semaphore_mem>>) attributes {dimension_semantics = [#tpu.dimension_semantics<core_parallel>, #tpu.dimension_semantics<subcore_parallel>], iteration_bounds = array<i64: 2, 16>, scalar_prefetch = 0 : i64, scratch_operands = 6 : i64, tpu.core_type = #tpu.core_type<sc_vector_subcore>, window_params = [{transform_indices = #map}, {transform_indices = #map1}, {transform_indices = #map1}, {transform_indices = #map}, {transform_indices = #map1}]} {
    %mul3A = arith.constant 16 : i32
    %mul3A_0 = arith.muli %arg0, %mul3A : i32
    %add3A = arith.addi %mul3A_0, %arg1 : i32
    %mul3A_1 = arith.constant 640 : i32
    %mul3A_2 = arith.muli %arg1, %mul3A_1 : i32
    "tpu.region"() ({
      %run_scoped3A = tpu.sem_alloc : memref<!tpu.dma_semaphore, #tpu.memory_space<semaphore_mem>>
      %dma_start3A = arith.constant 0 : i32
      %dma_start3A_11 = tpu.memref_slice %arg10[%mul3A_2, %dma_start3A] : memref<10240x128xf32, #tpu.memory_space<vmem_shared>> -> memref<640x128xf32, #tpu.memory_space<vmem_shared>>
      %dma_start3A_12 = arith.constant 0 : i32
      %dma_start3A_13 = tpu.memref_slice %arg5[%mul3A_2, %dma_start3A_12] : memref<10240x128xf32, #tpu.memory_space<hbm>> -> memref<640x128xf32, #tpu.memory_space<hbm>>
      tpu.enqueue_dma source(%dma_start3A_13 : memref<640x128xf32, #tpu.memory_space<hbm>>) target(%dma_start3A_11 : memref<640x128xf32, #tpu.memory_space<vmem_shared>>) target_semaphore(%run_scoped3A : memref<!tpu.dma_semaphore, #tpu.memory_space<semaphore_mem>>)
      %dma_wait3A = arith.constant 0 : i32
      %dma_wait3A_14 = tpu.memref_slice %arg10[%mul3A_2, %dma_wait3A] : memref<10240x128xf32, #tpu.memory_space<vmem_shared>> -> memref<640x128xf32, #tpu.memory_space<vmem_shared>>
      %dma_wait3A_15 = arith.constant 0 : i32
      %dma_wait3A_16 = tpu.memref_slice %arg5[%mul3A_2, %dma_wait3A_15] : memref<10240x128xf32, #tpu.memory_space<hbm>> -> memref<640x128xf32, #tpu.memory_space<hbm>>
      tpu.wait_dma2 semaphore(%run_scoped3A : memref<!tpu.dma_semaphore, #tpu.memory_space<semaphore_mem>>) src(%dma_wait3A_16 : memref<640x128xf32, #tpu.memory_space<hbm>>) dst(%dma_wait3A_14 : memref<640x128xf32, #tpu.memory_space<vmem_shared>>)
      tpu.yield
    }) : () -> ()
    %barrier3A = arith.constant 0 : index
    tpu.barrier barrier_id(%barrier3A)
    %eq3A = arith.constant 0 : i32
    %eq3A_3 = arith.cmpi eq, %arg0, %eq3A : i32
    %convert_element_type3A = arith.extui %eq3A_3 : i1 to i32
    %cond3A = arith.constant 0 : i32
    %cond3A_4 = arith.cmpi ne, %convert_element_type3A, %cond3A : i32
    scf.if %cond3A_4 {
      %mul3A_11 = arith.constant 2 : i32
      %mul3A_12 = arith.muli %arg1, %mul3A_11 : i32
      %mul3A_13 = arith.constant 2 : i32
      %mul3A_14 = arith.muli %arg1, %mul3A_13 : i32
      %add3A_15 = arith.constant 2 : i32
      %add3A_16 = arith.addi %mul3A_14, %add3A_15 : i32
      %while3A = arith.constant 0 : i32
      %while3A_17 = arith.subi %add3A_16, %mul3A_12 : i32
      %while3A_18 = arith.addi %mul3A_12, %while3A_17 : i32
      %while3A_19 = arith.constant 1 : i32
      %while3A_20 = arith.divsi %while3A_17, %while3A_19 : i32
      %while3A_21 = arith.muli %while3A_20, %while3A_19 : i32
      %while3A_22 = arith.addi %mul3A_12, %while3A_21 : i32
      %while3A_23 = arith.constant 1 : i32
      scf.for %while3A_25 = %mul3A_12 to %while3A_22 step %while3A_23  : i32 {
        "tpu.region"() ({
          %run_scoped3A = tpu.sem_alloc : memref<!tpu.dma_semaphore, #tpu.memory_space<semaphore_mem>>
          %dma_start3A_42 = arith.constant 0 : i32
          %dma_start3A_43 = arith.constant 0 : i32
          %dma_start3A_44 = tpu.memref_slice %arg3[%while3A_25, %dma_start3A_42, %dma_start3A_43] : memref<64x40x128xi32, #tpu.memory_space<hbm>> -> memref<1x40x128xi32, #tpu.memory_space<hbm>>
          %dma_start3A_45 = tpu.memref_squeeze %dma_start3A_44 : memref<1x40x128xi32, #tpu.memory_space<hbm>> -> memref<40x128xi32, #tpu.memory_space<hbm>>
          %dma_start3A_46 = arith.constant 0 : i32
          %dma_start3A_47 = arith.constant 0 : i32
          %dma_start3A_48 = tpu.memref_slice %arg3[%while3A_25, %dma_start3A_46, %dma_start3A_47] : memref<64x40x128xi32, #tpu.memory_space<hbm>> -> memref<1x40x128xi32, #tpu.memory_space<hbm>>
          %dma_start3A_49 = tpu.memref_squeeze %dma_start3A_48 : memref<1x40x128xi32, #tpu.memory_space<hbm>> -> memref<40x128xi32, #tpu.memory_space<hbm>>
          tpu.enqueue_dma source(%dma_start3A_49 : memref<40x128xi32, #tpu.memory_space<hbm>>) target(%arg7 : memref<40x128xi32, #tpu.memory_space<vmem>>) target_semaphore(%run_scoped3A : memref<!tpu.dma_semaphore, #tpu.memory_space<semaphore_mem>>)
          %dma_wait3A = arith.constant 0 : i32
          %dma_wait3A_50 = arith.constant 0 : i32
          %dma_wait3A_51 = tpu.memref_slice %arg3[%while3A_25, %dma_wait3A, %dma_wait3A_50] : memref<64x40x128xi32, #tpu.memory_space<hbm>> -> memref<1x40x128xi32, #tpu.memory_space<hbm>>
          %dma_wait3A_52 = tpu.memref_squeeze %dma_wait3A_51 : memref<1x40x128xi32, #tpu.memory_space<hbm>> -> memref<40x128xi32, #tpu.memory_space<hbm>>
          %dma_wait3A_53 = arith.constant 0 : i32
          %dma_wait3A_54 = arith.constant 0 : i32
          %dma_wait3A_55 = tpu.memref_slice %arg3[%while3A_25, %dma_wait3A_53, %dma_wait3A_54] : memref<64x40x128xi32, #tpu.memory_space<hbm>> -> memref<1x40x128xi32, #tpu.memory_space<hbm>>
          %dma_wait3A_56 = tpu.memref_squeeze %dma_wait3A_55 : memref<1x40x128xi32, #tpu.memory_space<hbm>> -> memref<40x128xi32, #tpu.memory_space<hbm>>
          tpu.wait_dma2 semaphore(%run_scoped3A : memref<!tpu.dma_semaphore, #tpu.memory_space<semaphore_mem>>) src(%dma_wait3A_56 : memref<40x128xi32, #tpu.memory_space<hbm>>) dst(%arg7 : memref<40x128xi32, #tpu.memory_space<vmem>>)
          tpu.yield
        }) : () -> ()
        "tpu.region"() ({
          %run_scoped3A = tpu.sem_alloc : memref<!tpu.dma_semaphore, #tpu.memory_space<semaphore_mem>>
          %dma_start3A_42 = arith.constant 0 : i32
          %dma_start3A_43 = arith.constant 0 : i32
          %dma_start3A_44 = tpu.memref_slice %arg4[%while3A_25, %dma_start3A_42, %dma_start3A_43] : memref<64x40x128xi32, #tpu.memory_space<hbm>> -> memref<1x40x128xi32, #tpu.memory_space<hbm>>
          %dma_start3A_45 = tpu.memref_squeeze %dma_start3A_44 : memref<1x40x128xi32, #tpu.memory_space<hbm>> -> memref<40x128xi32, #tpu.memory_space<hbm>>
          %dma_start3A_46 = arith.constant 0 : i32
          %dma_start3A_47 = arith.constant 0 : i32
          %dma_start3A_48 = tpu.memref_slice %arg4[%while3A_25, %dma_start3A_46, %dma_start3A_47] : memref<64x40x128xi32, #tpu.memory_space<hbm>> -> memref<1x40x128xi32, #tpu.memory_space<hbm>>
          %dma_start3A_49 = tpu.memref_squeeze %dma_start3A_48 : memref<1x40x128xi32, #tpu.memory_space<hbm>> -> memref<40x128xi32, #tpu.memory_space<hbm>>
          tpu.enqueue_dma source(%dma_start3A_49 : memref<40x128xi32, #tpu.memory_space<hbm>>) target(%arg8 : memref<40x128xi32, #tpu.memory_space<vmem>>) target_semaphore(%run_scoped3A : memref<!tpu.dma_semaphore, #tpu.memory_space<semaphore_mem>>)
          %dma_wait3A = arith.constant 0 : i32
          %dma_wait3A_50 = arith.constant 0 : i32
          %dma_wait3A_51 = tpu.memref_slice %arg4[%while3A_25, %dma_wait3A, %dma_wait3A_50] : memref<64x40x128xi32, #tpu.memory_space<hbm>> -> memref<1x40x128xi32, #tpu.memory_space<hbm>>
          %dma_wait3A_52 = tpu.memref_squeeze %dma_wait3A_51 : memref<1x40x128xi32, #tpu.memory_space<hbm>> -> memref<40x128xi32, #tpu.memory_space<hbm>>
          %dma_wait3A_53 = arith.constant 0 : i32
          %dma_wait3A_54 = arith.constant 0 : i32
          %dma_wait3A_55 = tpu.memref_slice %arg4[%while3A_25, %dma_wait3A_53, %dma_wait3A_54] : memref<64x40x128xi32, #tpu.memory_space<hbm>> -> memref<1x40x128xi32, #tpu.memory_space<hbm>>
          %dma_wait3A_56 = tpu.memref_squeeze %dma_wait3A_55 : memref<1x40x128xi32, #tpu.memory_space<hbm>> -> memref<40x128xi32, #tpu.memory_space<hbm>>
          tpu.wait_dma2 semaphore(%run_scoped3A : memref<!tpu.dma_semaphore, #tpu.memory_space<semaphore_mem>>) src(%dma_wait3A_56 : memref<40x128xi32, #tpu.memory_space<hbm>>) dst(%arg8 : memref<40x128xi32, #tpu.memory_space<vmem>>)
          tpu.yield
        }) : () -> ()
        %dma_start3A = arith.constant 0 : i32
        %dma_start3A_26 = arith.constant 0 : i32
        %dma_start3A_27 = arith.constant 0 : i32
        %dma_start3A_28 = arith.constant 0 : i32
        %dma_start3A_29 = tpu.memref_slice %arg9[%dma_start3A_26, %dma_start3A_27, %dma_start3A_28] : memref<2x128x128xf32, #tpu.memory_space<vmem>> -> memref<1x128x128xf32, #tpu.memory_space<vmem>>
        %dma_start3A_30 = tpu.memref_squeeze %dma_start3A_29 : memref<1x128x128xf32, #tpu.memory_space<vmem>> -> memref<128x128xf32, #tpu.memory_space<vmem>>
        %dma_start3A_31 = arith.constant 0 : i32
        %dma_start3A_32 = tpu.memref_slice %arg7[%dma_start3A, %dma_start3A_31] : memref<40x128xi32, #tpu.memory_space<vmem>> -> memref<1x128xi32, #tpu.memory_space<vmem>>
        %dma_start3A_33 = tpu.memref_squeeze %dma_start3A_32 : memref<1x128xi32, #tpu.memory_space<vmem>> -> memref<128xi32, #tpu.memory_space<vmem>>
        %dma_start3A_34 = arith.constant 0 : i32
        %dma_start3A_35 = arith.constant 0 : i32
        %dma_start3A_36 = tpu.memref_slice %arg2[%dma_start3A_34, %dma_start3A_35] : memref<10240x128xf32, #tpu.memory_space<hbm>> -> memref<10240x128xf32, #tpu.memory_space<hbm>>
        tpu.enqueue_indirect_dma source(%dma_start3A_36 : memref<10240x128xf32, #tpu.memory_space<hbm>>) target(%dma_start3A_30 : memref<128x128xf32, #tpu.memory_space<vmem>>) offsets(%dma_start3A_33 : memref<128xi32, #tpu.memory_space<vmem>>) semaphore(%arg11 : memref<!tpu.dma_semaphore, #tpu.memory_space<semaphore_mem>>)
        %scan3A = arith.constant 0 : i32
        %scan3A_37 = arith.constant 0 : i32
        %scan3A_38 = arith.constant 20 : i32
        %scan3A_39 = arith.addi %scan3A_37, %scan3A_38 : i32
        %scan3A_40 = arith.constant 1 : i32
        scf.for %scan3A_42 = %scan3A_37 to %scan3A_39 step %scan3A_40  : i32 {
          %mul3A_43 = arith.constant 2 : i32
          %mul3A_44 = arith.muli %scan3A_42, %mul3A_43 : i32
          %add3A_45 = arith.constant 0 : i32
          %add3A_46 = arith.addi %mul3A_44, %add3A_45 : i32
          %add3A_47 = arith.constant 1 : i32
          %add3A_48 = arith.addi %add3A_46, %add3A_47 : i32
          %lt3A = arith.constant 40 : i32
          %lt3A_49 = arith.cmpi slt, %add3A_48, %lt3A : i32
          %convert_element_type3A_50 = arith.extui %lt3A_49 : i1 to i32
          %cond3A_51 = arith.constant 0 : i32
          %cond3A_52 = arith.cmpi ne, %convert_element_type3A_50, %cond3A_51 : i32
          scf.if %cond3A_52 {
            %add3A_86 = arith.constant 1 : i32
            %add3A_87 = arith.addi %add3A_46, %add3A_86 : i32
            %dma_start3A_88 = arith.constant 1 : i32
            %dma_start3A_89 = arith.constant 0 : i32
            %dma_start3A_90 = arith.constant 0 : i32
            %dma_start3A_91 = tpu.memref_slice %arg9[%dma_start3A_88, %dma_start3A_89, %dma_start3A_90] : memref<2x128x128xf32, #tpu.memory_space<vmem>> -> memref<1x128x128xf32, #tpu.memory_space<vmem>>
            %dma_start3A_92 = tpu.memref_squeeze %dma_start3A_91 : memref<1x128x128xf32, #tpu.memory_space<vmem>> -> memref<128x128xf32, #tpu.memory_space<vmem>>
            %dma_start3A_93 = arith.constant 0 : i32
            %dma_start3A_94 = tpu.memref_slice %arg7[%add3A_87, %dma_start3A_93] : memref<40x128xi32, #tpu.memory_space<vmem>> -> memref<1x128xi32, #tpu.memory_space<vmem>>
            %dma_start3A_95 = tpu.memref_squeeze %dma_start3A_94 : memref<1x128xi32, #tpu.memory_space<vmem>> -> memref<128xi32, #tpu.memory_space<vmem>>
            %dma_start3A_96 = arith.constant 0 : i32
            %dma_start3A_97 = arith.constant 0 : i32
            %dma_start3A_98 = tpu.memref_slice %arg2[%dma_start3A_96, %dma_start3A_97] : memref<10240x128xf32, #tpu.memory_space<hbm>> -> memref<10240x128xf32, #tpu.memory_space<hbm>>
            tpu.enqueue_indirect_dma source(%dma_start3A_98 : memref<10240x128xf32, #tpu.memory_space<hbm>>) target(%dma_start3A_92 : memref<128x128xf32, #tpu.memory_space<vmem>>) offsets(%dma_start3A_95 : memref<128xi32, #tpu.memory_space<vmem>>) semaphore(%arg12 : memref<!tpu.dma_semaphore, #tpu.memory_space<semaphore_mem>>)
          } else {
          }
          %dma_wait3A = arith.constant 0 : i32
          %dma_wait3A_53 = arith.constant 0 : i32
          %dma_wait3A_54 = arith.constant 0 : i32
          %dma_wait3A_55 = tpu.memref_slice %arg9[%dma_wait3A, %dma_wait3A_53, %dma_wait3A_54] : memref<2x128x128xf32, #tpu.memory_space<vmem>> -> memref<1x128x128xf32, #tpu.memory_space<vmem>>
          %dma_wait3A_56 = tpu.memref_squeeze %dma_wait3A_55 : memref<1x128x128xf32, #tpu.memory_space<vmem>> -> memref<128x128xf32, #tpu.memory_space<vmem>>
          %dma_wait3A_57 = arith.constant 0 : i32
          %dma_wait3A_58 = tpu.memref_slice %arg7[%add3A_46, %dma_wait3A_57] : memref<40x128xi32, #tpu.memory_space<vmem>> -> memref<1x128xi32, #tpu.memory_space<vmem>>
          %dma_wait3A_59 = tpu.memref_squeeze %dma_wait3A_58 : memref<1x128xi32, #tpu.memory_space<vmem>> -> memref<128xi32, #tpu.memory_space<vmem>>
          %dma_wait3A_60 = arith.constant 0 : i32
          %dma_wait3A_61 = arith.constant 0 : i32
          %dma_wait3A_62 = tpu.memref_slice %arg2[%dma_wait3A_60, %dma_wait3A_61] : memref<10240x128xf32, #tpu.memory_space<hbm>> -> memref<10240x128xf32, #tpu.memory_space<hbm>>
          tpu.wait_indirect_dma semaphore(%arg11 : memref<!tpu.dma_semaphore, #tpu.memory_space<semaphore_mem>>) src(%dma_wait3A_62 : memref<10240x128xf32, #tpu.memory_space<hbm>>) dst(%dma_wait3A_56 : memref<128x128xf32, #tpu.memory_space<vmem>>)
          %run_scoped3A = arith.constant 0 : i32
          "tpu.region"() ({
            %run_scoped3A_86 = tpu.sem_alloc : memref<!tpu.dma_semaphore, #tpu.memory_space<semaphore_mem>>
            %dma_start3A_87 = arith.constant 0 : i32
            %dma_start3A_88 = arith.constant 0 : i32
            %dma_start3A_89 = tpu.memref_slice %arg9[%run_scoped3A, %dma_start3A_87, %dma_start3A_88] : memref<2x128x128xf32, #tpu.memory_space<vmem>> -> memref<1x128x128xf32, #tpu.memory_space<vmem>>
            %dma_start3A_90 = tpu.memref_squeeze %dma_start3A_89 : memref<1x128x128xf32, #tpu.memory_space<vmem>> -> memref<128x128xf32, #tpu.memory_space<vmem>>
            %dma_start3A_91 = arith.constant 0 : i32
            %dma_start3A_92 = tpu.memref_slice %arg8[%add3A_46, %dma_start3A_91] : memref<40x128xi32, #tpu.memory_space<vmem>> -> memref<1x128xi32, #tpu.memory_space<vmem>>
            %dma_start3A_93 = tpu.memref_squeeze %dma_start3A_92 : memref<1x128xi32, #tpu.memory_space<vmem>> -> memref<128xi32, #tpu.memory_space<vmem>>
            %dma_start3A_94 = arith.constant 0 : i32
            %dma_start3A_95 = arith.constant 0 : i32
            %dma_start3A_96 = tpu.memref_slice %arg10[%dma_start3A_94, %dma_start3A_95] : memref<10240x128xf32, #tpu.memory_space<vmem_shared>> -> memref<10240x128xf32, #tpu.memory_space<vmem_shared>>
            tpu.enqueue_indirect_dma source(%dma_start3A_90 : memref<128x128xf32, #tpu.memory_space<vmem>>) target(%dma_start3A_96 : memref<10240x128xf32, #tpu.memory_space<vmem_shared>>) offsets(%dma_start3A_93 : memref<128xi32, #tpu.memory_space<vmem>>) semaphore(%run_scoped3A_86 : memref<!tpu.dma_semaphore, #tpu.memory_space<semaphore_mem>>) {add = true}
            %dma_wait3A_97 = arith.constant 0 : i32
            %dma_wait3A_98 = arith.constant 0 : i32
            %dma_wait3A_99 = tpu.memref_slice %arg9[%run_scoped3A, %dma_wait3A_97, %dma_wait3A_98] : memref<2x128x128xf32, #tpu.memory_space<vmem>> -> memref<1x128x128xf32, #tpu.memory_space<vmem>>
            %dma_wait3A_100 = tpu.memref_squeeze %dma_wait3A_99 : memref<1x128x128xf32, #tpu.memory_space<vmem>> -> memref<128x128xf32, #tpu.memory_space<vmem>>
            %dma_wait3A_101 = arith.constant 0 : i32
            %dma_wait3A_102 = tpu.memref_slice %arg8[%add3A_46, %dma_wait3A_101] : memref<40x128xi32, #tpu.memory_space<vmem>> -> memref<1x128xi32, #tpu.memory_space<vmem>>
            %dma_wait3A_103 = tpu.memref_squeeze %dma_wait3A_102 : memref<1x128xi32, #tpu.memory_space<vmem>> -> memref<128xi32, #tpu.memory_space<vmem>>
            %dma_wait3A_104 = arith.constant 0 : i32
            %dma_wait3A_105 = arith.constant 0 : i32
            %dma_wait3A_106 = tpu.memref_slice %arg10[%dma_wait3A_104, %dma_wait3A_105] : memref<10240x128xf32, #tpu.memory_space<vmem_shared>> -> memref<10240x128xf32, #tpu.memory_space<vmem_shared>>
            tpu.wait_indirect_dma semaphore(%run_scoped3A_86 : memref<!tpu.dma_semaphore, #tpu.memory_space<semaphore_mem>>) src(%dma_wait3A_100 : memref<128x128xf32, #tpu.memory_space<vmem>>) dst(%dma_wait3A_106 : memref<10240x128xf32, #tpu.memory_space<vmem_shared>>)
            tpu.yield
          }) : () -> ()
          %mul3A_63 = arith.constant 2 : i32
          %mul3A_64 = arith.muli %scan3A_42, %mul3A_63 : i32
          %add3A_65 = arith.constant 1 : i32
          %add3A_66 = arith.addi %mul3A_64, %add3A_65 : i32
          %add3A_67 = arith.constant 1 : i32
          %add3A_68 = arith.addi %add3A_66, %add3A_67 : i32
          %lt3A_69 = arith.constant 40 : i32
          %lt3A_70 = arith.cmpi slt, %add3A_68, %lt3A_69 : i32
          %convert_element_type3A_71 = arith.extui %lt3A_70 : i1 to i32
          %cond3A_72 = arith.constant 0 : i32
          %cond3A_73 = arith.cmpi ne, %convert_element_type3A_71, %cond3A_72 : i32
          scf.if %cond3A_73 {
            %add3A_86 = arith.constant 1 : i32
            %add3A_87 = arith.addi %add3A_66, %add3A_86 : i32
            %dma_start3A_88 = arith.constant 0 : i32
            %dma_start3A_89 = arith.constant 0 : i32
            %dma_start3A_90 = arith.constant 0 : i32
            %dma_start3A_91 = tpu.memref_slice %arg9[%dma_start3A_88, %dma_start3A_89, %dma_start3A_90] : memref<2x128x128xf32, #tpu.memory_space<vmem>> -> memref<1x128x128xf32, #tpu.memory_space<vmem>>
            %dma_start3A_92 = tpu.memref_squeeze %dma_start3A_91 : memref<1x128x128xf32, #tpu.memory_space<vmem>> -> memref<128x128xf32, #tpu.memory_space<vmem>>
            %dma_start3A_93 = arith.constant 0 : i32
            %dma_start3A_94 = tpu.memref_slice %arg7[%add3A_87, %dma_start3A_93] : memref<40x128xi32, #tpu.memory_space<vmem>> -> memref<1x128xi32, #tpu.memory_space<vmem>>
            %dma_start3A_95 = tpu.memref_squeeze %dma_start3A_94 : memref<1x128xi32, #tpu.memory_space<vmem>> -> memref<128xi32, #tpu.memory_space<vmem>>
            %dma_start3A_96 = arith.constant 0 : i32
            %dma_start3A_97 = arith.constant 0 : i32
            %dma_start3A_98 = tpu.memref_slice %arg2[%dma_start3A_96, %dma_start3A_97] : memref<10240x128xf32, #tpu.memory_space<hbm>> -> memref<10240x128xf32, #tpu.memory_space<hbm>>
            tpu.enqueue_indirect_dma source(%dma_start3A_98 : memref<10240x128xf32, #tpu.memory_space<hbm>>) target(%dma_start3A_92 : memref<128x128xf32, #tpu.memory_space<vmem>>) offsets(%dma_start3A_95 : memref<128xi32, #tpu.memory_space<vmem>>) semaphore(%arg11 : memref<!tpu.dma_semaphore, #tpu.memory_space<semaphore_mem>>)
          } else {
          }
          %dma_wait3A_74 = arith.constant 1 : i32
          %dma_wait3A_75 = arith.constant 0 : i32
          %dma_wait3A_76 = arith.constant 0 : i32
          %dma_wait3A_77 = tpu.memref_slice %arg9[%dma_wait3A_74, %dma_wait3A_75, %dma_wait3A_76] : memref<2x128x128xf32, #tpu.memory_space<vmem>> -> memref<1x128x128xf32, #tpu.memory_space<vmem>>
          %dma_wait3A_78 = tpu.memref_squeeze %dma_wait3A_77 : memref<1x128x128xf32, #tpu.memory_space<vmem>> -> memref<128x128xf32, #tpu.memory_space<vmem>>
          %dma_wait3A_79 = arith.constant 0 : i32
          %dma_wait3A_80 = tpu.memref_slice %arg7[%add3A_66, %dma_wait3A_79] : memref<40x128xi32, #tpu.memory_space<vmem>> -> memref<1x128xi32, #tpu.memory_space<vmem>>
          %dma_wait3A_81 = tpu.memref_squeeze %dma_wait3A_80 : memref<1x128xi32, #tpu.memory_space<vmem>> -> memref<128xi32, #tpu.memory_space<vmem>>
          %dma_wait3A_82 = arith.constant 0 : i32
          %dma_wait3A_83 = arith.constant 0 : i32
          %dma_wait3A_84 = tpu.memref_slice %arg2[%dma_wait3A_82, %dma_wait3A_83] : memref<10240x128xf32, #tpu.memory_space<hbm>> -> memref<10240x128xf32, #tpu.memory_space<hbm>>
          tpu.wait_indirect_dma semaphore(%arg12 : memref<!tpu.dma_semaphore, #tpu.memory_space<semaphore_mem>>) src(%dma_wait3A_84 : memref<10240x128xf32, #tpu.memory_space<hbm>>) dst(%dma_wait3A_78 : memref<128x128xf32, #tpu.memory_space<vmem>>)
          %run_scoped3A_85 = arith.constant 1 : i32
          "tpu.region"() ({
            %run_scoped3A_86 = tpu.sem_alloc : memref<!tpu.dma_semaphore, #tpu.memory_space<semaphore_mem>>
            %dma_start3A_87 = arith.constant 0 : i32
            %dma_start3A_88 = arith.constant 0 : i32
            %dma_start3A_89 = tpu.memref_slice %arg9[%run_scoped3A_85, %dma_start3A_87, %dma_start3A_88] : memref<2x128x128xf32, #tpu.memory_space<vmem>> -> memref<1x128x128xf32, #tpu.memory_space<vmem>>
            %dma_start3A_90 = tpu.memref_squeeze %dma_start3A_89 : memref<1x128x128xf32, #tpu.memory_space<vmem>> -> memref<128x128xf32, #tpu.memory_space<vmem>>
            %dma_start3A_91 = arith.constant 0 : i32
            %dma_start3A_92 = tpu.memref_slice %arg8[%add3A_66, %dma_start3A_91] : memref<40x128xi32, #tpu.memory_space<vmem>> -> memref<1x128xi32, #tpu.memory_space<vmem>>
            %dma_start3A_93 = tpu.memref_squeeze %dma_start3A_92 : memref<1x128xi32, #tpu.memory_space<vmem>> -> memref<128xi32, #tpu.memory_space<vmem>>
            %dma_start3A_94 = arith.constant 0 : i32
            %dma_start3A_95 = arith.constant 0 : i32
            %dma_start3A_96 = tpu.memref_slice %arg10[%dma_start3A_94, %dma_start3A_95] : memref<10240x128xf32, #tpu.memory_space<vmem_shared>> -> memref<10240x128xf32, #tpu.memory_space<vmem_shared>>
            tpu.enqueue_indirect_dma source(%dma_start3A_90 : memref<128x128xf32, #tpu.memory_space<vmem>>) target(%dma_start3A_96 : memref<10240x128xf32, #tpu.memory_space<vmem_shared>>) offsets(%dma_start3A_93 : memref<128xi32, #tpu.memory_space<vmem>>) semaphore(%run_scoped3A_86 : memref<!tpu.dma_semaphore, #tpu.memory_space<semaphore_mem>>) {add = true}
            %dma_wait3A_97 = arith.constant 0 : i32
            %dma_wait3A_98 = arith.constant 0 : i32
            %dma_wait3A_99 = tpu.memref_slice %arg9[%run_scoped3A_85, %dma_wait3A_97, %dma_wait3A_98] : memref<2x128x128xf32, #tpu.memory_space<vmem>> -> memref<1x128x128xf32, #tpu.memory_space<vmem>>
            %dma_wait3A_100 = tpu.memref_squeeze %dma_wait3A_99 : memref<1x128x128xf32, #tpu.memory_space<vmem>> -> memref<128x128xf32, #tpu.memory_space<vmem>>
            %dma_wait3A_101 = arith.constant 0 : i32
            %dma_wait3A_102 = tpu.memref_slice %arg8[%add3A_66, %dma_wait3A_101] : memref<40x128xi32, #tpu.memory_space<vmem>> -> memref<1x128xi32, #tpu.memory_space<vmem>>
            %dma_wait3A_103 = tpu.memref_squeeze %dma_wait3A_102 : memref<1x128xi32, #tpu.memory_space<vmem>> -> memref<128xi32, #tpu.memory_space<vmem>>
            %dma_wait3A_104 = arith.constant 0 : i32
            %dma_wait3A_105 = arith.constant 0 : i32
            %dma_wait3A_106 = tpu.memref_slice %arg10[%dma_wait3A_104, %dma_wait3A_105] : memref<10240x128xf32, #tpu.memory_space<vmem_shared>> -> memref<10240x128xf32, #tpu.memory_space<vmem_shared>>
            tpu.wait_indirect_dma semaphore(%run_scoped3A_86 : memref<!tpu.dma_semaphore, #tpu.memory_space<semaphore_mem>>) src(%dma_wait3A_100 : memref<128x128xf32, #tpu.memory_space<vmem>>) dst(%dma_wait3A_106 : memref<10240x128xf32, #tpu.memory_space<vmem_shared>>)
            tpu.yield
          }) : () -> ()
        }
        %scan3A_41 = arith.constant 20 : i32
      }
      %while3A_24 = arith.constant 1 : i32
      scf.for %while3A_25 = %while3A_22 to %while3A_18 step %while3A_24  : i32 {
        "tpu.region"() ({
          %run_scoped3A = tpu.sem_alloc : memref<!tpu.dma_semaphore, #tpu.memory_space<semaphore_mem>>
          %dma_start3A_42 = arith.constant 0 : i32
          %dma_start3A_43 = arith.constant 0 : i32
          %dma_start3A_44 = tpu.memref_slice %arg3[%while3A_25, %dma_start3A_42, %dma_start3A_43] : memref<64x40x128xi32, #tpu.memory_space<hbm>> -> memref<1x40x128xi32, #tpu.memory_space<hbm>>
          %dma_start3A_45 = tpu.memref_squeeze %dma_start3A_44 : memref<1x40x128xi32, #tpu.memory_space<hbm>> -> memref<40x128xi32, #tpu.memory_space<hbm>>
          %dma_start3A_46 = arith.constant 0 : i32
          %dma_start3A_47 = arith.constant 0 : i32
          %dma_start3A_48 = tpu.memref_slice %arg3[%while3A_25, %dma_start3A_46, %dma_start3A_47] : memref<64x40x128xi32, #tpu.memory_space<hbm>> -> memref<1x40x128xi32, #tpu.memory_space<hbm>>
          %dma_start3A_49 = tpu.memref_squeeze %dma_start3A_48 : memref<1x40x128xi32, #tpu.memory_space<hbm>> -> memref<40x128xi32, #tpu.memory_space<hbm>>
          tpu.enqueue_dma source(%dma_start3A_49 : memref<40x128xi32, #tpu.memory_space<hbm>>) target(%arg7 : memref<40x128xi32, #tpu.memory_space<vmem>>) target_semaphore(%run_scoped3A : memref<!tpu.dma_semaphore, #tpu.memory_space<semaphore_mem>>)
          %dma_wait3A = arith.constant 0 : i32
          %dma_wait3A_50 = arith.constant 0 : i32
          %dma_wait3A_51 = tpu.memref_slice %arg3[%while3A_25, %dma_wait3A, %dma_wait3A_50] : memref<64x40x128xi32, #tpu.memory_space<hbm>> -> memref<1x40x128xi32, #tpu.memory_space<hbm>>
          %dma_wait3A_52 = tpu.memref_squeeze %dma_wait3A_51 : memref<1x40x128xi32, #tpu.memory_space<hbm>> -> memref<40x128xi32, #tpu.memory_space<hbm>>
          %dma_wait3A_53 = arith.constant 0 : i32
          %dma_wait3A_54 = arith.constant 0 : i32
          %dma_wait3A_55 = tpu.memref_slice %arg3[%while3A_25, %dma_wait3A_53, %dma_wait3A_54] : memref<64x40x128xi32, #tpu.memory_space<hbm>> -> memref<1x40x128xi32, #tpu.memory_space<hbm>>
          %dma_wait3A_56 = tpu.memref_squeeze %dma_wait3A_55 : memref<1x40x128xi32, #tpu.memory_space<hbm>> -> memref<40x128xi32, #tpu.memory_space<hbm>>
          tpu.wait_dma2 semaphore(%run_scoped3A : memref<!tpu.dma_semaphore, #tpu.memory_space<semaphore_mem>>) src(%dma_wait3A_56 : memref<40x128xi32, #tpu.memory_space<hbm>>) dst(%arg7 : memref<40x128xi32, #tpu.memory_space<vmem>>)
          tpu.yield
        }) : () -> ()
        "tpu.region"() ({
          %run_scoped3A = tpu.sem_alloc : memref<!tpu.dma_semaphore, #tpu.memory_space<semaphore_mem>>
          %dma_start3A_42 = arith.constant 0 : i32
          %dma_start3A_43 = arith.constant 0 : i32
          %dma_start3A_44 = tpu.memref_slice %arg4[%while3A_25, %dma_start3A_42, %dma_start3A_43] : memref<64x40x128xi32, #tpu.memory_space<hbm>> -> memref<1x40x128xi32, #tpu.memory_space<hbm>>
          %dma_start3A_45 = tpu.memref_squeeze %dma_start3A_44 : memref<1x40x128xi32, #tpu.memory_space<hbm>> -> memref<40x128xi32, #tpu.memory_space<hbm>>
          %dma_start3A_46 = arith.constant 0 : i32
          %dma_start3A_47 = arith.constant 0 : i32
          %dma_start3A_48 = tpu.memref_slice %arg4[%while3A_25, %dma_start3A_46, %dma_start3A_47] : memref<64x40x128xi32, #tpu.memory_space<hbm>> -> memref<1x40x128xi32, #tpu.memory_space<hbm>>
          %dma_start3A_49 = tpu.memref_squeeze %dma_start3A_48 : memref<1x40x128xi32, #tpu.memory_space<hbm>> -> memref<40x128xi32, #tpu.memory_space<hbm>>
          tpu.enqueue_dma source(%dma_start3A_49 : memref<40x128xi32, #tpu.memory_space<hbm>>) target(%arg8 : memref<40x128xi32, #tpu.memory_space<vmem>>) target_semaphore(%run_scoped3A : memref<!tpu.dma_semaphore, #tpu.memory_space<semaphore_mem>>)
          %dma_wait3A = arith.constant 0 : i32
          %dma_wait3A_50 = arith.constant 0 : i32
          %dma_wait3A_51 = tpu.memref_slice %arg4[%while3A_25, %dma_wait3A, %dma_wait3A_50] : memref<64x40x128xi32, #tpu.memory_space<hbm>> -> memref<1x40x128xi32, #tpu.memory_space<hbm>>
          %dma_wait3A_52 = tpu.memref_squeeze %dma_wait3A_51 : memref<1x40x128xi32, #tpu.memory_space<hbm>> -> memref<40x128xi32, #tpu.memory_space<hbm>>
          %dma_wait3A_53 = arith.constant 0 : i32
          %dma_wait3A_54 = arith.constant 0 : i32
          %dma_wait3A_55 = tpu.memref_slice %arg4[%while3A_25, %dma_wait3A_53, %dma_wait3A_54] : memref<64x40x128xi32, #tpu.memory_space<hbm>> -> memref<1x40x128xi32, #tpu.memory_space<hbm>>
          %dma_wait3A_56 = tpu.memref_squeeze %dma_wait3A_55 : memref<1x40x128xi32, #tpu.memory_space<hbm>> -> memref<40x128xi32, #tpu.memory_space<hbm>>
          tpu.wait_dma2 semaphore(%run_scoped3A : memref<!tpu.dma_semaphore, #tpu.memory_space<semaphore_mem>>) src(%dma_wait3A_56 : memref<40x128xi32, #tpu.memory_space<hbm>>) dst(%arg8 : memref<40x128xi32, #tpu.memory_space<vmem>>)
          tpu.yield
        }) : () -> ()
        %dma_start3A = arith.constant 0 : i32
        %dma_start3A_26 = arith.constant 0 : i32
        %dma_start3A_27 = arith.constant 0 : i32
        %dma_start3A_28 = arith.constant 0 : i32
        %dma_start3A_29 = tpu.memref_slice %arg9[%dma_start3A_26, %dma_start3A_27, %dma_start3A_28] : memref<2x128x128xf32, #tpu.memory_space<vmem>> -> memref<1x128x128xf32, #tpu.memory_space<vmem>>
        %dma_start3A_30 = tpu.memref_squeeze %dma_start3A_29 : memref<1x128x128xf32, #tpu.memory_space<vmem>> -> memref<128x128xf32, #tpu.memory_space<vmem>>
        %dma_start3A_31 = arith.constant 0 : i32
        %dma_start3A_32 = tpu.memref_slice %arg7[%dma_start3A, %dma_start3A_31] : memref<40x128xi32, #tpu.memory_space<vmem>> -> memref<1x128xi32, #tpu.memory_space<vmem>>
        %dma_start3A_33 = tpu.memref_squeeze %dma_start3A_32 : memref<1x128xi32, #tpu.memory_space<vmem>> -> memref<128xi32, #tpu.memory_space<vmem>>
        %dma_start3A_34 = arith.constant 0 : i32
        %dma_start3A_35 = arith.constant 0 : i32
        %dma_start3A_36 = tpu.memref_slice %arg2[%dma_start3A_34, %dma_start3A_35] : memref<10240x128xf32, #tpu.memory_space<hbm>> -> memref<10240x128xf32, #tpu.memory_space<hbm>>
        tpu.enqueue_indirect_dma source(%dma_start3A_36 : memref<10240x128xf32, #tpu.memory_space<hbm>>) target(%dma_start3A_30 : memref<128x128xf32, #tpu.memory_space<vmem>>) offsets(%dma_start3A_33 : memref<128xi32, #tpu.memory_space<vmem>>) semaphore(%arg11 : memref<!tpu.dma_semaphore, #tpu.memory_space<semaphore_mem>>)
        %scan3A = arith.constant 0 : i32
        %scan3A_37 = arith.constant 0 : i32
        %scan3A_38 = arith.constant 20 : i32
        %scan3A_39 = arith.addi %scan3A_37, %scan3A_38 : i32
        %scan3A_40 = arith.constant 1 : i32
        scf.for %scan3A_42 = %scan3A_37 to %scan3A_39 step %scan3A_40  : i32 {
          %mul3A_43 = arith.constant 2 : i32
          %mul3A_44 = arith.muli %scan3A_42, %mul3A_43 : i32
          %add3A_45 = arith.constant 0 : i32
          %add3A_46 = arith.addi %mul3A_44, %add3A_45 : i32
          %add3A_47 = arith.constant 1 : i32
          %add3A_48 = arith.addi %add3A_46, %add3A_47 : i32
          %lt3A = arith.constant 40 : i32
          %lt3A_49 = arith.cmpi slt, %add3A_48, %lt3A : i32
          %convert_element_type3A_50 = arith.extui %lt3A_49 : i1 to i32
          %cond3A_51 = arith.constant 0 : i32
          %cond3A_52 = arith.cmpi ne, %convert_element_type3A_50, %cond3A_51 : i32
          scf.if %cond3A_52 {
            %add3A_86 = arith.constant 1 : i32
            %add3A_87 = arith.addi %add3A_46, %add3A_86 : i32
            %dma_start3A_88 = arith.constant 1 : i32
            %dma_start3A_89 = arith.constant 0 : i32
            %dma_start3A_90 = arith.constant 0 : i32
            %dma_start3A_91 = tpu.memref_slice %arg9[%dma_start3A_88, %dma_start3A_89, %dma_start3A_90] : memref<2x128x128xf32, #tpu.memory_space<vmem>> -> memref<1x128x128xf32, #tpu.memory_space<vmem>>
            %dma_start3A_92 = tpu.memref_squeeze %dma_start3A_91 : memref<1x128x128xf32, #tpu.memory_space<vmem>> -> memref<128x128xf32, #tpu.memory_space<vmem>>
            %dma_start3A_93 = arith.constant 0 : i32
            %dma_start3A_94 = tpu.memref_slice %arg7[%add3A_87, %dma_start3A_93] : memref<40x128xi32, #tpu.memory_space<vmem>> -> memref<1x128xi32, #tpu.memory_space<vmem>>
            %dma_start3A_95 = tpu.memref_squeeze %dma_start3A_94 : memref<1x128xi32, #tpu.memory_space<vmem>> -> memref<128xi32, #tpu.memory_space<vmem>>
            %dma_start3A_96 = arith.constant 0 : i32
            %dma_start3A_97 = arith.constant 0 : i32
            %dma_start3A_98 = tpu.memref_slice %arg2[%dma_start3A_96, %dma_start3A_97] : memref<10240x128xf32, #tpu.memory_space<hbm>> -> memref<10240x128xf32, #tpu.memory_space<hbm>>
            tpu.enqueue_indirect_dma source(%dma_start3A_98 : memref<10240x128xf32, #tpu.memory_space<hbm>>) target(%dma_start3A_92 : memref<128x128xf32, #tpu.memory_space<vmem>>) offsets(%dma_start3A_95 : memref<128xi32, #tpu.memory_space<vmem>>) semaphore(%arg12 : memref<!tpu.dma_semaphore, #tpu.memory_space<semaphore_mem>>)
          } else {
          }
          %dma_wait3A = arith.constant 0 : i32
          %dma_wait3A_53 = arith.constant 0 : i32
          %dma_wait3A_54 = arith.constant 0 : i32
          %dma_wait3A_55 = tpu.memref_slice %arg9[%dma_wait3A, %dma_wait3A_53, %dma_wait3A_54] : memref<2x128x128xf32, #tpu.memory_space<vmem>> -> memref<1x128x128xf32, #tpu.memory_space<vmem>>
          %dma_wait3A_56 = tpu.memref_squeeze %dma_wait3A_55 : memref<1x128x128xf32, #tpu.memory_space<vmem>> -> memref<128x128xf32, #tpu.memory_space<vmem>>
          %dma_wait3A_57 = arith.constant 0 : i32
          %dma_wait3A_58 = tpu.memref_slice %arg7[%add3A_46, %dma_wait3A_57] : memref<40x128xi32, #tpu.memory_space<vmem>> -> memref<1x128xi32, #tpu.memory_space<vmem>>
          %dma_wait3A_59 = tpu.memref_squeeze %dma_wait3A_58 : memref<1x128xi32, #tpu.memory_space<vmem>> -> memref<128xi32, #tpu.memory_space<vmem>>
          %dma_wait3A_60 = arith.constant 0 : i32
          %dma_wait3A_61 = arith.constant 0 : i32
          %dma_wait3A_62 = tpu.memref_slice %arg2[%dma_wait3A_60, %dma_wait3A_61] : memref<10240x128xf32, #tpu.memory_space<hbm>> -> memref<10240x128xf32, #tpu.memory_space<hbm>>
          tpu.wait_indirect_dma semaphore(%arg11 : memref<!tpu.dma_semaphore, #tpu.memory_space<semaphore_mem>>) src(%dma_wait3A_62 : memref<10240x128xf32, #tpu.memory_space<hbm>>) dst(%dma_wait3A_56 : memref<128x128xf32, #tpu.memory_space<vmem>>)
          %run_scoped3A = arith.constant 0 : i32
          "tpu.region"() ({
            %run_scoped3A_86 = tpu.sem_alloc : memref<!tpu.dma_semaphore, #tpu.memory_space<semaphore_mem>>
            %dma_start3A_87 = arith.constant 0 : i32
            %dma_start3A_88 = arith.constant 0 : i32
            %dma_start3A_89 = tpu.memref_slice %arg9[%run_scoped3A, %dma_start3A_87, %dma_start3A_88] : memref<2x128x128xf32, #tpu.memory_space<vmem>> -> memref<1x128x128xf32, #tpu.memory_space<vmem>>
            %dma_start3A_90 = tpu.memref_squeeze %dma_start3A_89 : memref<1x128x128xf32, #tpu.memory_space<vmem>> -> memref<128x128xf32, #tpu.memory_space<vmem>>
            %dma_start3A_91 = arith.constant 0 : i32
            %dma_start3A_92 = tpu.memref_slice %arg8[%add3A_46, %dma_start3A_91] : memref<40x128xi32, #tpu.memory_space<vmem>> -> memref<1x128xi32, #tpu.memory_space<vmem>>
            %dma_start3A_93 = tpu.memref_squeeze %dma_start3A_92 : memref<1x128xi32, #tpu.memory_space<vmem>> -> memref<128xi32, #tpu.memory_space<vmem>>
            %dma_start3A_94 = arith.constant 0 : i32
            %dma_start3A_95 = arith.constant 0 : i32
            %dma_start3A_96 = tpu.memref_slice %arg10[%dma_start3A_94, %dma_start3A_95] : memref<10240x128xf32, #tpu.memory_space<vmem_shared>> -> memref<10240x128xf32, #tpu.memory_space<vmem_shared>>
            tpu.enqueue_indirect_dma source(%dma_start3A_90 : memref<128x128xf32, #tpu.memory_space<vmem>>) target(%dma_start3A_96 : memref<10240x128xf32, #tpu.memory_space<vmem_shared>>) offsets(%dma_start3A_93 : memref<128xi32, #tpu.memory_space<vmem>>) semaphore(%run_scoped3A_86 : memref<!tpu.dma_semaphore, #tpu.memory_space<semaphore_mem>>) {add = true}
            %dma_wait3A_97 = arith.constant 0 : i32
            %dma_wait3A_98 = arith.constant 0 : i32
            %dma_wait3A_99 = tpu.memref_slice %arg9[%run_scoped3A, %dma_wait3A_97, %dma_wait3A_98] : memref<2x128x128xf32, #tpu.memory_space<vmem>> -> memref<1x128x128xf32, #tpu.memory_space<vmem>>
            %dma_wait3A_100 = tpu.memref_squeeze %dma_wait3A_99 : memref<1x128x128xf32, #tpu.memory_space<vmem>> -> memref<128x128xf32, #tpu.memory_space<vmem>>
            %dma_wait3A_101 = arith.constant 0 : i32
            %dma_wait3A_102 = tpu.memref_slice %arg8[%add3A_46, %dma_wait3A_101] : memref<40x128xi32, #tpu.memory_space<vmem>> -> memref<1x128xi32, #tpu.memory_space<vmem>>
            %dma_wait3A_103 = tpu.memref_squeeze %dma_wait3A_102 : memref<1x128xi32, #tpu.memory_space<vmem>> -> memref<128xi32, #tpu.memory_space<vmem>>
            %dma_wait3A_104 = arith.constant 0 : i32
            %dma_wait3A_105 = arith.constant 0 : i32
            %dma_wait3A_106 = tpu.memref_slice %arg10[%dma_wait3A_104, %dma_wait3A_105] : memref<10240x128xf32, #tpu.memory_space<vmem_shared>> -> memref<10240x128xf32, #tpu.memory_space<vmem_shared>>
            tpu.wait_indirect_dma semaphore(%run_scoped3A_86 : memref<!tpu.dma_semaphore, #tpu.memory_space<semaphore_mem>>) src(%dma_wait3A_100 : memref<128x128xf32, #tpu.memory_space<vmem>>) dst(%dma_wait3A_106 : memref<10240x128xf32, #tpu.memory_space<vmem_shared>>)
            tpu.yield
          }) : () -> ()
          %mul3A_63 = arith.constant 2 : i32
          %mul3A_64 = arith.muli %scan3A_42, %mul3A_63 : i32
          %add3A_65 = arith.constant 1 : i32
          %add3A_66 = arith.addi %mul3A_64, %add3A_65 : i32
          %add3A_67 = arith.constant 1 : i32
          %add3A_68 = arith.addi %add3A_66, %add3A_67 : i32
          %lt3A_69 = arith.constant 40 : i32
          %lt3A_70 = arith.cmpi slt, %add3A_68, %lt3A_69 : i32
          %convert_element_type3A_71 = arith.extui %lt3A_70 : i1 to i32
          %cond3A_72 = arith.constant 0 : i32
          %cond3A_73 = arith.cmpi ne, %convert_element_type3A_71, %cond3A_72 : i32
          scf.if %cond3A_73 {
            %add3A_86 = arith.constant 1 : i32
            %add3A_87 = arith.addi %add3A_66, %add3A_86 : i32
            %dma_start3A_88 = arith.constant 0 : i32
            %dma_start3A_89 = arith.constant 0 : i32
            %dma_start3A_90 = arith.constant 0 : i32
            %dma_start3A_91 = tpu.memref_slice %arg9[%dma_start3A_88, %dma_start3A_89, %dma_start3A_90] : memref<2x128x128xf32, #tpu.memory_space<vmem>> -> memref<1x128x128xf32, #tpu.memory_space<vmem>>
            %dma_start3A_92 = tpu.memref_squeeze %dma_start3A_91 : memref<1x128x128xf32, #tpu.memory_space<vmem>> -> memref<128x128xf32, #tpu.memory_space<vmem>>
            %dma_start3A_93 = arith.constant 0 : i32
            %dma_start3A_94 = tpu.memref_slice %arg7[%add3A_87, %dma_start3A_93] : memref<40x128xi32, #tpu.memory_space<vmem>> -> memref<1x128xi32, #tpu.memory_space<vmem>>
            %dma_start3A_95 = tpu.memref_squeeze %dma_start3A_94 : memref<1x128xi32, #tpu.memory_space<vmem>> -> memref<128xi32, #tpu.memory_space<vmem>>
            %dma_start3A_96 = arith.constant 0 : i32
            %dma_start3A_97 = arith.constant 0 : i32
            %dma_start3A_98 = tpu.memref_slice %arg2[%dma_start3A_96, %dma_start3A_97] : memref<10240x128xf32, #tpu.memory_space<hbm>> -> memref<10240x128xf32, #tpu.memory_space<hbm>>
            tpu.enqueue_indirect_dma source(%dma_start3A_98 : memref<10240x128xf32, #tpu.memory_space<hbm>>) target(%dma_start3A_92 : memref<128x128xf32, #tpu.memory_space<vmem>>) offsets(%dma_start3A_95 : memref<128xi32, #tpu.memory_space<vmem>>) semaphore(%arg11 : memref<!tpu.dma_semaphore, #tpu.memory_space<semaphore_mem>>)
          } else {
          }
          %dma_wait3A_74 = arith.constant 1 : i32
          %dma_wait3A_75 = arith.constant 0 : i32
          %dma_wait3A_76 = arith.constant 0 : i32
          %dma_wait3A_77 = tpu.memref_slice %arg9[%dma_wait3A_74, %dma_wait3A_75, %dma_wait3A_76] : memref<2x128x128xf32, #tpu.memory_space<vmem>> -> memref<1x128x128xf32, #tpu.memory_space<vmem>>
          %dma_wait3A_78 = tpu.memref_squeeze %dma_wait3A_77 : memref<1x128x128xf32, #tpu.memory_space<vmem>> -> memref<128x128xf32, #tpu.memory_space<vmem>>
          %dma_wait3A_79 = arith.constant 0 : i32
          %dma_wait3A_80 = tpu.memref_slice %arg7[%add3A_66, %dma_wait3A_79] : memref<40x128xi32, #tpu.memory_space<vmem>> -> memref<1x128xi32, #tpu.memory_space<vmem>>
          %dma_wait3A_81 = tpu.memref_squeeze %dma_wait3A_80 : memref<1x128xi32, #tpu.memory_space<vmem>> -> memref<128xi32, #tpu.memory_space<vmem>>
          %dma_wait3A_82 = arith.constant 0 : i32
          %dma_wait3A_83 = arith.constant 0 : i32
          %dma_wait3A_84 = tpu.memref_slice %arg2[%dma_wait3A_82, %dma_wait3A_83] : memref<10240x128xf32, #tpu.memory_space<hbm>> -> memref<10240x128xf32, #tpu.memory_space<hbm>>
          tpu.wait_indirect_dma semaphore(%arg12 : memref<!tpu.dma_semaphore, #tpu.memory_space<semaphore_mem>>) src(%dma_wait3A_84 : memref<10240x128xf32, #tpu.memory_space<hbm>>) dst(%dma_wait3A_78 : memref<128x128xf32, #tpu.memory_space<vmem>>)
          %run_scoped3A_85 = arith.constant 1 : i32
          "tpu.region"() ({
            %run_scoped3A_86 = tpu.sem_alloc : memref<!tpu.dma_semaphore, #tpu.memory_space<semaphore_mem>>
            %dma_start3A_87 = arith.constant 0 : i32
            %dma_start3A_88 = arith.constant 0 : i32
            %dma_start3A_89 = tpu.memref_slice %arg9[%run_scoped3A_85, %dma_start3A_87, %dma_start3A_88] : memref<2x128x128xf32, #tpu.memory_space<vmem>> -> memref<1x128x128xf32, #tpu.memory_space<vmem>>
            %dma_start3A_90 = tpu.memref_squeeze %dma_start3A_89 : memref<1x128x128xf32, #tpu.memory_space<vmem>> -> memref<128x128xf32, #tpu.memory_space<vmem>>
            %dma_start3A_91 = arith.constant 0 : i32
            %dma_start3A_92 = tpu.memref_slice %arg8[%add3A_66, %dma_start3A_91] : memref<40x128xi32, #tpu.memory_space<vmem>> -> memref<1x128xi32, #tpu.memory_space<vmem>>
            %dma_start3A_93 = tpu.memref_squeeze %dma_start3A_92 : memref<1x128xi32, #tpu.memory_space<vmem>> -> memref<128xi32, #tpu.memory_space<vmem>>
            %dma_start3A_94 = arith.constant 0 : i32
            %dma_start3A_95 = arith.constant 0 : i32
            %dma_start3A_96 = tpu.memref_slice %arg10[%dma_start3A_94, %dma_start3A_95] : memref<10240x128xf32, #tpu.memory_space<vmem_shared>> -> memref<10240x128xf32, #tpu.memory_space<vmem_shared>>
            tpu.enqueue_indirect_dma source(%dma_start3A_90 : memref<128x128xf32, #tpu.memory_space<vmem>>) target(%dma_start3A_96 : memref<10240x128xf32, #tpu.memory_space<vmem_shared>>) offsets(%dma_start3A_93 : memref<128xi32, #tpu.memory_space<vmem>>) semaphore(%run_scoped3A_86 : memref<!tpu.dma_semaphore, #tpu.memory_space<semaphore_mem>>) {add = true}
            %dma_wait3A_97 = arith.constant 0 : i32
            %dma_wait3A_98 = arith.constant 0 : i32
            %dma_wait3A_99 = tpu.memref_slice %arg9[%run_scoped3A_85, %dma_wait3A_97, %dma_wait3A_98] : memref<2x128x128xf32, #tpu.memory_space<vmem>> -> memref<1x128x128xf32, #tpu.memory_space<vmem>>
            %dma_wait3A_100 = tpu.memref_squeeze %dma_wait3A_99 : memref<1x128x128xf32, #tpu.memory_space<vmem>> -> memref<128x128xf32, #tpu.memory_space<vmem>>
            %dma_wait3A_101 = arith.constant 0 : i32
            %dma_wait3A_102 = tpu.memref_slice %arg8[%add3A_66, %dma_wait3A_101] : memref<40x128xi32, #tpu.memory_space<vmem>> -> memref<1x128xi32, #tpu.memory_space<vmem>>
            %dma_wait3A_103 = tpu.memref_squeeze %dma_wait3A_102 : memref<1x128xi32, #tpu.memory_space<vmem>> -> memref<128xi32, #tpu.memory_space<vmem>>
            %dma_wait3A_104 = arith.constant 0 : i32
            %dma_wait3A_105 = arith.constant 0 : i32
            %dma_wait3A_106 = tpu.memref_slice %arg10[%dma_wait3A_104, %dma_wait3A_105] : memref<10240x128xf32, #tpu.memory_space<vmem_shared>> -> memref<10240x128xf32, #tpu.memory_space<vmem_shared>>
            tpu.wait_indirect_dma semaphore(%run_scoped3A_86 : memref<!tpu.dma_semaphore, #tpu.memory_space<semaphore_mem>>) src(%dma_wait3A_100 : memref<128x128xf32, #tpu.memory_space<vmem>>) dst(%dma_wait3A_106 : memref<10240x128xf32, #tpu.memory_space<vmem_shared>>)
            tpu.yield
          }) : () -> ()
        }
        %scan3A_41 = arith.constant 20 : i32
      }
    } else {
    }
    %eq3A_5 = arith.constant 1 : i32
    %eq3A_6 = arith.cmpi eq, %arg0, %eq3A_5 : i32
    %convert_element_type3A_7 = arith.extui %eq3A_6 : i1 to i32
    %cond3A_8 = arith.constant 0 : i32
    %cond3A_9 = arith.cmpi ne, %convert_element_type3A_7, %cond3A_8 : i32
    scf.if %cond3A_9 {
      %mul3A_11 = arith.constant 2 : i32
      %mul3A_12 = arith.muli %arg1, %mul3A_11 : i32
      %add3A_13 = arith.constant 32 : i32
      %add3A_14 = arith.addi %add3A_13, %mul3A_12 : i32
      %add3A_15 = arith.constant 2 : i32
      %add3A_16 = arith.addi %add3A_14, %add3A_15 : i32
      %while3A = arith.constant 0 : i32
      %while3A_17 = arith.subi %add3A_16, %add3A_14 : i32
      %while3A_18 = arith.addi %add3A_14, %while3A_17 : i32
      %while3A_19 = arith.constant 1 : i32
      %while3A_20 = arith.divsi %while3A_17, %while3A_19 : i32
      %while3A_21 = arith.muli %while3A_20, %while3A_19 : i32
      %while3A_22 = arith.addi %add3A_14, %while3A_21 : i32
      %while3A_23 = arith.constant 1 : i32
      scf.for %while3A_25 = %add3A_14 to %while3A_22 step %while3A_23  : i32 {
        "tpu.region"() ({
          %run_scoped3A = tpu.sem_alloc : memref<!tpu.dma_semaphore, #tpu.memory_space<semaphore_mem>>
          %dma_start3A_42 = arith.constant 0 : i32
          %dma_start3A_43 = arith.constant 0 : i32
          %dma_start3A_44 = tpu.memref_slice %arg3[%while3A_25, %dma_start3A_42, %dma_start3A_43] : memref<64x40x128xi32, #tpu.memory_space<hbm>> -> memref<1x40x128xi32, #tpu.memory_space<hbm>>
          %dma_start3A_45 = tpu.memref_squeeze %dma_start3A_44 : memref<1x40x128xi32, #tpu.memory_space<hbm>> -> memref<40x128xi32, #tpu.memory_space<hbm>>
          %dma_start3A_46 = arith.constant 0 : i32
          %dma_start3A_47 = arith.constant 0 : i32
          %dma_start3A_48 = tpu.memref_slice %arg3[%while3A_25, %dma_start3A_46, %dma_start3A_47] : memref<64x40x128xi32, #tpu.memory_space<hbm>> -> memref<1x40x128xi32, #tpu.memory_space<hbm>>
          %dma_start3A_49 = tpu.memref_squeeze %dma_start3A_48 : memref<1x40x128xi32, #tpu.memory_space<hbm>> -> memref<40x128xi32, #tpu.memory_space<hbm>>
          tpu.enqueue_dma source(%dma_start3A_49 : memref<40x128xi32, #tpu.memory_space<hbm>>) target(%arg7 : memref<40x128xi32, #tpu.memory_space<vmem>>) target_semaphore(%run_scoped3A : memref<!tpu.dma_semaphore, #tpu.memory_space<semaphore_mem>>)
          %dma_wait3A = arith.constant 0 : i32
          %dma_wait3A_50 = arith.constant 0 : i32
          %dma_wait3A_51 = tpu.memref_slice %arg3[%while3A_25, %dma_wait3A, %dma_wait3A_50] : memref<64x40x128xi32, #tpu.memory_space<hbm>> -> memref<1x40x128xi32, #tpu.memory_space<hbm>>
          %dma_wait3A_52 = tpu.memref_squeeze %dma_wait3A_51 : memref<1x40x128xi32, #tpu.memory_space<hbm>> -> memref<40x128xi32, #tpu.memory_space<hbm>>
          %dma_wait3A_53 = arith.constant 0 : i32
          %dma_wait3A_54 = arith.constant 0 : i32
          %dma_wait3A_55 = tpu.memref_slice %arg3[%while3A_25, %dma_wait3A_53, %dma_wait3A_54] : memref<64x40x128xi32, #tpu.memory_space<hbm>> -> memref<1x40x128xi32, #tpu.memory_space<hbm>>
          %dma_wait3A_56 = tpu.memref_squeeze %dma_wait3A_55 : memref<1x40x128xi32, #tpu.memory_space<hbm>> -> memref<40x128xi32, #tpu.memory_space<hbm>>
          tpu.wait_dma2 semaphore(%run_scoped3A : memref<!tpu.dma_semaphore, #tpu.memory_space<semaphore_mem>>) src(%dma_wait3A_56 : memref<40x128xi32, #tpu.memory_space<hbm>>) dst(%arg7 : memref<40x128xi32, #tpu.memory_space<vmem>>)
          tpu.yield
        }) : () -> ()
        "tpu.region"() ({
          %run_scoped3A = tpu.sem_alloc : memref<!tpu.dma_semaphore, #tpu.memory_space<semaphore_mem>>
          %dma_start3A_42 = arith.constant 0 : i32
          %dma_start3A_43 = arith.constant 0 : i32
          %dma_start3A_44 = tpu.memref_slice %arg4[%while3A_25, %dma_start3A_42, %dma_start3A_43] : memref<64x40x128xi32, #tpu.memory_space<hbm>> -> memref<1x40x128xi32, #tpu.memory_space<hbm>>
          %dma_start3A_45 = tpu.memref_squeeze %dma_start3A_44 : memref<1x40x128xi32, #tpu.memory_space<hbm>> -> memref<40x128xi32, #tpu.memory_space<hbm>>
          %dma_start3A_46 = arith.constant 0 : i32
          %dma_start3A_47 = arith.constant 0 : i32
          %dma_start3A_48 = tpu.memref_slice %arg4[%while3A_25, %dma_start3A_46, %dma_start3A_47] : memref<64x40x128xi32, #tpu.memory_space<hbm>> -> memref<1x40x128xi32, #tpu.memory_space<hbm>>
          %dma_start3A_49 = tpu.memref_squeeze %dma_start3A_48 : memref<1x40x128xi32, #tpu.memory_space<hbm>> -> memref<40x128xi32, #tpu.memory_space<hbm>>
          tpu.enqueue_dma source(%dma_start3A_49 : memref<40x128xi32, #tpu.memory_space<hbm>>) target(%arg8 : memref<40x128xi32, #tpu.memory_space<vmem>>) target_semaphore(%run_scoped3A : memref<!tpu.dma_semaphore, #tpu.memory_space<semaphore_mem>>)
          %dma_wait3A = arith.constant 0 : i32
          %dma_wait3A_50 = arith.constant 0 : i32
          %dma_wait3A_51 = tpu.memref_slice %arg4[%while3A_25, %dma_wait3A, %dma_wait3A_50] : memref<64x40x128xi32, #tpu.memory_space<hbm>> -> memref<1x40x128xi32, #tpu.memory_space<hbm>>
          %dma_wait3A_52 = tpu.memref_squeeze %dma_wait3A_51 : memref<1x40x128xi32, #tpu.memory_space<hbm>> -> memref<40x128xi32, #tpu.memory_space<hbm>>
          %dma_wait3A_53 = arith.constant 0 : i32
          %dma_wait3A_54 = arith.constant 0 : i32
          %dma_wait3A_55 = tpu.memref_slice %arg4[%while3A_25, %dma_wait3A_53, %dma_wait3A_54] : memref<64x40x128xi32, #tpu.memory_space<hbm>> -> memref<1x40x128xi32, #tpu.memory_space<hbm>>
          %dma_wait3A_56 = tpu.memref_squeeze %dma_wait3A_55 : memref<1x40x128xi32, #tpu.memory_space<hbm>> -> memref<40x128xi32, #tpu.memory_space<hbm>>
          tpu.wait_dma2 semaphore(%run_scoped3A : memref<!tpu.dma_semaphore, #tpu.memory_space<semaphore_mem>>) src(%dma_wait3A_56 : memref<40x128xi32, #tpu.memory_space<hbm>>) dst(%arg8 : memref<40x128xi32, #tpu.memory_space<vmem>>)
          tpu.yield
        }) : () -> ()
        %dma_start3A = arith.constant 0 : i32
        %dma_start3A_26 = arith.constant 0 : i32
        %dma_start3A_27 = arith.constant 0 : i32
        %dma_start3A_28 = arith.constant 0 : i32
        %dma_start3A_29 = tpu.memref_slice %arg9[%dma_start3A_26, %dma_start3A_27, %dma_start3A_28] : memref<2x128x128xf32, #tpu.memory_space<vmem>> -> memref<1x128x128xf32, #tpu.memory_space<vmem>>
        %dma_start3A_30 = tpu.memref_squeeze %dma_start3A_29 : memref<1x128x128xf32, #tpu.memory_space<vmem>> -> memref<128x128xf32, #tpu.memory_space<vmem>>
        %dma_start3A_31 = arith.constant 0 : i32
        %dma_start3A_32 = tpu.memref_slice %arg7[%dma_start3A, %dma_start3A_31] : memref<40x128xi32, #tpu.memory_space<vmem>> -> memref<1x128xi32, #tpu.memory_space<vmem>>
        %dma_start3A_33 = tpu.memref_squeeze %dma_start3A_32 : memref<1x128xi32, #tpu.memory_space<vmem>> -> memref<128xi32, #tpu.memory_space<vmem>>
        %dma_start3A_34 = arith.constant 0 : i32
        %dma_start3A_35 = arith.constant 0 : i32
        %dma_start3A_36 = tpu.memref_slice %arg2[%dma_start3A_34, %dma_start3A_35] : memref<10240x128xf32, #tpu.memory_space<hbm>> -> memref<10240x128xf32, #tpu.memory_space<hbm>>
        tpu.enqueue_indirect_dma source(%dma_start3A_36 : memref<10240x128xf32, #tpu.memory_space<hbm>>) target(%dma_start3A_30 : memref<128x128xf32, #tpu.memory_space<vmem>>) offsets(%dma_start3A_33 : memref<128xi32, #tpu.memory_space<vmem>>) semaphore(%arg11 : memref<!tpu.dma_semaphore, #tpu.memory_space<semaphore_mem>>)
        %scan3A = arith.constant 0 : i32
        %scan3A_37 = arith.constant 0 : i32
        %scan3A_38 = arith.constant 20 : i32
        %scan3A_39 = arith.addi %scan3A_37, %scan3A_38 : i32
        %scan3A_40 = arith.constant 1 : i32
        scf.for %scan3A_42 = %scan3A_37 to %scan3A_39 step %scan3A_40  : i32 {
          %mul3A_43 = arith.constant 2 : i32
          %mul3A_44 = arith.muli %scan3A_42, %mul3A_43 : i32
          %add3A_45 = arith.constant 0 : i32
          %add3A_46 = arith.addi %mul3A_44, %add3A_45 : i32
          %add3A_47 = arith.constant 1 : i32
          %add3A_48 = arith.addi %add3A_46, %add3A_47 : i32
          %lt3A = arith.constant 40 : i32
          %lt3A_49 = arith.cmpi slt, %add3A_48, %lt3A : i32
          %convert_element_type3A_50 = arith.extui %lt3A_49 : i1 to i32
          %cond3A_51 = arith.constant 0 : i32
          %cond3A_52 = arith.cmpi ne, %convert_element_type3A_50, %cond3A_51 : i32
          scf.if %cond3A_52 {
            %add3A_86 = arith.constant 1 : i32
            %add3A_87 = arith.addi %add3A_46, %add3A_86 : i32
            %dma_start3A_88 = arith.constant 1 : i32
            %dma_start3A_89 = arith.constant 0 : i32
            %dma_start3A_90 = arith.constant 0 : i32
            %dma_start3A_91 = tpu.memref_slice %arg9[%dma_start3A_88, %dma_start3A_89, %dma_start3A_90] : memref<2x128x128xf32, #tpu.memory_space<vmem>> -> memref<1x128x128xf32, #tpu.memory_space<vmem>>
            %dma_start3A_92 = tpu.memref_squeeze %dma_start3A_91 : memref<1x128x128xf32, #tpu.memory_space<vmem>> -> memref<128x128xf32, #tpu.memory_space<vmem>>
            %dma_start3A_93 = arith.constant 0 : i32
            %dma_start3A_94 = tpu.memref_slice %arg7[%add3A_87, %dma_start3A_93] : memref<40x128xi32, #tpu.memory_space<vmem>> -> memref<1x128xi32, #tpu.memory_space<vmem>>
            %dma_start3A_95 = tpu.memref_squeeze %dma_start3A_94 : memref<1x128xi32, #tpu.memory_space<vmem>> -> memref<128xi32, #tpu.memory_space<vmem>>
            %dma_start3A_96 = arith.constant 0 : i32
            %dma_start3A_97 = arith.constant 0 : i32
            %dma_start3A_98 = tpu.memref_slice %arg2[%dma_start3A_96, %dma_start3A_97] : memref<10240x128xf32, #tpu.memory_space<hbm>> -> memref<10240x128xf32, #tpu.memory_space<hbm>>
            tpu.enqueue_indirect_dma source(%dma_start3A_98 : memref<10240x128xf32, #tpu.memory_space<hbm>>) target(%dma_start3A_92 : memref<128x128xf32, #tpu.memory_space<vmem>>) offsets(%dma_start3A_95 : memref<128xi32, #tpu.memory_space<vmem>>) semaphore(%arg12 : memref<!tpu.dma_semaphore, #tpu.memory_space<semaphore_mem>>)
          } else {
          }
          %dma_wait3A = arith.constant 0 : i32
          %dma_wait3A_53 = arith.constant 0 : i32
          %dma_wait3A_54 = arith.constant 0 : i32
          %dma_wait3A_55 = tpu.memref_slice %arg9[%dma_wait3A, %dma_wait3A_53, %dma_wait3A_54] : memref<2x128x128xf32, #tpu.memory_space<vmem>> -> memref<1x128x128xf32, #tpu.memory_space<vmem>>
          %dma_wait3A_56 = tpu.memref_squeeze %dma_wait3A_55 : memref<1x128x128xf32, #tpu.memory_space<vmem>> -> memref<128x128xf32, #tpu.memory_space<vmem>>
          %dma_wait3A_57 = arith.constant 0 : i32
          %dma_wait3A_58 = tpu.memref_slice %arg7[%add3A_46, %dma_wait3A_57] : memref<40x128xi32, #tpu.memory_space<vmem>> -> memref<1x128xi32, #tpu.memory_space<vmem>>
          %dma_wait3A_59 = tpu.memref_squeeze %dma_wait3A_58 : memref<1x128xi32, #tpu.memory_space<vmem>> -> memref<128xi32, #tpu.memory_space<vmem>>
          %dma_wait3A_60 = arith.constant 0 : i32
          %dma_wait3A_61 = arith.constant 0 : i32
          %dma_wait3A_62 = tpu.memref_slice %arg2[%dma_wait3A_60, %dma_wait3A_61] : memref<10240x128xf32, #tpu.memory_space<hbm>> -> memref<10240x128xf32, #tpu.memory_space<hbm>>
          tpu.wait_indirect_dma semaphore(%arg11 : memref<!tpu.dma_semaphore, #tpu.memory_space<semaphore_mem>>) src(%dma_wait3A_62 : memref<10240x128xf32, #tpu.memory_space<hbm>>) dst(%dma_wait3A_56 : memref<128x128xf32, #tpu.memory_space<vmem>>)
          %run_scoped3A = arith.constant 0 : i32
          "tpu.region"() ({
            %run_scoped3A_86 = tpu.sem_alloc : memref<!tpu.dma_semaphore, #tpu.memory_space<semaphore_mem>>
            %dma_start3A_87 = arith.constant 0 : i32
            %dma_start3A_88 = arith.constant 0 : i32
            %dma_start3A_89 = tpu.memref_slice %arg9[%run_scoped3A, %dma_start3A_87, %dma_start3A_88] : memref<2x128x128xf32, #tpu.memory_space<vmem>> -> memref<1x128x128xf32, #tpu.memory_space<vmem>>
            %dma_start3A_90 = tpu.memref_squeeze %dma_start3A_89 : memref<1x128x128xf32, #tpu.memory_space<vmem>> -> memref<128x128xf32, #tpu.memory_space<vmem>>
            %dma_start3A_91 = arith.constant 0 : i32
            %dma_start3A_92 = tpu.memref_slice %arg8[%add3A_46, %dma_start3A_91] : memref<40x128xi32, #tpu.memory_space<vmem>> -> memref<1x128xi32, #tpu.memory_space<vmem>>
            %dma_start3A_93 = tpu.memref_squeeze %dma_start3A_92 : memref<1x128xi32, #tpu.memory_space<vmem>> -> memref<128xi32, #tpu.memory_space<vmem>>
            %dma_start3A_94 = arith.constant 0 : i32
            %dma_start3A_95 = arith.constant 0 : i32
            %dma_start3A_96 = tpu.memref_slice %arg10[%dma_start3A_94, %dma_start3A_95] : memref<10240x128xf32, #tpu.memory_space<vmem_shared>> -> memref<10240x128xf32, #tpu.memory_space<vmem_shared>>
            tpu.enqueue_indirect_dma source(%dma_start3A_90 : memref<128x128xf32, #tpu.memory_space<vmem>>) target(%dma_start3A_96 : memref<10240x128xf32, #tpu.memory_space<vmem_shared>>) offsets(%dma_start3A_93 : memref<128xi32, #tpu.memory_space<vmem>>) semaphore(%run_scoped3A_86 : memref<!tpu.dma_semaphore, #tpu.memory_space<semaphore_mem>>) {add = true}
            %dma_wait3A_97 = arith.constant 0 : i32
            %dma_wait3A_98 = arith.constant 0 : i32
            %dma_wait3A_99 = tpu.memref_slice %arg9[%run_scoped3A, %dma_wait3A_97, %dma_wait3A_98] : memref<2x128x128xf32, #tpu.memory_space<vmem>> -> memref<1x128x128xf32, #tpu.memory_space<vmem>>
            %dma_wait3A_100 = tpu.memref_squeeze %dma_wait3A_99 : memref<1x128x128xf32, #tpu.memory_space<vmem>> -> memref<128x128xf32, #tpu.memory_space<vmem>>
            %dma_wait3A_101 = arith.constant 0 : i32
            %dma_wait3A_102 = tpu.memref_slice %arg8[%add3A_46, %dma_wait3A_101] : memref<40x128xi32, #tpu.memory_space<vmem>> -> memref<1x128xi32, #tpu.memory_space<vmem>>
            %dma_wait3A_103 = tpu.memref_squeeze %dma_wait3A_102 : memref<1x128xi32, #tpu.memory_space<vmem>> -> memref<128xi32, #tpu.memory_space<vmem>>
            %dma_wait3A_104 = arith.constant 0 : i32
            %dma_wait3A_105 = arith.constant 0 : i32
            %dma_wait3A_106 = tpu.memref_slice %arg10[%dma_wait3A_104, %dma_wait3A_105] : memref<10240x128xf32, #tpu.memory_space<vmem_shared>> -> memref<10240x128xf32, #tpu.memory_space<vmem_shared>>
            tpu.wait_indirect_dma semaphore(%run_scoped3A_86 : memref<!tpu.dma_semaphore, #tpu.memory_space<semaphore_mem>>) src(%dma_wait3A_100 : memref<128x128xf32, #tpu.memory_space<vmem>>) dst(%dma_wait3A_106 : memref<10240x128xf32, #tpu.memory_space<vmem_shared>>)
            tpu.yield
          }) : () -> ()
          %mul3A_63 = arith.constant 2 : i32
          %mul3A_64 = arith.muli %scan3A_42, %mul3A_63 : i32
          %add3A_65 = arith.constant 1 : i32
          %add3A_66 = arith.addi %mul3A_64, %add3A_65 : i32
          %add3A_67 = arith.constant 1 : i32
          %add3A_68 = arith.addi %add3A_66, %add3A_67 : i32
          %lt3A_69 = arith.constant 40 : i32
          %lt3A_70 = arith.cmpi slt, %add3A_68, %lt3A_69 : i32
          %convert_element_type3A_71 = arith.extui %lt3A_70 : i1 to i32
          %cond3A_72 = arith.constant 0 : i32
          %cond3A_73 = arith.cmpi ne, %convert_element_type3A_71, %cond3A_72 : i32
          scf.if %cond3A_73 {
            %add3A_86 = arith.constant 1 : i32
            %add3A_87 = arith.addi %add3A_66, %add3A_86 : i32
            %dma_start3A_88 = arith.constant 0 : i32
            %dma_start3A_89 = arith.constant 0 : i32
            %dma_start3A_90 = arith.constant 0 : i32
            %dma_start3A_91 = tpu.memref_slice %arg9[%dma_start3A_88, %dma_start3A_89, %dma_start3A_90] : memref<2x128x128xf32, #tpu.memory_space<vmem>> -> memref<1x128x128xf32, #tpu.memory_space<vmem>>
            %dma_start3A_92 = tpu.memref_squeeze %dma_start3A_91 : memref<1x128x128xf32, #tpu.memory_space<vmem>> -> memref<128x128xf32, #tpu.memory_space<vmem>>
            %dma_start3A_93 = arith.constant 0 : i32
            %dma_start3A_94 = tpu.memref_slice %arg7[%add3A_87, %dma_start3A_93] : memref<40x128xi32, #tpu.memory_space<vmem>> -> memref<1x128xi32, #tpu.memory_space<vmem>>
            %dma_start3A_95 = tpu.memref_squeeze %dma_start3A_94 : memref<1x128xi32, #tpu.memory_space<vmem>> -> memref<128xi32, #tpu.memory_space<vmem>>
            %dma_start3A_96 = arith.constant 0 : i32
            %dma_start3A_97 = arith.constant 0 : i32
            %dma_start3A_98 = tpu.memref_slice %arg2[%dma_start3A_96, %dma_start3A_97] : memref<10240x128xf32, #tpu.memory_space<hbm>> -> memref<10240x128xf32, #tpu.memory_space<hbm>>
            tpu.enqueue_indirect_dma source(%dma_start3A_98 : memref<10240x128xf32, #tpu.memory_space<hbm>>) target(%dma_start3A_92 : memref<128x128xf32, #tpu.memory_space<vmem>>) offsets(%dma_start3A_95 : memref<128xi32, #tpu.memory_space<vmem>>) semaphore(%arg11 : memref<!tpu.dma_semaphore, #tpu.memory_space<semaphore_mem>>)
          } else {
          }
          %dma_wait3A_74 = arith.constant 1 : i32
          %dma_wait3A_75 = arith.constant 0 : i32
          %dma_wait3A_76 = arith.constant 0 : i32
          %dma_wait3A_77 = tpu.memref_slice %arg9[%dma_wait3A_74, %dma_wait3A_75, %dma_wait3A_76] : memref<2x128x128xf32, #tpu.memory_space<vmem>> -> memref<1x128x128xf32, #tpu.memory_space<vmem>>
          %dma_wait3A_78 = tpu.memref_squeeze %dma_wait3A_77 : memref<1x128x128xf32, #tpu.memory_space<vmem>> -> memref<128x128xf32, #tpu.memory_space<vmem>>
          %dma_wait3A_79 = arith.constant 0 : i32
          %dma_wait3A_80 = tpu.memref_slice %arg7[%add3A_66, %dma_wait3A_79] : memref<40x128xi32, #tpu.memory_space<vmem>> -> memref<1x128xi32, #tpu.memory_space<vmem>>
          %dma_wait3A_81 = tpu.memref_squeeze %dma_wait3A_80 : memref<1x128xi32, #tpu.memory_space<vmem>> -> memref<128xi32, #tpu.memory_space<vmem>>
          %dma_wait3A_82 = arith.constant 0 : i32
          %dma_wait3A_83 = arith.constant 0 : i32
          %dma_wait3A_84 = tpu.memref_slice %arg2[%dma_wait3A_82, %dma_wait3A_83] : memref<10240x128xf32, #tpu.memory_space<hbm>> -> memref<10240x128xf32, #tpu.memory_space<hbm>>
          tpu.wait_indirect_dma semaphore(%arg12 : memref<!tpu.dma_semaphore, #tpu.memory_space<semaphore_mem>>) src(%dma_wait3A_84 : memref<10240x128xf32, #tpu.memory_space<hbm>>) dst(%dma_wait3A_78 : memref<128x128xf32, #tpu.memory_space<vmem>>)
          %run_scoped3A_85 = arith.constant 1 : i32
          "tpu.region"() ({
            %run_scoped3A_86 = tpu.sem_alloc : memref<!tpu.dma_semaphore, #tpu.memory_space<semaphore_mem>>
            %dma_start3A_87 = arith.constant 0 : i32
            %dma_start3A_88 = arith.constant 0 : i32
            %dma_start3A_89 = tpu.memref_slice %arg9[%run_scoped3A_85, %dma_start3A_87, %dma_start3A_88] : memref<2x128x128xf32, #tpu.memory_space<vmem>> -> memref<1x128x128xf32, #tpu.memory_space<vmem>>
            %dma_start3A_90 = tpu.memref_squeeze %dma_start3A_89 : memref<1x128x128xf32, #tpu.memory_space<vmem>> -> memref<128x128xf32, #tpu.memory_space<vmem>>
            %dma_start3A_91 = arith.constant 0 : i32
            %dma_start3A_92 = tpu.memref_slice %arg8[%add3A_66, %dma_start3A_91] : memref<40x128xi32, #tpu.memory_space<vmem>> -> memref<1x128xi32, #tpu.memory_space<vmem>>
            %dma_start3A_93 = tpu.memref_squeeze %dma_start3A_92 : memref<1x128xi32, #tpu.memory_space<vmem>> -> memref<128xi32, #tpu.memory_space<vmem>>
            %dma_start3A_94 = arith.constant 0 : i32
            %dma_start3A_95 = arith.constant 0 : i32
            %dma_start3A_96 = tpu.memref_slice %arg10[%dma_start3A_94, %dma_start3A_95] : memref<10240x128xf32, #tpu.memory_space<vmem_shared>> -> memref<10240x128xf32, #tpu.memory_space<vmem_shared>>
            tpu.enqueue_indirect_dma source(%dma_start3A_90 : memref<128x128xf32, #tpu.memory_space<vmem>>) target(%dma_start3A_96 : memref<10240x128xf32, #tpu.memory_space<vmem_shared>>) offsets(%dma_start3A_93 : memref<128xi32, #tpu.memory_space<vmem>>) semaphore(%run_scoped3A_86 : memref<!tpu.dma_semaphore, #tpu.memory_space<semaphore_mem>>) {add = true}
            %dma_wait3A_97 = arith.constant 0 : i32
            %dma_wait3A_98 = arith.constant 0 : i32
            %dma_wait3A_99 = tpu.memref_slice %arg9[%run_scoped3A_85, %dma_wait3A_97, %dma_wait3A_98] : memref<2x128x128xf32, #tpu.memory_space<vmem>> -> memref<1x128x128xf32, #tpu.memory_space<vmem>>
            %dma_wait3A_100 = tpu.memref_squeeze %dma_wait3A_99 : memref<1x128x128xf32, #tpu.memory_space<vmem>> -> memref<128x128xf32, #tpu.memory_space<vmem>>
            %dma_wait3A_101 = arith.constant 0 : i32
            %dma_wait3A_102 = tpu.memref_slice %arg8[%add3A_66, %dma_wait3A_101] : memref<40x128xi32, #tpu.memory_space<vmem>> -> memref<1x128xi32, #tpu.memory_space<vmem>>
            %dma_wait3A_103 = tpu.memref_squeeze %dma_wait3A_102 : memref<1x128xi32, #tpu.memory_space<vmem>> -> memref<128xi32, #tpu.memory_space<vmem>>
            %dma_wait3A_104 = arith.constant 0 : i32
            %dma_wait3A_105 = arith.constant 0 : i32
            %dma_wait3A_106 = tpu.memref_slice %arg10[%dma_wait3A_104, %dma_wait3A_105] : memref<10240x128xf32, #tpu.memory_space<vmem_shared>> -> memref<10240x128xf32, #tpu.memory_space<vmem_shared>>
            tpu.wait_indirect_dma semaphore(%run_scoped3A_86 : memref<!tpu.dma_semaphore, #tpu.memory_space<semaphore_mem>>) src(%dma_wait3A_100 : memref<128x128xf32, #tpu.memory_space<vmem>>) dst(%dma_wait3A_106 : memref<10240x128xf32, #tpu.memory_space<vmem_shared>>)
            tpu.yield
          }) : () -> ()
        }
        %scan3A_41 = arith.constant 20 : i32
      }
      %while3A_24 = arith.constant 1 : i32
      scf.for %while3A_25 = %while3A_22 to %while3A_18 step %while3A_24  : i32 {
        "tpu.region"() ({
          %run_scoped3A = tpu.sem_alloc : memref<!tpu.dma_semaphore, #tpu.memory_space<semaphore_mem>>
          %dma_start3A_42 = arith.constant 0 : i32
          %dma_start3A_43 = arith.constant 0 : i32
          %dma_start3A_44 = tpu.memref_slice %arg3[%while3A_25, %dma_start3A_42, %dma_start3A_43] : memref<64x40x128xi32, #tpu.memory_space<hbm>> -> memref<1x40x128xi32, #tpu.memory_space<hbm>>
          %dma_start3A_45 = tpu.memref_squeeze %dma_start3A_44 : memref<1x40x128xi32, #tpu.memory_space<hbm>> -> memref<40x128xi32, #tpu.memory_space<hbm>>
          %dma_start3A_46 = arith.constant 0 : i32
          %dma_start3A_47 = arith.constant 0 : i32
          %dma_start3A_48 = tpu.memref_slice %arg3[%while3A_25, %dma_start3A_46, %dma_start3A_47] : memref<64x40x128xi32, #tpu.memory_space<hbm>> -> memref<1x40x128xi32, #tpu.memory_space<hbm>>
          %dma_start3A_49 = tpu.memref_squeeze %dma_start3A_48 : memref<1x40x128xi32, #tpu.memory_space<hbm>> -> memref<40x128xi32, #tpu.memory_space<hbm>>
          tpu.enqueue_dma source(%dma_start3A_49 : memref<40x128xi32, #tpu.memory_space<hbm>>) target(%arg7 : memref<40x128xi32, #tpu.memory_space<vmem>>) target_semaphore(%run_scoped3A : memref<!tpu.dma_semaphore, #tpu.memory_space<semaphore_mem>>)
          %dma_wait3A = arith.constant 0 : i32
          %dma_wait3A_50 = arith.constant 0 : i32
          %dma_wait3A_51 = tpu.memref_slice %arg3[%while3A_25, %dma_wait3A, %dma_wait3A_50] : memref<64x40x128xi32, #tpu.memory_space<hbm>> -> memref<1x40x128xi32, #tpu.memory_space<hbm>>
          %dma_wait3A_52 = tpu.memref_squeeze %dma_wait3A_51 : memref<1x40x128xi32, #tpu.memory_space<hbm>> -> memref<40x128xi32, #tpu.memory_space<hbm>>
          %dma_wait3A_53 = arith.constant 0 : i32
          %dma_wait3A_54 = arith.constant 0 : i32
          %dma_wait3A_55 = tpu.memref_slice %arg3[%while3A_25, %dma_wait3A_53, %dma_wait3A_54] : memref<64x40x128xi32, #tpu.memory_space<hbm>> -> memref<1x40x128xi32, #tpu.memory_space<hbm>>
          %dma_wait3A_56 = tpu.memref_squeeze %dma_wait3A_55 : memref<1x40x128xi32, #tpu.memory_space<hbm>> -> memref<40x128xi32, #tpu.memory_space<hbm>>
          tpu.wait_dma2 semaphore(%run_scoped3A : memref<!tpu.dma_semaphore, #tpu.memory_space<semaphore_mem>>) src(%dma_wait3A_56 : memref<40x128xi32, #tpu.memory_space<hbm>>) dst(%arg7 : memref<40x128xi32, #tpu.memory_space<vmem>>)
          tpu.yield
        }) : () -> ()
        "tpu.region"() ({
          %run_scoped3A = tpu.sem_alloc : memref<!tpu.dma_semaphore, #tpu.memory_space<semaphore_mem>>
          %dma_start3A_42 = arith.constant 0 : i32
          %dma_start3A_43 = arith.constant 0 : i32
          %dma_start3A_44 = tpu.memref_slice %arg4[%while3A_25, %dma_start3A_42, %dma_start3A_43] : memref<64x40x128xi32, #tpu.memory_space<hbm>> -> memref<1x40x128xi32, #tpu.memory_space<hbm>>
          %dma_start3A_45 = tpu.memref_squeeze %dma_start3A_44 : memref<1x40x128xi32, #tpu.memory_space<hbm>> -> memref<40x128xi32, #tpu.memory_space<hbm>>
          %dma_start3A_46 = arith.constant 0 : i32
          %dma_start3A_47 = arith.constant 0 : i32
          %dma_start3A_48 = tpu.memref_slice %arg4[%while3A_25, %dma_start3A_46, %dma_start3A_47] : memref<64x40x128xi32, #tpu.memory_space<hbm>> -> memref<1x40x128xi32, #tpu.memory_space<hbm>>
          %dma_start3A_49 = tpu.memref_squeeze %dma_start3A_48 : memref<1x40x128xi32, #tpu.memory_space<hbm>> -> memref<40x128xi32, #tpu.memory_space<hbm>>
          tpu.enqueue_dma source(%dma_start3A_49 : memref<40x128xi32, #tpu.memory_space<hbm>>) target(%arg8 : memref<40x128xi32, #tpu.memory_space<vmem>>) target_semaphore(%run_scoped3A : memref<!tpu.dma_semaphore, #tpu.memory_space<semaphore_mem>>)
          %dma_wait3A = arith.constant 0 : i32
          %dma_wait3A_50 = arith.constant 0 : i32
          %dma_wait3A_51 = tpu.memref_slice %arg4[%while3A_25, %dma_wait3A, %dma_wait3A_50] : memref<64x40x128xi32, #tpu.memory_space<hbm>> -> memref<1x40x128xi32, #tpu.memory_space<hbm>>
          %dma_wait3A_52 = tpu.memref_squeeze %dma_wait3A_51 : memref<1x40x128xi32, #tpu.memory_space<hbm>> -> memref<40x128xi32, #tpu.memory_space<hbm>>
          %dma_wait3A_53 = arith.constant 0 : i32
          %dma_wait3A_54 = arith.constant 0 : i32
          %dma_wait3A_55 = tpu.memref_slice %arg4[%while3A_25, %dma_wait3A_53, %dma_wait3A_54] : memref<64x40x128xi32, #tpu.memory_space<hbm>> -> memref<1x40x128xi32, #tpu.memory_space<hbm>>
          %dma_wait3A_56 = tpu.memref_squeeze %dma_wait3A_55 : memref<1x40x128xi32, #tpu.memory_space<hbm>> -> memref<40x128xi32, #tpu.memory_space<hbm>>
          tpu.wait_dma2 semaphore(%run_scoped3A : memref<!tpu.dma_semaphore, #tpu.memory_space<semaphore_mem>>) src(%dma_wait3A_56 : memref<40x128xi32, #tpu.memory_space<hbm>>) dst(%arg8 : memref<40x128xi32, #tpu.memory_space<vmem>>)
          tpu.yield
        }) : () -> ()
        %dma_start3A = arith.constant 0 : i32
        %dma_start3A_26 = arith.constant 0 : i32
        %dma_start3A_27 = arith.constant 0 : i32
        %dma_start3A_28 = arith.constant 0 : i32
        %dma_start3A_29 = tpu.memref_slice %arg9[%dma_start3A_26, %dma_start3A_27, %dma_start3A_28] : memref<2x128x128xf32, #tpu.memory_space<vmem>> -> memref<1x128x128xf32, #tpu.memory_space<vmem>>
        %dma_start3A_30 = tpu.memref_squeeze %dma_start3A_29 : memref<1x128x128xf32, #tpu.memory_space<vmem>> -> memref<128x128xf32, #tpu.memory_space<vmem>>
        %dma_start3A_31 = arith.constant 0 : i32
        %dma_start3A_32 = tpu.memref_slice %arg7[%dma_start3A, %dma_start3A_31] : memref<40x128xi32, #tpu.memory_space<vmem>> -> memref<1x128xi32, #tpu.memory_space<vmem>>
        %dma_start3A_33 = tpu.memref_squeeze %dma_start3A_32 : memref<1x128xi32, #tpu.memory_space<vmem>> -> memref<128xi32, #tpu.memory_space<vmem>>
        %dma_start3A_34 = arith.constant 0 : i32
        %dma_start3A_35 = arith.constant 0 : i32
        %dma_start3A_36 = tpu.memref_slice %arg2[%dma_start3A_34, %dma_start3A_35] : memref<10240x128xf32, #tpu.memory_space<hbm>> -> memref<10240x128xf32, #tpu.memory_space<hbm>>
        tpu.enqueue_indirect_dma source(%dma_start3A_36 : memref<10240x128xf32, #tpu.memory_space<hbm>>) target(%dma_start3A_30 : memref<128x128xf32, #tpu.memory_space<vmem>>) offsets(%dma_start3A_33 : memref<128xi32, #tpu.memory_space<vmem>>) semaphore(%arg11 : memref<!tpu.dma_semaphore, #tpu.memory_space<semaphore_mem>>)
        %scan3A = arith.constant 0 : i32
        %scan3A_37 = arith.constant 0 : i32
        %scan3A_38 = arith.constant 20 : i32
        %scan3A_39 = arith.addi %scan3A_37, %scan3A_38 : i32
        %scan3A_40 = arith.constant 1 : i32
        scf.for %scan3A_42 = %scan3A_37 to %scan3A_39 step %scan3A_40  : i32 {
          %mul3A_43 = arith.constant 2 : i32
          %mul3A_44 = arith.muli %scan3A_42, %mul3A_43 : i32
          %add3A_45 = arith.constant 0 : i32
          %add3A_46 = arith.addi %mul3A_44, %add3A_45 : i32
          %add3A_47 = arith.constant 1 : i32
          %add3A_48 = arith.addi %add3A_46, %add3A_47 : i32
          %lt3A = arith.constant 40 : i32
          %lt3A_49 = arith.cmpi slt, %add3A_48, %lt3A : i32
          %convert_element_type3A_50 = arith.extui %lt3A_49 : i1 to i32
          %cond3A_51 = arith.constant 0 : i32
          %cond3A_52 = arith.cmpi ne, %convert_element_type3A_50, %cond3A_51 : i32
          scf.if %cond3A_52 {
            %add3A_86 = arith.constant 1 : i32
            %add3A_87 = arith.addi %add3A_46, %add3A_86 : i32
            %dma_start3A_88 = arith.constant 1 : i32
            %dma_start3A_89 = arith.constant 0 : i32
            %dma_start3A_90 = arith.constant 0 : i32
            %dma_start3A_91 = tpu.memref_slice %arg9[%dma_start3A_88, %dma_start3A_89, %dma_start3A_90] : memref<2x128x128xf32, #tpu.memory_space<vmem>> -> memref<1x128x128xf32, #tpu.memory_space<vmem>>
            %dma_start3A_92 = tpu.memref_squeeze %dma_start3A_91 : memref<1x128x128xf32, #tpu.memory_space<vmem>> -> memref<128x128xf32, #tpu.memory_space<vmem>>
            %dma_start3A_93 = arith.constant 0 : i32
            %dma_start3A_94 = tpu.memref_slice %arg7[%add3A_87, %dma_start3A_93] : memref<40x128xi32, #tpu.memory_space<vmem>> -> memref<1x128xi32, #tpu.memory_space<vmem>>
            %dma_start3A_95 = tpu.memref_squeeze %dma_start3A_94 : memref<1x128xi32, #tpu.memory_space<vmem>> -> memref<128xi32, #tpu.memory_space<vmem>>
            %dma_start3A_96 = arith.constant 0 : i32
            %dma_start3A_97 = arith.constant 0 : i32
            %dma_start3A_98 = tpu.memref_slice %arg2[%dma_start3A_96, %dma_start3A_97] : memref<10240x128xf32, #tpu.memory_space<hbm>> -> memref<10240x128xf32, #tpu.memory_space<hbm>>
            tpu.enqueue_indirect_dma source(%dma_start3A_98 : memref<10240x128xf32, #tpu.memory_space<hbm>>) target(%dma_start3A_92 : memref<128x128xf32, #tpu.memory_space<vmem>>) offsets(%dma_start3A_95 : memref<128xi32, #tpu.memory_space<vmem>>) semaphore(%arg12 : memref<!tpu.dma_semaphore, #tpu.memory_space<semaphore_mem>>)
          } else {
          }
          %dma_wait3A = arith.constant 0 : i32
          %dma_wait3A_53 = arith.constant 0 : i32
          %dma_wait3A_54 = arith.constant 0 : i32
          %dma_wait3A_55 = tpu.memref_slice %arg9[%dma_wait3A, %dma_wait3A_53, %dma_wait3A_54] : memref<2x128x128xf32, #tpu.memory_space<vmem>> -> memref<1x128x128xf32, #tpu.memory_space<vmem>>
          %dma_wait3A_56 = tpu.memref_squeeze %dma_wait3A_55 : memref<1x128x128xf32, #tpu.memory_space<vmem>> -> memref<128x128xf32, #tpu.memory_space<vmem>>
          %dma_wait3A_57 = arith.constant 0 : i32
          %dma_wait3A_58 = tpu.memref_slice %arg7[%add3A_46, %dma_wait3A_57] : memref<40x128xi32, #tpu.memory_space<vmem>> -> memref<1x128xi32, #tpu.memory_space<vmem>>
          %dma_wait3A_59 = tpu.memref_squeeze %dma_wait3A_58 : memref<1x128xi32, #tpu.memory_space<vmem>> -> memref<128xi32, #tpu.memory_space<vmem>>
          %dma_wait3A_60 = arith.constant 0 : i32
          %dma_wait3A_61 = arith.constant 0 : i32
          %dma_wait3A_62 = tpu.memref_slice %arg2[%dma_wait3A_60, %dma_wait3A_61] : memref<10240x128xf32, #tpu.memory_space<hbm>> -> memref<10240x128xf32, #tpu.memory_space<hbm>>
          tpu.wait_indirect_dma semaphore(%arg11 : memref<!tpu.dma_semaphore, #tpu.memory_space<semaphore_mem>>) src(%dma_wait3A_62 : memref<10240x128xf32, #tpu.memory_space<hbm>>) dst(%dma_wait3A_56 : memref<128x128xf32, #tpu.memory_space<vmem>>)
          %run_scoped3A = arith.constant 0 : i32
          "tpu.region"() ({
            %run_scoped3A_86 = tpu.sem_alloc : memref<!tpu.dma_semaphore, #tpu.memory_space<semaphore_mem>>
            %dma_start3A_87 = arith.constant 0 : i32
            %dma_start3A_88 = arith.constant 0 : i32
            %dma_start3A_89 = tpu.memref_slice %arg9[%run_scoped3A, %dma_start3A_87, %dma_start3A_88] : memref<2x128x128xf32, #tpu.memory_space<vmem>> -> memref<1x128x128xf32, #tpu.memory_space<vmem>>
            %dma_start3A_90 = tpu.memref_squeeze %dma_start3A_89 : memref<1x128x128xf32, #tpu.memory_space<vmem>> -> memref<128x128xf32, #tpu.memory_space<vmem>>
            %dma_start3A_91 = arith.constant 0 : i32
            %dma_start3A_92 = tpu.memref_slice %arg8[%add3A_46, %dma_start3A_91] : memref<40x128xi32, #tpu.memory_space<vmem>> -> memref<1x128xi32, #tpu.memory_space<vmem>>
            %dma_start3A_93 = tpu.memref_squeeze %dma_start3A_92 : memref<1x128xi32, #tpu.memory_space<vmem>> -> memref<128xi32, #tpu.memory_space<vmem>>
            %dma_start3A_94 = arith.constant 0 : i32
            %dma_start3A_95 = arith.constant 0 : i32
            %dma_start3A_96 = tpu.memref_slice %arg10[%dma_start3A_94, %dma_start3A_95] : memref<10240x128xf32, #tpu.memory_space<vmem_shared>> -> memref<10240x128xf32, #tpu.memory_space<vmem_shared>>
            tpu.enqueue_indirect_dma source(%dma_start3A_90 : memref<128x128xf32, #tpu.memory_space<vmem>>) target(%dma_start3A_96 : memref<10240x128xf32, #tpu.memory_space<vmem_shared>>) offsets(%dma_start3A_93 : memref<128xi32, #tpu.memory_space<vmem>>) semaphore(%run_scoped3A_86 : memref<!tpu.dma_semaphore, #tpu.memory_space<semaphore_mem>>) {add = true}
            %dma_wait3A_97 = arith.constant 0 : i32
            %dma_wait3A_98 = arith.constant 0 : i32
            %dma_wait3A_99 = tpu.memref_slice %arg9[%run_scoped3A, %dma_wait3A_97, %dma_wait3A_98] : memref<2x128x128xf32, #tpu.memory_space<vmem>> -> memref<1x128x128xf32, #tpu.memory_space<vmem>>
            %dma_wait3A_100 = tpu.memref_squeeze %dma_wait3A_99 : memref<1x128x128xf32, #tpu.memory_space<vmem>> -> memref<128x128xf32, #tpu.memory_space<vmem>>
            %dma_wait3A_101 = arith.constant 0 : i32
            %dma_wait3A_102 = tpu.memref_slice %arg8[%add3A_46, %dma_wait3A_101] : memref<40x128xi32, #tpu.memory_space<vmem>> -> memref<1x128xi32, #tpu.memory_space<vmem>>
            %dma_wait3A_103 = tpu.memref_squeeze %dma_wait3A_102 : memref<1x128xi32, #tpu.memory_space<vmem>> -> memref<128xi32, #tpu.memory_space<vmem>>
            %dma_wait3A_104 = arith.constant 0 : i32
            %dma_wait3A_105 = arith.constant 0 : i32
            %dma_wait3A_106 = tpu.memref_slice %arg10[%dma_wait3A_104, %dma_wait3A_105] : memref<10240x128xf32, #tpu.memory_space<vmem_shared>> -> memref<10240x128xf32, #tpu.memory_space<vmem_shared>>
            tpu.wait_indirect_dma semaphore(%run_scoped3A_86 : memref<!tpu.dma_semaphore, #tpu.memory_space<semaphore_mem>>) src(%dma_wait3A_100 : memref<128x128xf32, #tpu.memory_space<vmem>>) dst(%dma_wait3A_106 : memref<10240x128xf32, #tpu.memory_space<vmem_shared>>)
            tpu.yield
          }) : () -> ()
          %mul3A_63 = arith.constant 2 : i32
          %mul3A_64 = arith.muli %scan3A_42, %mul3A_63 : i32
          %add3A_65 = arith.constant 1 : i32
          %add3A_66 = arith.addi %mul3A_64, %add3A_65 : i32
          %add3A_67 = arith.constant 1 : i32
          %add3A_68 = arith.addi %add3A_66, %add3A_67 : i32
          %lt3A_69 = arith.constant 40 : i32
          %lt3A_70 = arith.cmpi slt, %add3A_68, %lt3A_69 : i32
          %convert_element_type3A_71 = arith.extui %lt3A_70 : i1 to i32
          %cond3A_72 = arith.constant 0 : i32
          %cond3A_73 = arith.cmpi ne, %convert_element_type3A_71, %cond3A_72 : i32
          scf.if %cond3A_73 {
            %add3A_86 = arith.constant 1 : i32
            %add3A_87 = arith.addi %add3A_66, %add3A_86 : i32
            %dma_start3A_88 = arith.constant 0 : i32
            %dma_start3A_89 = arith.constant 0 : i32
            %dma_start3A_90 = arith.constant 0 : i32
            %dma_start3A_91 = tpu.memref_slice %arg9[%dma_start3A_88, %dma_start3A_89, %dma_start3A_90] : memref<2x128x128xf32, #tpu.memory_space<vmem>> -> memref<1x128x128xf32, #tpu.memory_space<vmem>>
            %dma_start3A_92 = tpu.memref_squeeze %dma_start3A_91 : memref<1x128x128xf32, #tpu.memory_space<vmem>> -> memref<128x128xf32, #tpu.memory_space<vmem>>
            %dma_start3A_93 = arith.constant 0 : i32
            %dma_start3A_94 = tpu.memref_slice %arg7[%add3A_87, %dma_start3A_93] : memref<40x128xi32, #tpu.memory_space<vmem>> -> memref<1x128xi32, #tpu.memory_space<vmem>>
            %dma_start3A_95 = tpu.memref_squeeze %dma_start3A_94 : memref<1x128xi32, #tpu.memory_space<vmem>> -> memref<128xi32, #tpu.memory_space<vmem>>
            %dma_start3A_96 = arith.constant 0 : i32
            %dma_start3A_97 = arith.constant 0 : i32
            %dma_start3A_98 = tpu.memref_slice %arg2[%dma_start3A_96, %dma_start3A_97] : memref<10240x128xf32, #tpu.memory_space<hbm>> -> memref<10240x128xf32, #tpu.memory_space<hbm>>
            tpu.enqueue_indirect_dma source(%dma_start3A_98 : memref<10240x128xf32, #tpu.memory_space<hbm>>) target(%dma_start3A_92 : memref<128x128xf32, #tpu.memory_space<vmem>>) offsets(%dma_start3A_95 : memref<128xi32, #tpu.memory_space<vmem>>) semaphore(%arg11 : memref<!tpu.dma_semaphore, #tpu.memory_space<semaphore_mem>>)
          } else {
          }
          %dma_wait3A_74 = arith.constant 1 : i32
          %dma_wait3A_75 = arith.constant 0 : i32
          %dma_wait3A_76 = arith.constant 0 : i32
          %dma_wait3A_77 = tpu.memref_slice %arg9[%dma_wait3A_74, %dma_wait3A_75, %dma_wait3A_76] : memref<2x128x128xf32, #tpu.memory_space<vmem>> -> memref<1x128x128xf32, #tpu.memory_space<vmem>>
          %dma_wait3A_78 = tpu.memref_squeeze %dma_wait3A_77 : memref<1x128x128xf32, #tpu.memory_space<vmem>> -> memref<128x128xf32, #tpu.memory_space<vmem>>
          %dma_wait3A_79 = arith.constant 0 : i32
          %dma_wait3A_80 = tpu.memref_slice %arg7[%add3A_66, %dma_wait3A_79] : memref<40x128xi32, #tpu.memory_space<vmem>> -> memref<1x128xi32, #tpu.memory_space<vmem>>
          %dma_wait3A_81 = tpu.memref_squeeze %dma_wait3A_80 : memref<1x128xi32, #tpu.memory_space<vmem>> -> memref<128xi32, #tpu.memory_space<vmem>>
          %dma_wait3A_82 = arith.constant 0 : i32
          %dma_wait3A_83 = arith.constant 0 : i32
          %dma_wait3A_84 = tpu.memref_slice %arg2[%dma_wait3A_82, %dma_wait3A_83] : memref<10240x128xf32, #tpu.memory_space<hbm>> -> memref<10240x128xf32, #tpu.memory_space<hbm>>
          tpu.wait_indirect_dma semaphore(%arg12 : memref<!tpu.dma_semaphore, #tpu.memory_space<semaphore_mem>>) src(%dma_wait3A_84 : memref<10240x128xf32, #tpu.memory_space<hbm>>) dst(%dma_wait3A_78 : memref<128x128xf32, #tpu.memory_space<vmem>>)
          %run_scoped3A_85 = arith.constant 1 : i32
          "tpu.region"() ({
            %run_scoped3A_86 = tpu.sem_alloc : memref<!tpu.dma_semaphore, #tpu.memory_space<semaphore_mem>>
            %dma_start3A_87 = arith.constant 0 : i32
            %dma_start3A_88 = arith.constant 0 : i32
            %dma_start3A_89 = tpu.memref_slice %arg9[%run_scoped3A_85, %dma_start3A_87, %dma_start3A_88] : memref<2x128x128xf32, #tpu.memory_space<vmem>> -> memref<1x128x128xf32, #tpu.memory_space<vmem>>
            %dma_start3A_90 = tpu.memref_squeeze %dma_start3A_89 : memref<1x128x128xf32, #tpu.memory_space<vmem>> -> memref<128x128xf32, #tpu.memory_space<vmem>>
            %dma_start3A_91 = arith.constant 0 : i32
            %dma_start3A_92 = tpu.memref_slice %arg8[%add3A_66, %dma_start3A_91] : memref<40x128xi32, #tpu.memory_space<vmem>> -> memref<1x128xi32, #tpu.memory_space<vmem>>
            %dma_start3A_93 = tpu.memref_squeeze %dma_start3A_92 : memref<1x128xi32, #tpu.memory_space<vmem>> -> memref<128xi32, #tpu.memory_space<vmem>>
            %dma_start3A_94 = arith.constant 0 : i32
            %dma_start3A_95 = arith.constant 0 : i32
            %dma_start3A_96 = tpu.memref_slice %arg10[%dma_start3A_94, %dma_start3A_95] : memref<10240x128xf32, #tpu.memory_space<vmem_shared>> -> memref<10240x128xf32, #tpu.memory_space<vmem_shared>>
            tpu.enqueue_indirect_dma source(%dma_start3A_90 : memref<128x128xf32, #tpu.memory_space<vmem>>) target(%dma_start3A_96 : memref<10240x128xf32, #tpu.memory_space<vmem_shared>>) offsets(%dma_start3A_93 : memref<128xi32, #tpu.memory_space<vmem>>) semaphore(%run_scoped3A_86 : memref<!tpu.dma_semaphore, #tpu.memory_space<semaphore_mem>>) {add = true}
            %dma_wait3A_97 = arith.constant 0 : i32
            %dma_wait3A_98 = arith.constant 0 : i32
            %dma_wait3A_99 = tpu.memref_slice %arg9[%run_scoped3A_85, %dma_wait3A_97, %dma_wait3A_98] : memref<2x128x128xf32, #tpu.memory_space<vmem>> -> memref<1x128x128xf32, #tpu.memory_space<vmem>>
            %dma_wait3A_100 = tpu.memref_squeeze %dma_wait3A_99 : memref<1x128x128xf32, #tpu.memory_space<vmem>> -> memref<128x128xf32, #tpu.memory_space<vmem>>
            %dma_wait3A_101 = arith.constant 0 : i32
            %dma_wait3A_102 = tpu.memref_slice %arg8[%add3A_66, %dma_wait3A_101] : memref<40x128xi32, #tpu.memory_space<vmem>> -> memref<1x128xi32, #tpu.memory_space<vmem>>
            %dma_wait3A_103 = tpu.memref_squeeze %dma_wait3A_102 : memref<1x128xi32, #tpu.memory_space<vmem>> -> memref<128xi32, #tpu.memory_space<vmem>>
            %dma_wait3A_104 = arith.constant 0 : i32
            %dma_wait3A_105 = arith.constant 0 : i32
            %dma_wait3A_106 = tpu.memref_slice %arg10[%dma_wait3A_104, %dma_wait3A_105] : memref<10240x128xf32, #tpu.memory_space<vmem_shared>> -> memref<10240x128xf32, #tpu.memory_space<vmem_shared>>
            tpu.wait_indirect_dma semaphore(%run_scoped3A_86 : memref<!tpu.dma_semaphore, #tpu.memory_space<semaphore_mem>>) src(%dma_wait3A_100 : memref<128x128xf32, #tpu.memory_space<vmem>>) dst(%dma_wait3A_106 : memref<10240x128xf32, #tpu.memory_space<vmem_shared>>)
            tpu.yield
          }) : () -> ()
        }
        %scan3A_41 = arith.constant 20 : i32
      }
    } else {
    }
    %barrier3A_10 = arith.constant 0 : index
    tpu.barrier barrier_id(%barrier3A_10)
    "tpu.region"() ({
      %run_scoped3A = tpu.sem_alloc : memref<!tpu.dma_semaphore, #tpu.memory_space<semaphore_mem>>
      %dma_start3A = arith.constant 0 : i32
      %dma_start3A_11 = tpu.memref_slice %arg6[%arg0, %mul3A_2, %dma_start3A] : memref<2x10240x128xf32, #tpu.memory_space<hbm>> -> memref<1x640x128xf32, #tpu.memory_space<hbm>>
      %dma_start3A_12 = tpu.memref_squeeze %dma_start3A_11 : memref<1x640x128xf32, #tpu.memory_space<hbm>> -> memref<640x128xf32, #tpu.memory_space<hbm>>
      %dma_start3A_13 = arith.constant 0 : i32
      %dma_start3A_14 = tpu.memref_slice %arg10[%mul3A_2, %dma_start3A_13] : memref<10240x128xf32, #tpu.memory_space<vmem_shared>> -> memref<640x128xf32, #tpu.memory_space<vmem_shared>>
      tpu.enqueue_dma source(%dma_start3A_14 : memref<640x128xf32, #tpu.memory_space<vmem_shared>>) target(%dma_start3A_12 : memref<640x128xf32, #tpu.memory_space<hbm>>) target_semaphore(%run_scoped3A : memref<!tpu.dma_semaphore, #tpu.memory_space<semaphore_mem>>)
      %dma_wait3A = arith.constant 0 : i32
      %dma_wait3A_15 = tpu.memref_slice %arg6[%arg0, %mul3A_2, %dma_wait3A] : memref<2x10240x128xf32, #tpu.memory_space<hbm>> -> memref<1x640x128xf32, #tpu.memory_space<hbm>>
      %dma_wait3A_16 = tpu.memref_squeeze %dma_wait3A_15 : memref<1x640x128xf32, #tpu.memory_space<hbm>> -> memref<640x128xf32, #tpu.memory_space<hbm>>
      %dma_wait3A_17 = arith.constant 0 : i32
      %dma_wait3A_18 = tpu.memref_slice %arg10[%mul3A_2, %dma_wait3A_17] : memref<10240x128xf32, #tpu.memory_space<vmem_shared>> -> memref<640x128xf32, #tpu.memory_space<vmem_shared>>
      tpu.wait_dma2 semaphore(%run_scoped3A : memref<!tpu.dma_semaphore, #tpu.memory_space<semaphore_mem>>) src(%dma_wait3A_18 : memref<640x128xf32, #tpu.memory_space<vmem_shared>>) dst(%dma_wait3A_16 : memref<640x128xf32, #tpu.memory_space<hbm>>)
      tpu.yield
    }) : () -> ()
    return
  }
}

#map = affine_map<(d0, d1) -> (0, 0)>
#map1 = affine_map<(d0, d1) -> (0, 0, 0)>
module attributes {stable_mosaic.version = 14 : i64} {
  func.func @_agg_kernel(%arg0: i32, %arg1: i32, %arg2: memref<10240x128xf32, #tpu.memory_space<hbm>>, %arg3: memref<64x40x128xi32, #tpu.memory_space<hbm>>, %arg4: memref<64x40x128xi32, #tpu.memory_space<hbm>>, %arg5: memref<10240x128xf32, #tpu.memory_space<hbm>>, %arg6: memref<2x10240x128xf32, #tpu.memory_space<hbm>>, %arg7: memref<40x128xi32, #tpu.memory_space<vmem>>, %arg8: memref<40x128xi32, #tpu.memory_space<vmem>>, %arg9: memref<2x128x128xf32, #tpu.memory_space<vmem>>, %arg10: memref<10240x128xf32, #tpu.memory_space<vmem_shared>>, %arg11: memref<!tpu.dma_semaphore, #tpu.memory_space<semaphore_mem>>, %arg12: memref<!tpu.dma_semaphore, #tpu.memory_space<semaphore_mem>>) attributes {dimension_semantics = [#tpu.dimension_semantics<core_parallel>, #tpu.dimension_semantics<subcore_parallel>], iteration_bounds = array<i64: 2, 16>, scalar_prefetch = 0 : i64, scratch_operands = 6 : i64, tpu.core_type = #tpu.core_type<sc_vector_subcore>, window_params = [{transform_indices = #map}, {transform_indices = #map1}, {transform_indices = #map1}, {transform_indices = #map}, {transform_indices = #map1}]} {
    %mul3A = arith.constant 16 : i32
    %mul3A_0 = arith.muli %arg0, %mul3A : i32
    %add3A = arith.addi %mul3A_0, %arg1 : i32
    %mul3A_1 = arith.constant 640 : i32
    %mul3A_2 = arith.muli %arg1, %mul3A_1 : i32
    "tpu.region"() ({
      %run_scoped3A = tpu.sem_alloc : memref<!tpu.dma_semaphore, #tpu.memory_space<semaphore_mem>>
      %dma_start3A = arith.constant 0 : i32
      %dma_start3A_11 = tpu.memref_slice %arg10[%mul3A_2, %dma_start3A] : memref<10240x128xf32, #tpu.memory_space<vmem_shared>> -> memref<640x128xf32, #tpu.memory_space<vmem_shared>>
      %dma_start3A_12 = arith.constant 0 : i32
      %dma_start3A_13 = tpu.memref_slice %arg5[%mul3A_2, %dma_start3A_12] : memref<10240x128xf32, #tpu.memory_space<hbm>> -> memref<640x128xf32, #tpu.memory_space<hbm>>
      tpu.enqueue_dma source(%dma_start3A_13 : memref<640x128xf32, #tpu.memory_space<hbm>>) target(%dma_start3A_11 : memref<640x128xf32, #tpu.memory_space<vmem_shared>>) target_semaphore(%run_scoped3A : memref<!tpu.dma_semaphore, #tpu.memory_space<semaphore_mem>>)
      %dma_wait3A = arith.constant 0 : i32
      %dma_wait3A_14 = tpu.memref_slice %arg10[%mul3A_2, %dma_wait3A] : memref<10240x128xf32, #tpu.memory_space<vmem_shared>> -> memref<640x128xf32, #tpu.memory_space<vmem_shared>>
      %dma_wait3A_15 = arith.constant 0 : i32
      %dma_wait3A_16 = tpu.memref_slice %arg5[%mul3A_2, %dma_wait3A_15] : memref<10240x128xf32, #tpu.memory_space<hbm>> -> memref<640x128xf32, #tpu.memory_space<hbm>>
      tpu.wait_dma2 semaphore(%run_scoped3A : memref<!tpu.dma_semaphore, #tpu.memory_space<semaphore_mem>>) src(%dma_wait3A_16 : memref<640x128xf32, #tpu.memory_space<hbm>>) dst(%dma_wait3A_14 : memref<640x128xf32, #tpu.memory_space<vmem_shared>>)
      tpu.yield
    }) : () -> ()
    %barrier3A = arith.constant 0 : index
    tpu.barrier barrier_id(%barrier3A)
    %eq3A = arith.constant 0 : i32
    %eq3A_3 = arith.cmpi eq, %arg0, %eq3A : i32
    %convert_element_type3A = arith.extui %eq3A_3 : i1 to i32
    %cond3A = arith.constant 0 : i32
    %cond3A_4 = arith.cmpi ne, %convert_element_type3A, %cond3A : i32
    scf.if %cond3A_4 {
      %mul3A_11 = arith.constant 2 : i32
      %mul3A_12 = arith.muli %arg1, %mul3A_11 : i32
      %mul3A_13 = arith.constant 2 : i32
      %mul3A_14 = arith.muli %arg1, %mul3A_13 : i32
      %add3A_15 = arith.constant 2 : i32
      %add3A_16 = arith.addi %mul3A_14, %add3A_15 : i32
      %while3A = arith.constant 0 : i32
      %while3A_17 = arith.subi %add3A_16, %mul3A_12 : i32
      %while3A_18 = arith.addi %mul3A_12, %while3A_17 : i32
      %while3A_19 = arith.constant 1 : i32
      %while3A_20 = arith.divsi %while3A_17, %while3A_19 : i32
      %while3A_21 = arith.muli %while3A_20, %while3A_19 : i32
      %while3A_22 = arith.addi %mul3A_12, %while3A_21 : i32
      %while3A_23 = arith.constant 1 : i32
      scf.for %while3A_25 = %mul3A_12 to %while3A_22 step %while3A_23  : i32 {
        "tpu.region"() ({
          %run_scoped3A = tpu.sem_alloc : memref<!tpu.dma_semaphore, #tpu.memory_space<semaphore_mem>>
          %dma_start3A_42 = arith.constant 0 : i32
          %dma_start3A_43 = arith.constant 0 : i32
          %dma_start3A_44 = tpu.memref_slice %arg3[%while3A_25, %dma_start3A_42, %dma_start3A_43] : memref<64x40x128xi32, #tpu.memory_space<hbm>> -> memref<1x40x128xi32, #tpu.memory_space<hbm>>
          %dma_start3A_45 = tpu.memref_squeeze %dma_start3A_44 : memref<1x40x128xi32, #tpu.memory_space<hbm>> -> memref<40x128xi32, #tpu.memory_space<hbm>>
          %dma_start3A_46 = arith.constant 0 : i32
          %dma_start3A_47 = arith.constant 0 : i32
          %dma_start3A_48 = tpu.memref_slice %arg3[%while3A_25, %dma_start3A_46, %dma_start3A_47] : memref<64x40x128xi32, #tpu.memory_space<hbm>> -> memref<1x40x128xi32, #tpu.memory_space<hbm>>
          %dma_start3A_49 = tpu.memref_squeeze %dma_start3A_48 : memref<1x40x128xi32, #tpu.memory_space<hbm>> -> memref<40x128xi32, #tpu.memory_space<hbm>>
          tpu.enqueue_dma source(%dma_start3A_49 : memref<40x128xi32, #tpu.memory_space<hbm>>) target(%arg7 : memref<40x128xi32, #tpu.memory_space<vmem>>) target_semaphore(%run_scoped3A : memref<!tpu.dma_semaphore, #tpu.memory_space<semaphore_mem>>)
          %dma_wait3A = arith.constant 0 : i32
          %dma_wait3A_50 = arith.constant 0 : i32
          %dma_wait3A_51 = tpu.memref_slice %arg3[%while3A_25, %dma_wait3A, %dma_wait3A_50] : memref<64x40x128xi32, #tpu.memory_space<hbm>> -> memref<1x40x128xi32, #tpu.memory_space<hbm>>
          %dma_wait3A_52 = tpu.memref_squeeze %dma_wait3A_51 : memref<1x40x128xi32, #tpu.memory_space<hbm>> -> memref<40x128xi32, #tpu.memory_space<hbm>>
          %dma_wait3A_53 = arith.constant 0 : i32
          %dma_wait3A_54 = arith.constant 0 : i32
          %dma_wait3A_55 = tpu.memref_slice %arg3[%while3A_25, %dma_wait3A_53, %dma_wait3A_54] : memref<64x40x128xi32, #tpu.memory_space<hbm>> -> memref<1x40x128xi32, #tpu.memory_space<hbm>>
          %dma_wait3A_56 = tpu.memref_squeeze %dma_wait3A_55 : memref<1x40x128xi32, #tpu.memory_space<hbm>> -> memref<40x128xi32, #tpu.memory_space<hbm>>
          tpu.wait_dma2 semaphore(%run_scoped3A : memref<!tpu.dma_semaphore, #tpu.memory_space<semaphore_mem>>) src(%dma_wait3A_56 : memref<40x128xi32, #tpu.memory_space<hbm>>) dst(%arg7 : memref<40x128xi32, #tpu.memory_space<vmem>>)
          tpu.yield
        }) : () -> ()
        "tpu.region"() ({
          %run_scoped3A = tpu.sem_alloc : memref<!tpu.dma_semaphore, #tpu.memory_space<semaphore_mem>>
          %dma_start3A_42 = arith.constant 0 : i32
          %dma_start3A_43 = arith.constant 0 : i32
          %dma_start3A_44 = tpu.memref_slice %arg4[%while3A_25, %dma_start3A_42, %dma_start3A_43] : memref<64x40x128xi32, #tpu.memory_space<hbm>> -> memref<1x40x128xi32, #tpu.memory_space<hbm>>
          %dma_start3A_45 = tpu.memref_squeeze %dma_start3A_44 : memref<1x40x128xi32, #tpu.memory_space<hbm>> -> memref<40x128xi32, #tpu.memory_space<hbm>>
          %dma_start3A_46 = arith.constant 0 : i32
          %dma_start3A_47 = arith.constant 0 : i32
          %dma_start3A_48 = tpu.memref_slice %arg4[%while3A_25, %dma_start3A_46, %dma_start3A_47] : memref<64x40x128xi32, #tpu.memory_space<hbm>> -> memref<1x40x128xi32, #tpu.memory_space<hbm>>
          %dma_start3A_49 = tpu.memref_squeeze %dma_start3A_48 : memref<1x40x128xi32, #tpu.memory_space<hbm>> -> memref<40x128xi32, #tpu.memory_space<hbm>>
          tpu.enqueue_dma source(%dma_start3A_49 : memref<40x128xi32, #tpu.memory_space<hbm>>) target(%arg8 : memref<40x128xi32, #tpu.memory_space<vmem>>) target_semaphore(%run_scoped3A : memref<!tpu.dma_semaphore, #tpu.memory_space<semaphore_mem>>)
          %dma_wait3A = arith.constant 0 : i32
          %dma_wait3A_50 = arith.constant 0 : i32
          %dma_wait3A_51 = tpu.memref_slice %arg4[%while3A_25, %dma_wait3A, %dma_wait3A_50] : memref<64x40x128xi32, #tpu.memory_space<hbm>> -> memref<1x40x128xi32, #tpu.memory_space<hbm>>
          %dma_wait3A_52 = tpu.memref_squeeze %dma_wait3A_51 : memref<1x40x128xi32, #tpu.memory_space<hbm>> -> memref<40x128xi32, #tpu.memory_space<hbm>>
          %dma_wait3A_53 = arith.constant 0 : i32
          %dma_wait3A_54 = arith.constant 0 : i32
          %dma_wait3A_55 = tpu.memref_slice %arg4[%while3A_25, %dma_wait3A_53, %dma_wait3A_54] : memref<64x40x128xi32, #tpu.memory_space<hbm>> -> memref<1x40x128xi32, #tpu.memory_space<hbm>>
          %dma_wait3A_56 = tpu.memref_squeeze %dma_wait3A_55 : memref<1x40x128xi32, #tpu.memory_space<hbm>> -> memref<40x128xi32, #tpu.memory_space<hbm>>
          tpu.wait_dma2 semaphore(%run_scoped3A : memref<!tpu.dma_semaphore, #tpu.memory_space<semaphore_mem>>) src(%dma_wait3A_56 : memref<40x128xi32, #tpu.memory_space<hbm>>) dst(%arg8 : memref<40x128xi32, #tpu.memory_space<vmem>>)
          tpu.yield
        }) : () -> ()
        %dma_start3A = arith.constant 0 : i32
        %dma_start3A_26 = arith.constant 0 : i32
        %dma_start3A_27 = arith.constant 0 : i32
        %dma_start3A_28 = arith.constant 0 : i32
        %dma_start3A_29 = tpu.memref_slice %arg9[%dma_start3A_26, %dma_start3A_27, %dma_start3A_28] : memref<2x128x128xf32, #tpu.memory_space<vmem>> -> memref<1x128x128xf32, #tpu.memory_space<vmem>>
        %dma_start3A_30 = tpu.memref_squeeze %dma_start3A_29 : memref<1x128x128xf32, #tpu.memory_space<vmem>> -> memref<128x128xf32, #tpu.memory_space<vmem>>
        %dma_start3A_31 = arith.constant 0 : i32
        %dma_start3A_32 = tpu.memref_slice %arg7[%dma_start3A, %dma_start3A_31] : memref<40x128xi32, #tpu.memory_space<vmem>> -> memref<1x128xi32, #tpu.memory_space<vmem>>
        %dma_start3A_33 = tpu.memref_squeeze %dma_start3A_32 : memref<1x128xi32, #tpu.memory_space<vmem>> -> memref<128xi32, #tpu.memory_space<vmem>>
        %dma_start3A_34 = arith.constant 0 : i32
        %dma_start3A_35 = arith.constant 0 : i32
        %dma_start3A_36 = tpu.memref_slice %arg2[%dma_start3A_34, %dma_start3A_35] : memref<10240x128xf32, #tpu.memory_space<hbm>> -> memref<10240x128xf32, #tpu.memory_space<hbm>>
        tpu.enqueue_indirect_dma source(%dma_start3A_36 : memref<10240x128xf32, #tpu.memory_space<hbm>>) target(%dma_start3A_30 : memref<128x128xf32, #tpu.memory_space<vmem>>) offsets(%dma_start3A_33 : memref<128xi32, #tpu.memory_space<vmem>>) semaphore(%arg11 : memref<!tpu.dma_semaphore, #tpu.memory_space<semaphore_mem>>)
        %scan3A = arith.constant 0 : i32
        %scan3A_37 = arith.constant 0 : i32
        %scan3A_38 = arith.constant 20 : i32
        %scan3A_39 = arith.addi %scan3A_37, %scan3A_38 : i32
        %scan3A_40 = arith.constant 1 : i32
        scf.for %scan3A_42 = %scan3A_37 to %scan3A_39 step %scan3A_40  : i32 {
          %mul3A_43 = arith.constant 2 : i32
          %mul3A_44 = arith.muli %scan3A_42, %mul3A_43 : i32
          %add3A_45 = arith.constant 0 : i32
          %add3A_46 = arith.addi %mul3A_44, %add3A_45 : i32
          %add3A_47 = arith.constant 1 : i32
          %add3A_48 = arith.addi %add3A_46, %add3A_47 : i32
          %lt3A = arith.constant 40 : i32
          %lt3A_49 = arith.cmpi slt, %add3A_48, %lt3A : i32
          %convert_element_type3A_50 = arith.extui %lt3A_49 : i1 to i32
          %cond3A_51 = arith.constant 0 : i32
          %cond3A_52 = arith.cmpi ne, %convert_element_type3A_50, %cond3A_51 : i32
          scf.if %cond3A_52 {
            %add3A_86 = arith.constant 1 : i32
            %add3A_87 = arith.addi %add3A_46, %add3A_86 : i32
            %dma_start3A_88 = arith.constant 1 : i32
            %dma_start3A_89 = arith.constant 0 : i32
            %dma_start3A_90 = arith.constant 0 : i32
            %dma_start3A_91 = tpu.memref_slice %arg9[%dma_start3A_88, %dma_start3A_89, %dma_start3A_90] : memref<2x128x128xf32, #tpu.memory_space<vmem>> -> memref<1x128x128xf32, #tpu.memory_space<vmem>>
            %dma_start3A_92 = tpu.memref_squeeze %dma_start3A_91 : memref<1x128x128xf32, #tpu.memory_space<vmem>> -> memref<128x128xf32, #tpu.memory_space<vmem>>
            %dma_start3A_93 = arith.constant 0 : i32
            %dma_start3A_94 = tpu.memref_slice %arg7[%add3A_87, %dma_start3A_93] : memref<40x128xi32, #tpu.memory_space<vmem>> -> memref<1x128xi32, #tpu.memory_space<vmem>>
            %dma_start3A_95 = tpu.memref_squeeze %dma_start3A_94 : memref<1x128xi32, #tpu.memory_space<vmem>> -> memref<128xi32, #tpu.memory_space<vmem>>
            %dma_start3A_96 = arith.constant 0 : i32
            %dma_start3A_97 = arith.constant 0 : i32
            %dma_start3A_98 = tpu.memref_slice %arg2[%dma_start3A_96, %dma_start3A_97] : memref<10240x128xf32, #tpu.memory_space<hbm>> -> memref<10240x128xf32, #tpu.memory_space<hbm>>
            tpu.enqueue_indirect_dma source(%dma_start3A_98 : memref<10240x128xf32, #tpu.memory_space<hbm>>) target(%dma_start3A_92 : memref<128x128xf32, #tpu.memory_space<vmem>>) offsets(%dma_start3A_95 : memref<128xi32, #tpu.memory_space<vmem>>) semaphore(%arg12 : memref<!tpu.dma_semaphore, #tpu.memory_space<semaphore_mem>>)
          } else {
          }
          %dma_wait3A = arith.constant 0 : i32
          %dma_wait3A_53 = arith.constant 0 : i32
          %dma_wait3A_54 = arith.constant 0 : i32
          %dma_wait3A_55 = tpu.memref_slice %arg9[%dma_wait3A, %dma_wait3A_53, %dma_wait3A_54] : memref<2x128x128xf32, #tpu.memory_space<vmem>> -> memref<1x128x128xf32, #tpu.memory_space<vmem>>
          %dma_wait3A_56 = tpu.memref_squeeze %dma_wait3A_55 : memref<1x128x128xf32, #tpu.memory_space<vmem>> -> memref<128x128xf32, #tpu.memory_space<vmem>>
          %dma_wait3A_57 = arith.constant 0 : i32
          %dma_wait3A_58 = tpu.memref_slice %arg7[%add3A_46, %dma_wait3A_57] : memref<40x128xi32, #tpu.memory_space<vmem>> -> memref<1x128xi32, #tpu.memory_space<vmem>>
          %dma_wait3A_59 = tpu.memref_squeeze %dma_wait3A_58 : memref<1x128xi32, #tpu.memory_space<vmem>> -> memref<128xi32, #tpu.memory_space<vmem>>
          %dma_wait3A_60 = arith.constant 0 : i32
          %dma_wait3A_61 = arith.constant 0 : i32
          %dma_wait3A_62 = tpu.memref_slice %arg2[%dma_wait3A_60, %dma_wait3A_61] : memref<10240x128xf32, #tpu.memory_space<hbm>> -> memref<10240x128xf32, #tpu.memory_space<hbm>>
          tpu.wait_indirect_dma semaphore(%arg11 : memref<!tpu.dma_semaphore, #tpu.memory_space<semaphore_mem>>) src(%dma_wait3A_62 : memref<10240x128xf32, #tpu.memory_space<hbm>>) dst(%dma_wait3A_56 : memref<128x128xf32, #tpu.memory_space<vmem>>)
          %run_scoped3A = arith.constant 0 : i32
          "tpu.region"() ({
            %run_scoped3A_86 = tpu.sem_alloc : memref<!tpu.dma_semaphore, #tpu.memory_space<semaphore_mem>>
            %dma_start3A_87 = arith.constant 0 : i32
            %dma_start3A_88 = arith.constant 0 : i32
            %dma_start3A_89 = tpu.memref_slice %arg9[%run_scoped3A, %dma_start3A_87, %dma_start3A_88] : memref<2x128x128xf32, #tpu.memory_space<vmem>> -> memref<1x128x128xf32, #tpu.memory_space<vmem>>
            %dma_start3A_90 = tpu.memref_squeeze %dma_start3A_89 : memref<1x128x128xf32, #tpu.memory_space<vmem>> -> memref<128x128xf32, #tpu.memory_space<vmem>>
            %dma_start3A_91 = arith.constant 0 : i32
            %dma_start3A_92 = tpu.memref_slice %arg8[%add3A_46, %dma_start3A_91] : memref<40x128xi32, #tpu.memory_space<vmem>> -> memref<1x128xi32, #tpu.memory_space<vmem>>
            %dma_start3A_93 = tpu.memref_squeeze %dma_start3A_92 : memref<1x128xi32, #tpu.memory_space<vmem>> -> memref<128xi32, #tpu.memory_space<vmem>>
            %dma_start3A_94 = arith.constant 0 : i32
            %dma_start3A_95 = arith.constant 0 : i32
            %dma_start3A_96 = tpu.memref_slice %arg10[%dma_start3A_94, %dma_start3A_95] : memref<10240x128xf32, #tpu.memory_space<vmem_shared>> -> memref<10240x128xf32, #tpu.memory_space<vmem_shared>>
            tpu.enqueue_indirect_dma source(%dma_start3A_90 : memref<128x128xf32, #tpu.memory_space<vmem>>) target(%dma_start3A_96 : memref<10240x128xf32, #tpu.memory_space<vmem_shared>>) offsets(%dma_start3A_93 : memref<128xi32, #tpu.memory_space<vmem>>) semaphore(%run_scoped3A_86 : memref<!tpu.dma_semaphore, #tpu.memory_space<semaphore_mem>>) {add = true}
            %dma_wait3A_97 = arith.constant 0 : i32
            %dma_wait3A_98 = arith.constant 0 : i32
            %dma_wait3A_99 = tpu.memref_slice %arg9[%run_scoped3A, %dma_wait3A_97, %dma_wait3A_98] : memref<2x128x128xf32, #tpu.memory_space<vmem>> -> memref<1x128x128xf32, #tpu.memory_space<vmem>>
            %dma_wait3A_100 = tpu.memref_squeeze %dma_wait3A_99 : memref<1x128x128xf32, #tpu.memory_space<vmem>> -> memref<128x128xf32, #tpu.memory_space<vmem>>
            %dma_wait3A_101 = arith.constant 0 : i32
            %dma_wait3A_102 = tpu.memref_slice %arg8[%add3A_46, %dma_wait3A_101] : memref<40x128xi32, #tpu.memory_space<vmem>> -> memref<1x128xi32, #tpu.memory_space<vmem>>
            %dma_wait3A_103 = tpu.memref_squeeze %dma_wait3A_102 : memref<1x128xi32, #tpu.memory_space<vmem>> -> memref<128xi32, #tpu.memory_space<vmem>>
            %dma_wait3A_104 = arith.constant 0 : i32
            %dma_wait3A_105 = arith.constant 0 : i32
            %dma_wait3A_106 = tpu.memref_slice %arg10[%dma_wait3A_104, %dma_wait3A_105] : memref<10240x128xf32, #tpu.memory_space<vmem_shared>> -> memref<10240x128xf32, #tpu.memory_space<vmem_shared>>
            tpu.wait_indirect_dma semaphore(%run_scoped3A_86 : memref<!tpu.dma_semaphore, #tpu.memory_space<semaphore_mem>>) src(%dma_wait3A_100 : memref<128x128xf32, #tpu.memory_space<vmem>>) dst(%dma_wait3A_106 : memref<10240x128xf32, #tpu.memory_space<vmem_shared>>)
            tpu.yield
          }) : () -> ()
          %mul3A_63 = arith.constant 2 : i32
          %mul3A_64 = arith.muli %scan3A_42, %mul3A_63 : i32
          %add3A_65 = arith.constant 1 : i32
          %add3A_66 = arith.addi %mul3A_64, %add3A_65 : i32
          %add3A_67 = arith.constant 1 : i32
          %add3A_68 = arith.addi %add3A_66, %add3A_67 : i32
          %lt3A_69 = arith.constant 40 : i32
          %lt3A_70 = arith.cmpi slt, %add3A_68, %lt3A_69 : i32
          %convert_element_type3A_71 = arith.extui %lt3A_70 : i1 to i32
          %cond3A_72 = arith.constant 0 : i32
          %cond3A_73 = arith.cmpi ne, %convert_element_type3A_71, %cond3A_72 : i32
          scf.if %cond3A_73 {
            %add3A_86 = arith.constant 1 : i32
            %add3A_87 = arith.addi %add3A_66, %add3A_86 : i32
            %dma_start3A_88 = arith.constant 0 : i32
            %dma_start3A_89 = arith.constant 0 : i32
            %dma_start3A_90 = arith.constant 0 : i32
            %dma_start3A_91 = tpu.memref_slice %arg9[%dma_start3A_88, %dma_start3A_89, %dma_start3A_90] : memref<2x128x128xf32, #tpu.memory_space<vmem>> -> memref<1x128x128xf32, #tpu.memory_space<vmem>>
            %dma_start3A_92 = tpu.memref_squeeze %dma_start3A_91 : memref<1x128x128xf32, #tpu.memory_space<vmem>> -> memref<128x128xf32, #tpu.memory_space<vmem>>
            %dma_start3A_93 = arith.constant 0 : i32
            %dma_start3A_94 = tpu.memref_slice %arg7[%add3A_87, %dma_start3A_93] : memref<40x128xi32, #tpu.memory_space<vmem>> -> memref<1x128xi32, #tpu.memory_space<vmem>>
            %dma_start3A_95 = tpu.memref_squeeze %dma_start3A_94 : memref<1x128xi32, #tpu.memory_space<vmem>> -> memref<128xi32, #tpu.memory_space<vmem>>
            %dma_start3A_96 = arith.constant 0 : i32
            %dma_start3A_97 = arith.constant 0 : i32
            %dma_start3A_98 = tpu.memref_slice %arg2[%dma_start3A_96, %dma_start3A_97] : memref<10240x128xf32, #tpu.memory_space<hbm>> -> memref<10240x128xf32, #tpu.memory_space<hbm>>
            tpu.enqueue_indirect_dma source(%dma_start3A_98 : memref<10240x128xf32, #tpu.memory_space<hbm>>) target(%dma_start3A_92 : memref<128x128xf32, #tpu.memory_space<vmem>>) offsets(%dma_start3A_95 : memref<128xi32, #tpu.memory_space<vmem>>) semaphore(%arg11 : memref<!tpu.dma_semaphore, #tpu.memory_space<semaphore_mem>>)
          } else {
          }
          %dma_wait3A_74 = arith.constant 1 : i32
          %dma_wait3A_75 = arith.constant 0 : i32
          %dma_wait3A_76 = arith.constant 0 : i32
          %dma_wait3A_77 = tpu.memref_slice %arg9[%dma_wait3A_74, %dma_wait3A_75, %dma_wait3A_76] : memref<2x128x128xf32, #tpu.memory_space<vmem>> -> memref<1x128x128xf32, #tpu.memory_space<vmem>>
          %dma_wait3A_78 = tpu.memref_squeeze %dma_wait3A_77 : memref<1x128x128xf32, #tpu.memory_space<vmem>> -> memref<128x128xf32, #tpu.memory_space<vmem>>
          %dma_wait3A_79 = arith.constant 0 : i32
          %dma_wait3A_80 = tpu.memref_slice %arg7[%add3A_66, %dma_wait3A_79] : memref<40x128xi32, #tpu.memory_space<vmem>> -> memref<1x128xi32, #tpu.memory_space<vmem>>
          %dma_wait3A_81 = tpu.memref_squeeze %dma_wait3A_80 : memref<1x128xi32, #tpu.memory_space<vmem>> -> memref<128xi32, #tpu.memory_space<vmem>>
          %dma_wait3A_82 = arith.constant 0 : i32
          %dma_wait3A_83 = arith.constant 0 : i32
          %dma_wait3A_84 = tpu.memref_slice %arg2[%dma_wait3A_82, %dma_wait3A_83] : memref<10240x128xf32, #tpu.memory_space<hbm>> -> memref<10240x128xf32, #tpu.memory_space<hbm>>
          tpu.wait_indirect_dma semaphore(%arg12 : memref<!tpu.dma_semaphore, #tpu.memory_space<semaphore_mem>>) src(%dma_wait3A_84 : memref<10240x128xf32, #tpu.memory_space<hbm>>) dst(%dma_wait3A_78 : memref<128x128xf32, #tpu.memory_space<vmem>>)
          %run_scoped3A_85 = arith.constant 1 : i32
          "tpu.region"() ({
            %run_scoped3A_86 = tpu.sem_alloc : memref<!tpu.dma_semaphore, #tpu.memory_space<semaphore_mem>>
            %dma_start3A_87 = arith.constant 0 : i32
            %dma_start3A_88 = arith.constant 0 : i32
            %dma_start3A_89 = tpu.memref_slice %arg9[%run_scoped3A_85, %dma_start3A_87, %dma_start3A_88] : memref<2x128x128xf32, #tpu.memory_space<vmem>> -> memref<1x128x128xf32, #tpu.memory_space<vmem>>
            %dma_start3A_90 = tpu.memref_squeeze %dma_start3A_89 : memref<1x128x128xf32, #tpu.memory_space<vmem>> -> memref<128x128xf32, #tpu.memory_space<vmem>>
            %dma_start3A_91 = arith.constant 0 : i32
            %dma_start3A_92 = tpu.memref_slice %arg8[%add3A_66, %dma_start3A_91] : memref<40x128xi32, #tpu.memory_space<vmem>> -> memref<1x128xi32, #tpu.memory_space<vmem>>
            %dma_start3A_93 = tpu.memref_squeeze %dma_start3A_92 : memref<1x128xi32, #tpu.memory_space<vmem>> -> memref<128xi32, #tpu.memory_space<vmem>>
            %dma_start3A_94 = arith.constant 0 : i32
            %dma_start3A_95 = arith.constant 0 : i32
            %dma_start3A_96 = tpu.memref_slice %arg10[%dma_start3A_94, %dma_start3A_95] : memref<10240x128xf32, #tpu.memory_space<vmem_shared>> -> memref<10240x128xf32, #tpu.memory_space<vmem_shared>>
            tpu.enqueue_indirect_dma source(%dma_start3A_90 : memref<128x128xf32, #tpu.memory_space<vmem>>) target(%dma_start3A_96 : memref<10240x128xf32, #tpu.memory_space<vmem_shared>>) offsets(%dma_start3A_93 : memref<128xi32, #tpu.memory_space<vmem>>) semaphore(%run_scoped3A_86 : memref<!tpu.dma_semaphore, #tpu.memory_space<semaphore_mem>>) {add = true}
            %dma_wait3A_97 = arith.constant 0 : i32
            %dma_wait3A_98 = arith.constant 0 : i32
            %dma_wait3A_99 = tpu.memref_slice %arg9[%run_scoped3A_85, %dma_wait3A_97, %dma_wait3A_98] : memref<2x128x128xf32, #tpu.memory_space<vmem>> -> memref<1x128x128xf32, #tpu.memory_space<vmem>>
            %dma_wait3A_100 = tpu.memref_squeeze %dma_wait3A_99 : memref<1x128x128xf32, #tpu.memory_space<vmem>> -> memref<128x128xf32, #tpu.memory_space<vmem>>
            %dma_wait3A_101 = arith.constant 0 : i32
            %dma_wait3A_102 = tpu.memref_slice %arg8[%add3A_66, %dma_wait3A_101] : memref<40x128xi32, #tpu.memory_space<vmem>> -> memref<1x128xi32, #tpu.memory_space<vmem>>
            %dma_wait3A_103 = tpu.memref_squeeze %dma_wait3A_102 : memref<1x128xi32, #tpu.memory_space<vmem>> -> memref<128xi32, #tpu.memory_space<vmem>>
            %dma_wait3A_104 = arith.constant 0 : i32
            %dma_wait3A_105 = arith.constant 0 : i32
            %dma_wait3A_106 = tpu.memref_slice %arg10[%dma_wait3A_104, %dma_wait3A_105] : memref<10240x128xf32, #tpu.memory_space<vmem_shared>> -> memref<10240x128xf32, #tpu.memory_space<vmem_shared>>
            tpu.wait_indirect_dma semaphore(%run_scoped3A_86 : memref<!tpu.dma_semaphore, #tpu.memory_space<semaphore_mem>>) src(%dma_wait3A_100 : memref<128x128xf32, #tpu.memory_space<vmem>>) dst(%dma_wait3A_106 : memref<10240x128xf32, #tpu.memory_space<vmem_shared>>)
            tpu.yield
          }) : () -> ()
        }
        %scan3A_41 = arith.constant 20 : i32
      }
      %while3A_24 = arith.constant 1 : i32
      scf.for %while3A_25 = %while3A_22 to %while3A_18 step %while3A_24  : i32 {
        "tpu.region"() ({
          %run_scoped3A = tpu.sem_alloc : memref<!tpu.dma_semaphore, #tpu.memory_space<semaphore_mem>>
          %dma_start3A_42 = arith.constant 0 : i32
          %dma_start3A_43 = arith.constant 0 : i32
          %dma_start3A_44 = tpu.memref_slice %arg3[%while3A_25, %dma_start3A_42, %dma_start3A_43] : memref<64x40x128xi32, #tpu.memory_space<hbm>> -> memref<1x40x128xi32, #tpu.memory_space<hbm>>
          %dma_start3A_45 = tpu.memref_squeeze %dma_start3A_44 : memref<1x40x128xi32, #tpu.memory_space<hbm>> -> memref<40x128xi32, #tpu.memory_space<hbm>>
          %dma_start3A_46 = arith.constant 0 : i32
          %dma_start3A_47 = arith.constant 0 : i32
          %dma_start3A_48 = tpu.memref_slice %arg3[%while3A_25, %dma_start3A_46, %dma_start3A_47] : memref<64x40x128xi32, #tpu.memory_space<hbm>> -> memref<1x40x128xi32, #tpu.memory_space<hbm>>
          %dma_start3A_49 = tpu.memref_squeeze %dma_start3A_48 : memref<1x40x128xi32, #tpu.memory_space<hbm>> -> memref<40x128xi32, #tpu.memory_space<hbm>>
          tpu.enqueue_dma source(%dma_start3A_49 : memref<40x128xi32, #tpu.memory_space<hbm>>) target(%arg7 : memref<40x128xi32, #tpu.memory_space<vmem>>) target_semaphore(%run_scoped3A : memref<!tpu.dma_semaphore, #tpu.memory_space<semaphore_mem>>)
          %dma_wait3A = arith.constant 0 : i32
          %dma_wait3A_50 = arith.constant 0 : i32
          %dma_wait3A_51 = tpu.memref_slice %arg3[%while3A_25, %dma_wait3A, %dma_wait3A_50] : memref<64x40x128xi32, #tpu.memory_space<hbm>> -> memref<1x40x128xi32, #tpu.memory_space<hbm>>
          %dma_wait3A_52 = tpu.memref_squeeze %dma_wait3A_51 : memref<1x40x128xi32, #tpu.memory_space<hbm>> -> memref<40x128xi32, #tpu.memory_space<hbm>>
          %dma_wait3A_53 = arith.constant 0 : i32
          %dma_wait3A_54 = arith.constant 0 : i32
          %dma_wait3A_55 = tpu.memref_slice %arg3[%while3A_25, %dma_wait3A_53, %dma_wait3A_54] : memref<64x40x128xi32, #tpu.memory_space<hbm>> -> memref<1x40x128xi32, #tpu.memory_space<hbm>>
          %dma_wait3A_56 = tpu.memref_squeeze %dma_wait3A_55 : memref<1x40x128xi32, #tpu.memory_space<hbm>> -> memref<40x128xi32, #tpu.memory_space<hbm>>
          tpu.wait_dma2 semaphore(%run_scoped3A : memref<!tpu.dma_semaphore, #tpu.memory_space<semaphore_mem>>) src(%dma_wait3A_56 : memref<40x128xi32, #tpu.memory_space<hbm>>) dst(%arg7 : memref<40x128xi32, #tpu.memory_space<vmem>>)
          tpu.yield
        }) : () -> ()
        "tpu.region"() ({
          %run_scoped3A = tpu.sem_alloc : memref<!tpu.dma_semaphore, #tpu.memory_space<semaphore_mem>>
          %dma_start3A_42 = arith.constant 0 : i32
          %dma_start3A_43 = arith.constant 0 : i32
          %dma_start3A_44 = tpu.memref_slice %arg4[%while3A_25, %dma_start3A_42, %dma_start3A_43] : memref<64x40x128xi32, #tpu.memory_space<hbm>> -> memref<1x40x128xi32, #tpu.memory_space<hbm>>
          %dma_start3A_45 = tpu.memref_squeeze %dma_start3A_44 : memref<1x40x128xi32, #tpu.memory_space<hbm>> -> memref<40x128xi32, #tpu.memory_space<hbm>>
          %dma_start3A_46 = arith.constant 0 : i32
          %dma_start3A_47 = arith.constant 0 : i32
          %dma_start3A_48 = tpu.memref_slice %arg4[%while3A_25, %dma_start3A_46, %dma_start3A_47] : memref<64x40x128xi32, #tpu.memory_space<hbm>> -> memref<1x40x128xi32, #tpu.memory_space<hbm>>
          %dma_start3A_49 = tpu.memref_squeeze %dma_start3A_48 : memref<1x40x128xi32, #tpu.memory_space<hbm>> -> memref<40x128xi32, #tpu.memory_space<hbm>>
          tpu.enqueue_dma source(%dma_start3A_49 : memref<40x128xi32, #tpu.memory_space<hbm>>) target(%arg8 : memref<40x128xi32, #tpu.memory_space<vmem>>) target_semaphore(%run_scoped3A : memref<!tpu.dma_semaphore, #tpu.memory_space<semaphore_mem>>)
          %dma_wait3A = arith.constant 0 : i32
          %dma_wait3A_50 = arith.constant 0 : i32
          %dma_wait3A_51 = tpu.memref_slice %arg4[%while3A_25, %dma_wait3A, %dma_wait3A_50] : memref<64x40x128xi32, #tpu.memory_space<hbm>> -> memref<1x40x128xi32, #tpu.memory_space<hbm>>
          %dma_wait3A_52 = tpu.memref_squeeze %dma_wait3A_51 : memref<1x40x128xi32, #tpu.memory_space<hbm>> -> memref<40x128xi32, #tpu.memory_space<hbm>>
          %dma_wait3A_53 = arith.constant 0 : i32
          %dma_wait3A_54 = arith.constant 0 : i32
          %dma_wait3A_55 = tpu.memref_slice %arg4[%while3A_25, %dma_wait3A_53, %dma_wait3A_54] : memref<64x40x128xi32, #tpu.memory_space<hbm>> -> memref<1x40x128xi32, #tpu.memory_space<hbm>>
          %dma_wait3A_56 = tpu.memref_squeeze %dma_wait3A_55 : memref<1x40x128xi32, #tpu.memory_space<hbm>> -> memref<40x128xi32, #tpu.memory_space<hbm>>
          tpu.wait_dma2 semaphore(%run_scoped3A : memref<!tpu.dma_semaphore, #tpu.memory_space<semaphore_mem>>) src(%dma_wait3A_56 : memref<40x128xi32, #tpu.memory_space<hbm>>) dst(%arg8 : memref<40x128xi32, #tpu.memory_space<vmem>>)
          tpu.yield
        }) : () -> ()
        %dma_start3A = arith.constant 0 : i32
        %dma_start3A_26 = arith.constant 0 : i32
        %dma_start3A_27 = arith.constant 0 : i32
        %dma_start3A_28 = arith.constant 0 : i32
        %dma_start3A_29 = tpu.memref_slice %arg9[%dma_start3A_26, %dma_start3A_27, %dma_start3A_28] : memref<2x128x128xf32, #tpu.memory_space<vmem>> -> memref<1x128x128xf32, #tpu.memory_space<vmem>>
        %dma_start3A_30 = tpu.memref_squeeze %dma_start3A_29 : memref<1x128x128xf32, #tpu.memory_space<vmem>> -> memref<128x128xf32, #tpu.memory_space<vmem>>
        %dma_start3A_31 = arith.constant 0 : i32
        %dma_start3A_32 = tpu.memref_slice %arg7[%dma_start3A, %dma_start3A_31] : memref<40x128xi32, #tpu.memory_space<vmem>> -> memref<1x128xi32, #tpu.memory_space<vmem>>
        %dma_start3A_33 = tpu.memref_squeeze %dma_start3A_32 : memref<1x128xi32, #tpu.memory_space<vmem>> -> memref<128xi32, #tpu.memory_space<vmem>>
        %dma_start3A_34 = arith.constant 0 : i32
        %dma_start3A_35 = arith.constant 0 : i32
        %dma_start3A_36 = tpu.memref_slice %arg2[%dma_start3A_34, %dma_start3A_35] : memref<10240x128xf32, #tpu.memory_space<hbm>> -> memref<10240x128xf32, #tpu.memory_space<hbm>>
        tpu.enqueue_indirect_dma source(%dma_start3A_36 : memref<10240x128xf32, #tpu.memory_space<hbm>>) target(%dma_start3A_30 : memref<128x128xf32, #tpu.memory_space<vmem>>) offsets(%dma_start3A_33 : memref<128xi32, #tpu.memory_space<vmem>>) semaphore(%arg11 : memref<!tpu.dma_semaphore, #tpu.memory_space<semaphore_mem>>)
        %scan3A = arith.constant 0 : i32
        %scan3A_37 = arith.constant 0 : i32
        %scan3A_38 = arith.constant 20 : i32
        %scan3A_39 = arith.addi %scan3A_37, %scan3A_38 : i32
        %scan3A_40 = arith.constant 1 : i32
        scf.for %scan3A_42 = %scan3A_37 to %scan3A_39 step %scan3A_40  : i32 {
          %mul3A_43 = arith.constant 2 : i32
          %mul3A_44 = arith.muli %scan3A_42, %mul3A_43 : i32
          %add3A_45 = arith.constant 0 : i32
          %add3A_46 = arith.addi %mul3A_44, %add3A_45 : i32
          %add3A_47 = arith.constant 1 : i32
          %add3A_48 = arith.addi %add3A_46, %add3A_47 : i32
          %lt3A = arith.constant 40 : i32
          %lt3A_49 = arith.cmpi slt, %add3A_48, %lt3A : i32
          %convert_element_type3A_50 = arith.extui %lt3A_49 : i1 to i32
          %cond3A_51 = arith.constant 0 : i32
          %cond3A_52 = arith.cmpi ne, %convert_element_type3A_50, %cond3A_51 : i32
          scf.if %cond3A_52 {
            %add3A_86 = arith.constant 1 : i32
            %add3A_87 = arith.addi %add3A_46, %add3A_86 : i32
            %dma_start3A_88 = arith.constant 1 : i32
            %dma_start3A_89 = arith.constant 0 : i32
            %dma_start3A_90 = arith.constant 0 : i32
            %dma_start3A_91 = tpu.memref_slice %arg9[%dma_start3A_88, %dma_start3A_89, %dma_start3A_90] : memref<2x128x128xf32, #tpu.memory_space<vmem>> -> memref<1x128x128xf32, #tpu.memory_space<vmem>>
            %dma_start3A_92 = tpu.memref_squeeze %dma_start3A_91 : memref<1x128x128xf32, #tpu.memory_space<vmem>> -> memref<128x128xf32, #tpu.memory_space<vmem>>
            %dma_start3A_93 = arith.constant 0 : i32
            %dma_start3A_94 = tpu.memref_slice %arg7[%add3A_87, %dma_start3A_93] : memref<40x128xi32, #tpu.memory_space<vmem>> -> memref<1x128xi32, #tpu.memory_space<vmem>>
            %dma_start3A_95 = tpu.memref_squeeze %dma_start3A_94 : memref<1x128xi32, #tpu.memory_space<vmem>> -> memref<128xi32, #tpu.memory_space<vmem>>
            %dma_start3A_96 = arith.constant 0 : i32
            %dma_start3A_97 = arith.constant 0 : i32
            %dma_start3A_98 = tpu.memref_slice %arg2[%dma_start3A_96, %dma_start3A_97] : memref<10240x128xf32, #tpu.memory_space<hbm>> -> memref<10240x128xf32, #tpu.memory_space<hbm>>
            tpu.enqueue_indirect_dma source(%dma_start3A_98 : memref<10240x128xf32, #tpu.memory_space<hbm>>) target(%dma_start3A_92 : memref<128x128xf32, #tpu.memory_space<vmem>>) offsets(%dma_start3A_95 : memref<128xi32, #tpu.memory_space<vmem>>) semaphore(%arg12 : memref<!tpu.dma_semaphore, #tpu.memory_space<semaphore_mem>>)
          } else {
          }
          %dma_wait3A = arith.constant 0 : i32
          %dma_wait3A_53 = arith.constant 0 : i32
          %dma_wait3A_54 = arith.constant 0 : i32
          %dma_wait3A_55 = tpu.memref_slice %arg9[%dma_wait3A, %dma_wait3A_53, %dma_wait3A_54] : memref<2x128x128xf32, #tpu.memory_space<vmem>> -> memref<1x128x128xf32, #tpu.memory_space<vmem>>
          %dma_wait3A_56 = tpu.memref_squeeze %dma_wait3A_55 : memref<1x128x128xf32, #tpu.memory_space<vmem>> -> memref<128x128xf32, #tpu.memory_space<vmem>>
          %dma_wait3A_57 = arith.constant 0 : i32
          %dma_wait3A_58 = tpu.memref_slice %arg7[%add3A_46, %dma_wait3A_57] : memref<40x128xi32, #tpu.memory_space<vmem>> -> memref<1x128xi32, #tpu.memory_space<vmem>>
          %dma_wait3A_59 = tpu.memref_squeeze %dma_wait3A_58 : memref<1x128xi32, #tpu.memory_space<vmem>> -> memref<128xi32, #tpu.memory_space<vmem>>
          %dma_wait3A_60 = arith.constant 0 : i32
          %dma_wait3A_61 = arith.constant 0 : i32
          %dma_wait3A_62 = tpu.memref_slice %arg2[%dma_wait3A_60, %dma_wait3A_61] : memref<10240x128xf32, #tpu.memory_space<hbm>> -> memref<10240x128xf32, #tpu.memory_space<hbm>>
          tpu.wait_indirect_dma semaphore(%arg11 : memref<!tpu.dma_semaphore, #tpu.memory_space<semaphore_mem>>) src(%dma_wait3A_62 : memref<10240x128xf32, #tpu.memory_space<hbm>>) dst(%dma_wait3A_56 : memref<128x128xf32, #tpu.memory_space<vmem>>)
          %run_scoped3A = arith.constant 0 : i32
          "tpu.region"() ({
            %run_scoped3A_86 = tpu.sem_alloc : memref<!tpu.dma_semaphore, #tpu.memory_space<semaphore_mem>>
            %dma_start3A_87 = arith.constant 0 : i32
            %dma_start3A_88 = arith.constant 0 : i32
            %dma_start3A_89 = tpu.memref_slice %arg9[%run_scoped3A, %dma_start3A_87, %dma_start3A_88] : memref<2x128x128xf32, #tpu.memory_space<vmem>> -> memref<1x128x128xf32, #tpu.memory_space<vmem>>
            %dma_start3A_90 = tpu.memref_squeeze %dma_start3A_89 : memref<1x128x128xf32, #tpu.memory_space<vmem>> -> memref<128x128xf32, #tpu.memory_space<vmem>>
            %dma_start3A_91 = arith.constant 0 : i32
            %dma_start3A_92 = tpu.memref_slice %arg8[%add3A_46, %dma_start3A_91] : memref<40x128xi32, #tpu.memory_space<vmem>> -> memref<1x128xi32, #tpu.memory_space<vmem>>
            %dma_start3A_93 = tpu.memref_squeeze %dma_start3A_92 : memref<1x128xi32, #tpu.memory_space<vmem>> -> memref<128xi32, #tpu.memory_space<vmem>>
            %dma_start3A_94 = arith.constant 0 : i32
            %dma_start3A_95 = arith.constant 0 : i32
            %dma_start3A_96 = tpu.memref_slice %arg10[%dma_start3A_94, %dma_start3A_95] : memref<10240x128xf32, #tpu.memory_space<vmem_shared>> -> memref<10240x128xf32, #tpu.memory_space<vmem_shared>>
            tpu.enqueue_indirect_dma source(%dma_start3A_90 : memref<128x128xf32, #tpu.memory_space<vmem>>) target(%dma_start3A_96 : memref<10240x128xf32, #tpu.memory_space<vmem_shared>>) offsets(%dma_start3A_93 : memref<128xi32, #tpu.memory_space<vmem>>) semaphore(%run_scoped3A_86 : memref<!tpu.dma_semaphore, #tpu.memory_space<semaphore_mem>>) {add = true}
            %dma_wait3A_97 = arith.constant 0 : i32
            %dma_wait3A_98 = arith.constant 0 : i32
            %dma_wait3A_99 = tpu.memref_slice %arg9[%run_scoped3A, %dma_wait3A_97, %dma_wait3A_98] : memref<2x128x128xf32, #tpu.memory_space<vmem>> -> memref<1x128x128xf32, #tpu.memory_space<vmem>>
            %dma_wait3A_100 = tpu.memref_squeeze %dma_wait3A_99 : memref<1x128x128xf32, #tpu.memory_space<vmem>> -> memref<128x128xf32, #tpu.memory_space<vmem>>
            %dma_wait3A_101 = arith.constant 0 : i32
            %dma_wait3A_102 = tpu.memref_slice %arg8[%add3A_46, %dma_wait3A_101] : memref<40x128xi32, #tpu.memory_space<vmem>> -> memref<1x128xi32, #tpu.memory_space<vmem>>
            %dma_wait3A_103 = tpu.memref_squeeze %dma_wait3A_102 : memref<1x128xi32, #tpu.memory_space<vmem>> -> memref<128xi32, #tpu.memory_space<vmem>>
            %dma_wait3A_104 = arith.constant 0 : i32
            %dma_wait3A_105 = arith.constant 0 : i32
            %dma_wait3A_106 = tpu.memref_slice %arg10[%dma_wait3A_104, %dma_wait3A_105] : memref<10240x128xf32, #tpu.memory_space<vmem_shared>> -> memref<10240x128xf32, #tpu.memory_space<vmem_shared>>
            tpu.wait_indirect_dma semaphore(%run_scoped3A_86 : memref<!tpu.dma_semaphore, #tpu.memory_space<semaphore_mem>>) src(%dma_wait3A_100 : memref<128x128xf32, #tpu.memory_space<vmem>>) dst(%dma_wait3A_106 : memref<10240x128xf32, #tpu.memory_space<vmem_shared>>)
            tpu.yield
          }) : () -> ()
          %mul3A_63 = arith.constant 2 : i32
          %mul3A_64 = arith.muli %scan3A_42, %mul3A_63 : i32
          %add3A_65 = arith.constant 1 : i32
          %add3A_66 = arith.addi %mul3A_64, %add3A_65 : i32
          %add3A_67 = arith.constant 1 : i32
          %add3A_68 = arith.addi %add3A_66, %add3A_67 : i32
          %lt3A_69 = arith.constant 40 : i32
          %lt3A_70 = arith.cmpi slt, %add3A_68, %lt3A_69 : i32
          %convert_element_type3A_71 = arith.extui %lt3A_70 : i1 to i32
          %cond3A_72 = arith.constant 0 : i32
          %cond3A_73 = arith.cmpi ne, %convert_element_type3A_71, %cond3A_72 : i32
          scf.if %cond3A_73 {
            %add3A_86 = arith.constant 1 : i32
            %add3A_87 = arith.addi %add3A_66, %add3A_86 : i32
            %dma_start3A_88 = arith.constant 0 : i32
            %dma_start3A_89 = arith.constant 0 : i32
            %dma_start3A_90 = arith.constant 0 : i32
            %dma_start3A_91 = tpu.memref_slice %arg9[%dma_start3A_88, %dma_start3A_89, %dma_start3A_90] : memref<2x128x128xf32, #tpu.memory_space<vmem>> -> memref<1x128x128xf32, #tpu.memory_space<vmem>>
            %dma_start3A_92 = tpu.memref_squeeze %dma_start3A_91 : memref<1x128x128xf32, #tpu.memory_space<vmem>> -> memref<128x128xf32, #tpu.memory_space<vmem>>
            %dma_start3A_93 = arith.constant 0 : i32
            %dma_start3A_94 = tpu.memref_slice %arg7[%add3A_87, %dma_start3A_93] : memref<40x128xi32, #tpu.memory_space<vmem>> -> memref<1x128xi32, #tpu.memory_space<vmem>>
            %dma_start3A_95 = tpu.memref_squeeze %dma_start3A_94 : memref<1x128xi32, #tpu.memory_space<vmem>> -> memref<128xi32, #tpu.memory_space<vmem>>
            %dma_start3A_96 = arith.constant 0 : i32
            %dma_start3A_97 = arith.constant 0 : i32
            %dma_start3A_98 = tpu.memref_slice %arg2[%dma_start3A_96, %dma_start3A_97] : memref<10240x128xf32, #tpu.memory_space<hbm>> -> memref<10240x128xf32, #tpu.memory_space<hbm>>
            tpu.enqueue_indirect_dma source(%dma_start3A_98 : memref<10240x128xf32, #tpu.memory_space<hbm>>) target(%dma_start3A_92 : memref<128x128xf32, #tpu.memory_space<vmem>>) offsets(%dma_start3A_95 : memref<128xi32, #tpu.memory_space<vmem>>) semaphore(%arg11 : memref<!tpu.dma_semaphore, #tpu.memory_space<semaphore_mem>>)
          } else {
          }
          %dma_wait3A_74 = arith.constant 1 : i32
          %dma_wait3A_75 = arith.constant 0 : i32
          %dma_wait3A_76 = arith.constant 0 : i32
          %dma_wait3A_77 = tpu.memref_slice %arg9[%dma_wait3A_74, %dma_wait3A_75, %dma_wait3A_76] : memref<2x128x128xf32, #tpu.memory_space<vmem>> -> memref<1x128x128xf32, #tpu.memory_space<vmem>>
          %dma_wait3A_78 = tpu.memref_squeeze %dma_wait3A_77 : memref<1x128x128xf32, #tpu.memory_space<vmem>> -> memref<128x128xf32, #tpu.memory_space<vmem>>
          %dma_wait3A_79 = arith.constant 0 : i32
          %dma_wait3A_80 = tpu.memref_slice %arg7[%add3A_66, %dma_wait3A_79] : memref<40x128xi32, #tpu.memory_space<vmem>> -> memref<1x128xi32, #tpu.memory_space<vmem>>
          %dma_wait3A_81 = tpu.memref_squeeze %dma_wait3A_80 : memref<1x128xi32, #tpu.memory_space<vmem>> -> memref<128xi32, #tpu.memory_space<vmem>>
          %dma_wait3A_82 = arith.constant 0 : i32
          %dma_wait3A_83 = arith.constant 0 : i32
          %dma_wait3A_84 = tpu.memref_slice %arg2[%dma_wait3A_82, %dma_wait3A_83] : memref<10240x128xf32, #tpu.memory_space<hbm>> -> memref<10240x128xf32, #tpu.memory_space<hbm>>
          tpu.wait_indirect_dma semaphore(%arg12 : memref<!tpu.dma_semaphore, #tpu.memory_space<semaphore_mem>>) src(%dma_wait3A_84 : memref<10240x128xf32, #tpu.memory_space<hbm>>) dst(%dma_wait3A_78 : memref<128x128xf32, #tpu.memory_space<vmem>>)
          %run_scoped3A_85 = arith.constant 1 : i32
          "tpu.region"() ({
            %run_scoped3A_86 = tpu.sem_alloc : memref<!tpu.dma_semaphore, #tpu.memory_space<semaphore_mem>>
            %dma_start3A_87 = arith.constant 0 : i32
            %dma_start3A_88 = arith.constant 0 : i32
            %dma_start3A_89 = tpu.memref_slice %arg9[%run_scoped3A_85, %dma_start3A_87, %dma_start3A_88] : memref<2x128x128xf32, #tpu.memory_space<vmem>> -> memref<1x128x128xf32, #tpu.memory_space<vmem>>
            %dma_start3A_90 = tpu.memref_squeeze %dma_start3A_89 : memref<1x128x128xf32, #tpu.memory_space<vmem>> -> memref<128x128xf32, #tpu.memory_space<vmem>>
            %dma_start3A_91 = arith.constant 0 : i32
            %dma_start3A_92 = tpu.memref_slice %arg8[%add3A_66, %dma_start3A_91] : memref<40x128xi32, #tpu.memory_space<vmem>> -> memref<1x128xi32, #tpu.memory_space<vmem>>
            %dma_start3A_93 = tpu.memref_squeeze %dma_start3A_92 : memref<1x128xi32, #tpu.memory_space<vmem>> -> memref<128xi32, #tpu.memory_space<vmem>>
            %dma_start3A_94 = arith.constant 0 : i32
            %dma_start3A_95 = arith.constant 0 : i32
            %dma_start3A_96 = tpu.memref_slice %arg10[%dma_start3A_94, %dma_start3A_95] : memref<10240x128xf32, #tpu.memory_space<vmem_shared>> -> memref<10240x128xf32, #tpu.memory_space<vmem_shared>>
            tpu.enqueue_indirect_dma source(%dma_start3A_90 : memref<128x128xf32, #tpu.memory_space<vmem>>) target(%dma_start3A_96 : memref<10240x128xf32, #tpu.memory_space<vmem_shared>>) offsets(%dma_start3A_93 : memref<128xi32, #tpu.memory_space<vmem>>) semaphore(%run_scoped3A_86 : memref<!tpu.dma_semaphore, #tpu.memory_space<semaphore_mem>>) {add = true}
            %dma_wait3A_97 = arith.constant 0 : i32
            %dma_wait3A_98 = arith.constant 0 : i32
            %dma_wait3A_99 = tpu.memref_slice %arg9[%run_scoped3A_85, %dma_wait3A_97, %dma_wait3A_98] : memref<2x128x128xf32, #tpu.memory_space<vmem>> -> memref<1x128x128xf32, #tpu.memory_space<vmem>>
            %dma_wait3A_100 = tpu.memref_squeeze %dma_wait3A_99 : memref<1x128x128xf32, #tpu.memory_space<vmem>> -> memref<128x128xf32, #tpu.memory_space<vmem>>
            %dma_wait3A_101 = arith.constant 0 : i32
            %dma_wait3A_102 = tpu.memref_slice %arg8[%add3A_66, %dma_wait3A_101] : memref<40x128xi32, #tpu.memory_space<vmem>> -> memref<1x128xi32, #tpu.memory_space<vmem>>
            %dma_wait3A_103 = tpu.memref_squeeze %dma_wait3A_102 : memref<1x128xi32, #tpu.memory_space<vmem>> -> memref<128xi32, #tpu.memory_space<vmem>>
            %dma_wait3A_104 = arith.constant 0 : i32
            %dma_wait3A_105 = arith.constant 0 : i32
            %dma_wait3A_106 = tpu.memref_slice %arg10[%dma_wait3A_104, %dma_wait3A_105] : memref<10240x128xf32, #tpu.memory_space<vmem_shared>> -> memref<10240x128xf32, #tpu.memory_space<vmem_shared>>
            tpu.wait_indirect_dma semaphore(%run_scoped3A_86 : memref<!tpu.dma_semaphore, #tpu.memory_space<semaphore_mem>>) src(%dma_wait3A_100 : memref<128x128xf32, #tpu.memory_space<vmem>>) dst(%dma_wait3A_106 : memref<10240x128xf32, #tpu.memory_space<vmem_shared>>)
            tpu.yield
          }) : () -> ()
        }
        %scan3A_41 = arith.constant 20 : i32
      }
    } else {
    }
    %eq3A_5 = arith.constant 1 : i32
    %eq3A_6 = arith.cmpi eq, %arg0, %eq3A_5 : i32
    %convert_element_type3A_7 = arith.extui %eq3A_6 : i1 to i32
    %cond3A_8 = arith.constant 0 : i32
    %cond3A_9 = arith.cmpi ne, %convert_element_type3A_7, %cond3A_8 : i32
    scf.if %cond3A_9 {
      %mul3A_11 = arith.constant 2 : i32
      %mul3A_12 = arith.muli %arg1, %mul3A_11 : i32
      %add3A_13 = arith.constant 32 : i32
      %add3A_14 = arith.addi %add3A_13, %mul3A_12 : i32
      %add3A_15 = arith.constant 2 : i32
      %add3A_16 = arith.addi %add3A_14, %add3A_15 : i32
      %while3A = arith.constant 0 : i32
      %while3A_17 = arith.subi %add3A_16, %add3A_14 : i32
      %while3A_18 = arith.addi %add3A_14, %while3A_17 : i32
      %while3A_19 = arith.constant 1 : i32
      %while3A_20 = arith.divsi %while3A_17, %while3A_19 : i32
      %while3A_21 = arith.muli %while3A_20, %while3A_19 : i32
      %while3A_22 = arith.addi %add3A_14, %while3A_21 : i32
      %while3A_23 = arith.constant 1 : i32
      scf.for %while3A_25 = %add3A_14 to %while3A_22 step %while3A_23  : i32 {
        "tpu.region"() ({
          %run_scoped3A = tpu.sem_alloc : memref<!tpu.dma_semaphore, #tpu.memory_space<semaphore_mem>>
          %dma_start3A_42 = arith.constant 0 : i32
          %dma_start3A_43 = arith.constant 0 : i32
          %dma_start3A_44 = tpu.memref_slice %arg3[%while3A_25, %dma_start3A_42, %dma_start3A_43] : memref<64x40x128xi32, #tpu.memory_space<hbm>> -> memref<1x40x128xi32, #tpu.memory_space<hbm>>
          %dma_start3A_45 = tpu.memref_squeeze %dma_start3A_44 : memref<1x40x128xi32, #tpu.memory_space<hbm>> -> memref<40x128xi32, #tpu.memory_space<hbm>>
          %dma_start3A_46 = arith.constant 0 : i32
          %dma_start3A_47 = arith.constant 0 : i32
          %dma_start3A_48 = tpu.memref_slice %arg3[%while3A_25, %dma_start3A_46, %dma_start3A_47] : memref<64x40x128xi32, #tpu.memory_space<hbm>> -> memref<1x40x128xi32, #tpu.memory_space<hbm>>
          %dma_start3A_49 = tpu.memref_squeeze %dma_start3A_48 : memref<1x40x128xi32, #tpu.memory_space<hbm>> -> memref<40x128xi32, #tpu.memory_space<hbm>>
          tpu.enqueue_dma source(%dma_start3A_49 : memref<40x128xi32, #tpu.memory_space<hbm>>) target(%arg7 : memref<40x128xi32, #tpu.memory_space<vmem>>) target_semaphore(%run_scoped3A : memref<!tpu.dma_semaphore, #tpu.memory_space<semaphore_mem>>)
          %dma_wait3A = arith.constant 0 : i32
          %dma_wait3A_50 = arith.constant 0 : i32
          %dma_wait3A_51 = tpu.memref_slice %arg3[%while3A_25, %dma_wait3A, %dma_wait3A_50] : memref<64x40x128xi32, #tpu.memory_space<hbm>> -> memref<1x40x128xi32, #tpu.memory_space<hbm>>
          %dma_wait3A_52 = tpu.memref_squeeze %dma_wait3A_51 : memref<1x40x128xi32, #tpu.memory_space<hbm>> -> memref<40x128xi32, #tpu.memory_space<hbm>>
          %dma_wait3A_53 = arith.constant 0 : i32
          %dma_wait3A_54 = arith.constant 0 : i32
          %dma_wait3A_55 = tpu.memref_slice %arg3[%while3A_25, %dma_wait3A_53, %dma_wait3A_54] : memref<64x40x128xi32, #tpu.memory_space<hbm>> -> memref<1x40x128xi32, #tpu.memory_space<hbm>>
          %dma_wait3A_56 = tpu.memref_squeeze %dma_wait3A_55 : memref<1x40x128xi32, #tpu.memory_space<hbm>> -> memref<40x128xi32, #tpu.memory_space<hbm>>
          tpu.wait_dma2 semaphore(%run_scoped3A : memref<!tpu.dma_semaphore, #tpu.memory_space<semaphore_mem>>) src(%dma_wait3A_56 : memref<40x128xi32, #tpu.memory_space<hbm>>) dst(%arg7 : memref<40x128xi32, #tpu.memory_space<vmem>>)
          tpu.yield
        }) : () -> ()
        "tpu.region"() ({
          %run_scoped3A = tpu.sem_alloc : memref<!tpu.dma_semaphore, #tpu.memory_space<semaphore_mem>>
          %dma_start3A_42 = arith.constant 0 : i32
          %dma_start3A_43 = arith.constant 0 : i32
          %dma_start3A_44 = tpu.memref_slice %arg4[%while3A_25, %dma_start3A_42, %dma_start3A_43] : memref<64x40x128xi32, #tpu.memory_space<hbm>> -> memref<1x40x128xi32, #tpu.memory_space<hbm>>
          %dma_start3A_45 = tpu.memref_squeeze %dma_start3A_44 : memref<1x40x128xi32, #tpu.memory_space<hbm>> -> memref<40x128xi32, #tpu.memory_space<hbm>>
          %dma_start3A_46 = arith.constant 0 : i32
          %dma_start3A_47 = arith.constant 0 : i32
          %dma_start3A_48 = tpu.memref_slice %arg4[%while3A_25, %dma_start3A_46, %dma_start3A_47] : memref<64x40x128xi32, #tpu.memory_space<hbm>> -> memref<1x40x128xi32, #tpu.memory_space<hbm>>
          %dma_start3A_49 = tpu.memref_squeeze %dma_start3A_48 : memref<1x40x128xi32, #tpu.memory_space<hbm>> -> memref<40x128xi32, #tpu.memory_space<hbm>>
          tpu.enqueue_dma source(%dma_start3A_49 : memref<40x128xi32, #tpu.memory_space<hbm>>) target(%arg8 : memref<40x128xi32, #tpu.memory_space<vmem>>) target_semaphore(%run_scoped3A : memref<!tpu.dma_semaphore, #tpu.memory_space<semaphore_mem>>)
          %dma_wait3A = arith.constant 0 : i32
          %dma_wait3A_50 = arith.constant 0 : i32
          %dma_wait3A_51 = tpu.memref_slice %arg4[%while3A_25, %dma_wait3A, %dma_wait3A_50] : memref<64x40x128xi32, #tpu.memory_space<hbm>> -> memref<1x40x128xi32, #tpu.memory_space<hbm>>
          %dma_wait3A_52 = tpu.memref_squeeze %dma_wait3A_51 : memref<1x40x128xi32, #tpu.memory_space<hbm>> -> memref<40x128xi32, #tpu.memory_space<hbm>>
          %dma_wait3A_53 = arith.constant 0 : i32
          %dma_wait3A_54 = arith.constant 0 : i32
          %dma_wait3A_55 = tpu.memref_slice %arg4[%while3A_25, %dma_wait3A_53, %dma_wait3A_54] : memref<64x40x128xi32, #tpu.memory_space<hbm>> -> memref<1x40x128xi32, #tpu.memory_space<hbm>>
          %dma_wait3A_56 = tpu.memref_squeeze %dma_wait3A_55 : memref<1x40x128xi32, #tpu.memory_space<hbm>> -> memref<40x128xi32, #tpu.memory_space<hbm>>
          tpu.wait_dma2 semaphore(%run_scoped3A : memref<!tpu.dma_semaphore, #tpu.memory_space<semaphore_mem>>) src(%dma_wait3A_56 : memref<40x128xi32, #tpu.memory_space<hbm>>) dst(%arg8 : memref<40x128xi32, #tpu.memory_space<vmem>>)
          tpu.yield
        }) : () -> ()
        %dma_start3A = arith.constant 0 : i32
        %dma_start3A_26 = arith.constant 0 : i32
        %dma_start3A_27 = arith.constant 0 : i32
        %dma_start3A_28 = arith.constant 0 : i32
        %dma_start3A_29 = tpu.memref_slice %arg9[%dma_start3A_26, %dma_start3A_27, %dma_start3A_28] : memref<2x128x128xf32, #tpu.memory_space<vmem>> -> memref<1x128x128xf32, #tpu.memory_space<vmem>>
        %dma_start3A_30 = tpu.memref_squeeze %dma_start3A_29 : memref<1x128x128xf32, #tpu.memory_space<vmem>> -> memref<128x128xf32, #tpu.memory_space<vmem>>
        %dma_start3A_31 = arith.constant 0 : i32
        %dma_start3A_32 = tpu.memref_slice %arg7[%dma_start3A, %dma_start3A_31] : memref<40x128xi32, #tpu.memory_space<vmem>> -> memref<1x128xi32, #tpu.memory_space<vmem>>
        %dma_start3A_33 = tpu.memref_squeeze %dma_start3A_32 : memref<1x128xi32, #tpu.memory_space<vmem>> -> memref<128xi32, #tpu.memory_space<vmem>>
        %dma_start3A_34 = arith.constant 0 : i32
        %dma_start3A_35 = arith.constant 0 : i32
        %dma_start3A_36 = tpu.memref_slice %arg2[%dma_start3A_34, %dma_start3A_35] : memref<10240x128xf32, #tpu.memory_space<hbm>> -> memref<10240x128xf32, #tpu.memory_space<hbm>>
        tpu.enqueue_indirect_dma source(%dma_start3A_36 : memref<10240x128xf32, #tpu.memory_space<hbm>>) target(%dma_start3A_30 : memref<128x128xf32, #tpu.memory_space<vmem>>) offsets(%dma_start3A_33 : memref<128xi32, #tpu.memory_space<vmem>>) semaphore(%arg11 : memref<!tpu.dma_semaphore, #tpu.memory_space<semaphore_mem>>)
        %scan3A = arith.constant 0 : i32
        %scan3A_37 = arith.constant 0 : i32
        %scan3A_38 = arith.constant 20 : i32
        %scan3A_39 = arith.addi %scan3A_37, %scan3A_38 : i32
        %scan3A_40 = arith.constant 1 : i32
        scf.for %scan3A_42 = %scan3A_37 to %scan3A_39 step %scan3A_40  : i32 {
          %mul3A_43 = arith.constant 2 : i32
          %mul3A_44 = arith.muli %scan3A_42, %mul3A_43 : i32
          %add3A_45 = arith.constant 0 : i32
          %add3A_46 = arith.addi %mul3A_44, %add3A_45 : i32
          %add3A_47 = arith.constant 1 : i32
          %add3A_48 = arith.addi %add3A_46, %add3A_47 : i32
          %lt3A = arith.constant 40 : i32
          %lt3A_49 = arith.cmpi slt, %add3A_48, %lt3A : i32
          %convert_element_type3A_50 = arith.extui %lt3A_49 : i1 to i32
          %cond3A_51 = arith.constant 0 : i32
          %cond3A_52 = arith.cmpi ne, %convert_element_type3A_50, %cond3A_51 : i32
          scf.if %cond3A_52 {
            %add3A_86 = arith.constant 1 : i32
            %add3A_87 = arith.addi %add3A_46, %add3A_86 : i32
            %dma_start3A_88 = arith.constant 1 : i32
            %dma_start3A_89 = arith.constant 0 : i32
            %dma_start3A_90 = arith.constant 0 : i32
            %dma_start3A_91 = tpu.memref_slice %arg9[%dma_start3A_88, %dma_start3A_89, %dma_start3A_90] : memref<2x128x128xf32, #tpu.memory_space<vmem>> -> memref<1x128x128xf32, #tpu.memory_space<vmem>>
            %dma_start3A_92 = tpu.memref_squeeze %dma_start3A_91 : memref<1x128x128xf32, #tpu.memory_space<vmem>> -> memref<128x128xf32, #tpu.memory_space<vmem>>
            %dma_start3A_93 = arith.constant 0 : i32
            %dma_start3A_94 = tpu.memref_slice %arg7[%add3A_87, %dma_start3A_93] : memref<40x128xi32, #tpu.memory_space<vmem>> -> memref<1x128xi32, #tpu.memory_space<vmem>>
            %dma_start3A_95 = tpu.memref_squeeze %dma_start3A_94 : memref<1x128xi32, #tpu.memory_space<vmem>> -> memref<128xi32, #tpu.memory_space<vmem>>
            %dma_start3A_96 = arith.constant 0 : i32
            %dma_start3A_97 = arith.constant 0 : i32
            %dma_start3A_98 = tpu.memref_slice %arg2[%dma_start3A_96, %dma_start3A_97] : memref<10240x128xf32, #tpu.memory_space<hbm>> -> memref<10240x128xf32, #tpu.memory_space<hbm>>
            tpu.enqueue_indirect_dma source(%dma_start3A_98 : memref<10240x128xf32, #tpu.memory_space<hbm>>) target(%dma_start3A_92 : memref<128x128xf32, #tpu.memory_space<vmem>>) offsets(%dma_start3A_95 : memref<128xi32, #tpu.memory_space<vmem>>) semaphore(%arg12 : memref<!tpu.dma_semaphore, #tpu.memory_space<semaphore_mem>>)
          } else {
          }
          %dma_wait3A = arith.constant 0 : i32
          %dma_wait3A_53 = arith.constant 0 : i32
          %dma_wait3A_54 = arith.constant 0 : i32
          %dma_wait3A_55 = tpu.memref_slice %arg9[%dma_wait3A, %dma_wait3A_53, %dma_wait3A_54] : memref<2x128x128xf32, #tpu.memory_space<vmem>> -> memref<1x128x128xf32, #tpu.memory_space<vmem>>
          %dma_wait3A_56 = tpu.memref_squeeze %dma_wait3A_55 : memref<1x128x128xf32, #tpu.memory_space<vmem>> -> memref<128x128xf32, #tpu.memory_space<vmem>>
          %dma_wait3A_57 = arith.constant 0 : i32
          %dma_wait3A_58 = tpu.memref_slice %arg7[%add3A_46, %dma_wait3A_57] : memref<40x128xi32, #tpu.memory_space<vmem>> -> memref<1x128xi32, #tpu.memory_space<vmem>>
          %dma_wait3A_59 = tpu.memref_squeeze %dma_wait3A_58 : memref<1x128xi32, #tpu.memory_space<vmem>> -> memref<128xi32, #tpu.memory_space<vmem>>
          %dma_wait3A_60 = arith.constant 0 : i32
          %dma_wait3A_61 = arith.constant 0 : i32
          %dma_wait3A_62 = tpu.memref_slice %arg2[%dma_wait3A_60, %dma_wait3A_61] : memref<10240x128xf32, #tpu.memory_space<hbm>> -> memref<10240x128xf32, #tpu.memory_space<hbm>>
          tpu.wait_indirect_dma semaphore(%arg11 : memref<!tpu.dma_semaphore, #tpu.memory_space<semaphore_mem>>) src(%dma_wait3A_62 : memref<10240x128xf32, #tpu.memory_space<hbm>>) dst(%dma_wait3A_56 : memref<128x128xf32, #tpu.memory_space<vmem>>)
          %run_scoped3A = arith.constant 0 : i32
          "tpu.region"() ({
            %run_scoped3A_86 = tpu.sem_alloc : memref<!tpu.dma_semaphore, #tpu.memory_space<semaphore_mem>>
            %dma_start3A_87 = arith.constant 0 : i32
            %dma_start3A_88 = arith.constant 0 : i32
            %dma_start3A_89 = tpu.memref_slice %arg9[%run_scoped3A, %dma_start3A_87, %dma_start3A_88] : memref<2x128x128xf32, #tpu.memory_space<vmem>> -> memref<1x128x128xf32, #tpu.memory_space<vmem>>
            %dma_start3A_90 = tpu.memref_squeeze %dma_start3A_89 : memref<1x128x128xf32, #tpu.memory_space<vmem>> -> memref<128x128xf32, #tpu.memory_space<vmem>>
            %dma_start3A_91 = arith.constant 0 : i32
            %dma_start3A_92 = tpu.memref_slice %arg8[%add3A_46, %dma_start3A_91] : memref<40x128xi32, #tpu.memory_space<vmem>> -> memref<1x128xi32, #tpu.memory_space<vmem>>
            %dma_start3A_93 = tpu.memref_squeeze %dma_start3A_92 : memref<1x128xi32, #tpu.memory_space<vmem>> -> memref<128xi32, #tpu.memory_space<vmem>>
            %dma_start3A_94 = arith.constant 0 : i32
            %dma_start3A_95 = arith.constant 0 : i32
            %dma_start3A_96 = tpu.memref_slice %arg10[%dma_start3A_94, %dma_start3A_95] : memref<10240x128xf32, #tpu.memory_space<vmem_shared>> -> memref<10240x128xf32, #tpu.memory_space<vmem_shared>>
            tpu.enqueue_indirect_dma source(%dma_start3A_90 : memref<128x128xf32, #tpu.memory_space<vmem>>) target(%dma_start3A_96 : memref<10240x128xf32, #tpu.memory_space<vmem_shared>>) offsets(%dma_start3A_93 : memref<128xi32, #tpu.memory_space<vmem>>) semaphore(%run_scoped3A_86 : memref<!tpu.dma_semaphore, #tpu.memory_space<semaphore_mem>>) {add = true}
            %dma_wait3A_97 = arith.constant 0 : i32
            %dma_wait3A_98 = arith.constant 0 : i32
            %dma_wait3A_99 = tpu.memref_slice %arg9[%run_scoped3A, %dma_wait3A_97, %dma_wait3A_98] : memref<2x128x128xf32, #tpu.memory_space<vmem>> -> memref<1x128x128xf32, #tpu.memory_space<vmem>>
            %dma_wait3A_100 = tpu.memref_squeeze %dma_wait3A_99 : memref<1x128x128xf32, #tpu.memory_space<vmem>> -> memref<128x128xf32, #tpu.memory_space<vmem>>
            %dma_wait3A_101 = arith.constant 0 : i32
            %dma_wait3A_102 = tpu.memref_slice %arg8[%add3A_46, %dma_wait3A_101] : memref<40x128xi32, #tpu.memory_space<vmem>> -> memref<1x128xi32, #tpu.memory_space<vmem>>
            %dma_wait3A_103 = tpu.memref_squeeze %dma_wait3A_102 : memref<1x128xi32, #tpu.memory_space<vmem>> -> memref<128xi32, #tpu.memory_space<vmem>>
            %dma_wait3A_104 = arith.constant 0 : i32
            %dma_wait3A_105 = arith.constant 0 : i32
            %dma_wait3A_106 = tpu.memref_slice %arg10[%dma_wait3A_104, %dma_wait3A_105] : memref<10240x128xf32, #tpu.memory_space<vmem_shared>> -> memref<10240x128xf32, #tpu.memory_space<vmem_shared>>
            tpu.wait_indirect_dma semaphore(%run_scoped3A_86 : memref<!tpu.dma_semaphore, #tpu.memory_space<semaphore_mem>>) src(%dma_wait3A_100 : memref<128x128xf32, #tpu.memory_space<vmem>>) dst(%dma_wait3A_106 : memref<10240x128xf32, #tpu.memory_space<vmem_shared>>)
            tpu.yield
          }) : () -> ()
          %mul3A_63 = arith.constant 2 : i32
          %mul3A_64 = arith.muli %scan3A_42, %mul3A_63 : i32
          %add3A_65 = arith.constant 1 : i32
          %add3A_66 = arith.addi %mul3A_64, %add3A_65 : i32
          %add3A_67 = arith.constant 1 : i32
          %add3A_68 = arith.addi %add3A_66, %add3A_67 : i32
          %lt3A_69 = arith.constant 40 : i32
          %lt3A_70 = arith.cmpi slt, %add3A_68, %lt3A_69 : i32
          %convert_element_type3A_71 = arith.extui %lt3A_70 : i1 to i32
          %cond3A_72 = arith.constant 0 : i32
          %cond3A_73 = arith.cmpi ne, %convert_element_type3A_71, %cond3A_72 : i32
          scf.if %cond3A_73 {
            %add3A_86 = arith.constant 1 : i32
            %add3A_87 = arith.addi %add3A_66, %add3A_86 : i32
            %dma_start3A_88 = arith.constant 0 : i32
            %dma_start3A_89 = arith.constant 0 : i32
            %dma_start3A_90 = arith.constant 0 : i32
            %dma_start3A_91 = tpu.memref_slice %arg9[%dma_start3A_88, %dma_start3A_89, %dma_start3A_90] : memref<2x128x128xf32, #tpu.memory_space<vmem>> -> memref<1x128x128xf32, #tpu.memory_space<vmem>>
            %dma_start3A_92 = tpu.memref_squeeze %dma_start3A_91 : memref<1x128x128xf32, #tpu.memory_space<vmem>> -> memref<128x128xf32, #tpu.memory_space<vmem>>
            %dma_start3A_93 = arith.constant 0 : i32
            %dma_start3A_94 = tpu.memref_slice %arg7[%add3A_87, %dma_start3A_93] : memref<40x128xi32, #tpu.memory_space<vmem>> -> memref<1x128xi32, #tpu.memory_space<vmem>>
            %dma_start3A_95 = tpu.memref_squeeze %dma_start3A_94 : memref<1x128xi32, #tpu.memory_space<vmem>> -> memref<128xi32, #tpu.memory_space<vmem>>
            %dma_start3A_96 = arith.constant 0 : i32
            %dma_start3A_97 = arith.constant 0 : i32
            %dma_start3A_98 = tpu.memref_slice %arg2[%dma_start3A_96, %dma_start3A_97] : memref<10240x128xf32, #tpu.memory_space<hbm>> -> memref<10240x128xf32, #tpu.memory_space<hbm>>
            tpu.enqueue_indirect_dma source(%dma_start3A_98 : memref<10240x128xf32, #tpu.memory_space<hbm>>) target(%dma_start3A_92 : memref<128x128xf32, #tpu.memory_space<vmem>>) offsets(%dma_start3A_95 : memref<128xi32, #tpu.memory_space<vmem>>) semaphore(%arg11 : memref<!tpu.dma_semaphore, #tpu.memory_space<semaphore_mem>>)
          } else {
          }
          %dma_wait3A_74 = arith.constant 1 : i32
          %dma_wait3A_75 = arith.constant 0 : i32
          %dma_wait3A_76 = arith.constant 0 : i32
          %dma_wait3A_77 = tpu.memref_slice %arg9[%dma_wait3A_74, %dma_wait3A_75, %dma_wait3A_76] : memref<2x128x128xf32, #tpu.memory_space<vmem>> -> memref<1x128x128xf32, #tpu.memory_space<vmem>>
          %dma_wait3A_78 = tpu.memref_squeeze %dma_wait3A_77 : memref<1x128x128xf32, #tpu.memory_space<vmem>> -> memref<128x128xf32, #tpu.memory_space<vmem>>
          %dma_wait3A_79 = arith.constant 0 : i32
          %dma_wait3A_80 = tpu.memref_slice %arg7[%add3A_66, %dma_wait3A_79] : memref<40x128xi32, #tpu.memory_space<vmem>> -> memref<1x128xi32, #tpu.memory_space<vmem>>
          %dma_wait3A_81 = tpu.memref_squeeze %dma_wait3A_80 : memref<1x128xi32, #tpu.memory_space<vmem>> -> memref<128xi32, #tpu.memory_space<vmem>>
          %dma_wait3A_82 = arith.constant 0 : i32
          %dma_wait3A_83 = arith.constant 0 : i32
          %dma_wait3A_84 = tpu.memref_slice %arg2[%dma_wait3A_82, %dma_wait3A_83] : memref<10240x128xf32, #tpu.memory_space<hbm>> -> memref<10240x128xf32, #tpu.memory_space<hbm>>
          tpu.wait_indirect_dma semaphore(%arg12 : memref<!tpu.dma_semaphore, #tpu.memory_space<semaphore_mem>>) src(%dma_wait3A_84 : memref<10240x128xf32, #tpu.memory_space<hbm>>) dst(%dma_wait3A_78 : memref<128x128xf32, #tpu.memory_space<vmem>>)
          %run_scoped3A_85 = arith.constant 1 : i32
          "tpu.region"() ({
            %run_scoped3A_86 = tpu.sem_alloc : memref<!tpu.dma_semaphore, #tpu.memory_space<semaphore_mem>>
            %dma_start3A_87 = arith.constant 0 : i32
            %dma_start3A_88 = arith.constant 0 : i32
            %dma_start3A_89 = tpu.memref_slice %arg9[%run_scoped3A_85, %dma_start3A_87, %dma_start3A_88] : memref<2x128x128xf32, #tpu.memory_space<vmem>> -> memref<1x128x128xf32, #tpu.memory_space<vmem>>
            %dma_start3A_90 = tpu.memref_squeeze %dma_start3A_89 : memref<1x128x128xf32, #tpu.memory_space<vmem>> -> memref<128x128xf32, #tpu.memory_space<vmem>>
            %dma_start3A_91 = arith.constant 0 : i32
            %dma_start3A_92 = tpu.memref_slice %arg8[%add3A_66, %dma_start3A_91] : memref<40x128xi32, #tpu.memory_space<vmem>> -> memref<1x128xi32, #tpu.memory_space<vmem>>
            %dma_start3A_93 = tpu.memref_squeeze %dma_start3A_92 : memref<1x128xi32, #tpu.memory_space<vmem>> -> memref<128xi32, #tpu.memory_space<vmem>>
            %dma_start3A_94 = arith.constant 0 : i32
            %dma_start3A_95 = arith.constant 0 : i32
            %dma_start3A_96 = tpu.memref_slice %arg10[%dma_start3A_94, %dma_start3A_95] : memref<10240x128xf32, #tpu.memory_space<vmem_shared>> -> memref<10240x128xf32, #tpu.memory_space<vmem_shared>>
            tpu.enqueue_indirect_dma source(%dma_start3A_90 : memref<128x128xf32, #tpu.memory_space<vmem>>) target(%dma_start3A_96 : memref<10240x128xf32, #tpu.memory_space<vmem_shared>>) offsets(%dma_start3A_93 : memref<128xi32, #tpu.memory_space<vmem>>) semaphore(%run_scoped3A_86 : memref<!tpu.dma_semaphore, #tpu.memory_space<semaphore_mem>>) {add = true}
            %dma_wait3A_97 = arith.constant 0 : i32
            %dma_wait3A_98 = arith.constant 0 : i32
            %dma_wait3A_99 = tpu.memref_slice %arg9[%run_scoped3A_85, %dma_wait3A_97, %dma_wait3A_98] : memref<2x128x128xf32, #tpu.memory_space<vmem>> -> memref<1x128x128xf32, #tpu.memory_space<vmem>>
            %dma_wait3A_100 = tpu.memref_squeeze %dma_wait3A_99 : memref<1x128x128xf32, #tpu.memory_space<vmem>> -> memref<128x128xf32, #tpu.memory_space<vmem>>
            %dma_wait3A_101 = arith.constant 0 : i32
            %dma_wait3A_102 = tpu.memref_slice %arg8[%add3A_66, %dma_wait3A_101] : memref<40x128xi32, #tpu.memory_space<vmem>> -> memref<1x128xi32, #tpu.memory_space<vmem>>
            %dma_wait3A_103 = tpu.memref_squeeze %dma_wait3A_102 : memref<1x128xi32, #tpu.memory_space<vmem>> -> memref<128xi32, #tpu.memory_space<vmem>>
            %dma_wait3A_104 = arith.constant 0 : i32
            %dma_wait3A_105 = arith.constant 0 : i32
            %dma_wait3A_106 = tpu.memref_slice %arg10[%dma_wait3A_104, %dma_wait3A_105] : memref<10240x128xf32, #tpu.memory_space<vmem_shared>> -> memref<10240x128xf32, #tpu.memory_space<vmem_shared>>
            tpu.wait_indirect_dma semaphore(%run_scoped3A_86 : memref<!tpu.dma_semaphore, #tpu.memory_space<semaphore_mem>>) src(%dma_wait3A_100 : memref<128x128xf32, #tpu.memory_space<vmem>>) dst(%dma_wait3A_106 : memref<10240x128xf32, #tpu.memory_space<vmem_shared>>)
            tpu.yield
          }) : () -> ()
        }
        %scan3A_41 = arith.constant 20 : i32
      }
      %while3A_24 = arith.constant 1 : i32
      scf.for %while3A_25 = %while3A_22 to %while3A_18 step %while3A_24  : i32 {
        "tpu.region"() ({
          %run_scoped3A = tpu.sem_alloc : memref<!tpu.dma_semaphore, #tpu.memory_space<semaphore_mem>>
          %dma_start3A_42 = arith.constant 0 : i32
          %dma_start3A_43 = arith.constant 0 : i32
          %dma_start3A_44 = tpu.memref_slice %arg3[%while3A_25, %dma_start3A_42, %dma_start3A_43] : memref<64x40x128xi32, #tpu.memory_space<hbm>> -> memref<1x40x128xi32, #tpu.memory_space<hbm>>
          %dma_start3A_45 = tpu.memref_squeeze %dma_start3A_44 : memref<1x40x128xi32, #tpu.memory_space<hbm>> -> memref<40x128xi32, #tpu.memory_space<hbm>>
          %dma_start3A_46 = arith.constant 0 : i32
          %dma_start3A_47 = arith.constant 0 : i32
          %dma_start3A_48 = tpu.memref_slice %arg3[%while3A_25, %dma_start3A_46, %dma_start3A_47] : memref<64x40x128xi32, #tpu.memory_space<hbm>> -> memref<1x40x128xi32, #tpu.memory_space<hbm>>
          %dma_start3A_49 = tpu.memref_squeeze %dma_start3A_48 : memref<1x40x128xi32, #tpu.memory_space<hbm>> -> memref<40x128xi32, #tpu.memory_space<hbm>>
          tpu.enqueue_dma source(%dma_start3A_49 : memref<40x128xi32, #tpu.memory_space<hbm>>) target(%arg7 : memref<40x128xi32, #tpu.memory_space<vmem>>) target_semaphore(%run_scoped3A : memref<!tpu.dma_semaphore, #tpu.memory_space<semaphore_mem>>)
          %dma_wait3A = arith.constant 0 : i32
          %dma_wait3A_50 = arith.constant 0 : i32
          %dma_wait3A_51 = tpu.memref_slice %arg3[%while3A_25, %dma_wait3A, %dma_wait3A_50] : memref<64x40x128xi32, #tpu.memory_space<hbm>> -> memref<1x40x128xi32, #tpu.memory_space<hbm>>
          %dma_wait3A_52 = tpu.memref_squeeze %dma_wait3A_51 : memref<1x40x128xi32, #tpu.memory_space<hbm>> -> memref<40x128xi32, #tpu.memory_space<hbm>>
          %dma_wait3A_53 = arith.constant 0 : i32
          %dma_wait3A_54 = arith.constant 0 : i32
          %dma_wait3A_55 = tpu.memref_slice %arg3[%while3A_25, %dma_wait3A_53, %dma_wait3A_54] : memref<64x40x128xi32, #tpu.memory_space<hbm>> -> memref<1x40x128xi32, #tpu.memory_space<hbm>>
          %dma_wait3A_56 = tpu.memref_squeeze %dma_wait3A_55 : memref<1x40x128xi32, #tpu.memory_space<hbm>> -> memref<40x128xi32, #tpu.memory_space<hbm>>
          tpu.wait_dma2 semaphore(%run_scoped3A : memref<!tpu.dma_semaphore, #tpu.memory_space<semaphore_mem>>) src(%dma_wait3A_56 : memref<40x128xi32, #tpu.memory_space<hbm>>) dst(%arg7 : memref<40x128xi32, #tpu.memory_space<vmem>>)
          tpu.yield
        }) : () -> ()
        "tpu.region"() ({
          %run_scoped3A = tpu.sem_alloc : memref<!tpu.dma_semaphore, #tpu.memory_space<semaphore_mem>>
          %dma_start3A_42 = arith.constant 0 : i32
          %dma_start3A_43 = arith.constant 0 : i32
          %dma_start3A_44 = tpu.memref_slice %arg4[%while3A_25, %dma_start3A_42, %dma_start3A_43] : memref<64x40x128xi32, #tpu.memory_space<hbm>> -> memref<1x40x128xi32, #tpu.memory_space<hbm>>
          %dma_start3A_45 = tpu.memref_squeeze %dma_start3A_44 : memref<1x40x128xi32, #tpu.memory_space<hbm>> -> memref<40x128xi32, #tpu.memory_space<hbm>>
          %dma_start3A_46 = arith.constant 0 : i32
          %dma_start3A_47 = arith.constant 0 : i32
          %dma_start3A_48 = tpu.memref_slice %arg4[%while3A_25, %dma_start3A_46, %dma_start3A_47] : memref<64x40x128xi32, #tpu.memory_space<hbm>> -> memref<1x40x128xi32, #tpu.memory_space<hbm>>
          %dma_start3A_49 = tpu.memref_squeeze %dma_start3A_48 : memref<1x40x128xi32, #tpu.memory_space<hbm>> -> memref<40x128xi32, #tpu.memory_space<hbm>>
          tpu.enqueue_dma source(%dma_start3A_49 : memref<40x128xi32, #tpu.memory_space<hbm>>) target(%arg8 : memref<40x128xi32, #tpu.memory_space<vmem>>) target_semaphore(%run_scoped3A : memref<!tpu.dma_semaphore, #tpu.memory_space<semaphore_mem>>)
          %dma_wait3A = arith.constant 0 : i32
          %dma_wait3A_50 = arith.constant 0 : i32
          %dma_wait3A_51 = tpu.memref_slice %arg4[%while3A_25, %dma_wait3A, %dma_wait3A_50] : memref<64x40x128xi32, #tpu.memory_space<hbm>> -> memref<1x40x128xi32, #tpu.memory_space<hbm>>
          %dma_wait3A_52 = tpu.memref_squeeze %dma_wait3A_51 : memref<1x40x128xi32, #tpu.memory_space<hbm>> -> memref<40x128xi32, #tpu.memory_space<hbm>>
          %dma_wait3A_53 = arith.constant 0 : i32
          %dma_wait3A_54 = arith.constant 0 : i32
          %dma_wait3A_55 = tpu.memref_slice %arg4[%while3A_25, %dma_wait3A_53, %dma_wait3A_54] : memref<64x40x128xi32, #tpu.memory_space<hbm>> -> memref<1x40x128xi32, #tpu.memory_space<hbm>>
          %dma_wait3A_56 = tpu.memref_squeeze %dma_wait3A_55 : memref<1x40x128xi32, #tpu.memory_space<hbm>> -> memref<40x128xi32, #tpu.memory_space<hbm>>
          tpu.wait_dma2 semaphore(%run_scoped3A : memref<!tpu.dma_semaphore, #tpu.memory_space<semaphore_mem>>) src(%dma_wait3A_56 : memref<40x128xi32, #tpu.memory_space<hbm>>) dst(%arg8 : memref<40x128xi32, #tpu.memory_space<vmem>>)
          tpu.yield
        }) : () -> ()
        %dma_start3A = arith.constant 0 : i32
        %dma_start3A_26 = arith.constant 0 : i32
        %dma_start3A_27 = arith.constant 0 : i32
        %dma_start3A_28 = arith.constant 0 : i32
        %dma_start3A_29 = tpu.memref_slice %arg9[%dma_start3A_26, %dma_start3A_27, %dma_start3A_28] : memref<2x128x128xf32, #tpu.memory_space<vmem>> -> memref<1x128x128xf32, #tpu.memory_space<vmem>>
        %dma_start3A_30 = tpu.memref_squeeze %dma_start3A_29 : memref<1x128x128xf32, #tpu.memory_space<vmem>> -> memref<128x128xf32, #tpu.memory_space<vmem>>
        %dma_start3A_31 = arith.constant 0 : i32
        %dma_start3A_32 = tpu.memref_slice %arg7[%dma_start3A, %dma_start3A_31] : memref<40x128xi32, #tpu.memory_space<vmem>> -> memref<1x128xi32, #tpu.memory_space<vmem>>
        %dma_start3A_33 = tpu.memref_squeeze %dma_start3A_32 : memref<1x128xi32, #tpu.memory_space<vmem>> -> memref<128xi32, #tpu.memory_space<vmem>>
        %dma_start3A_34 = arith.constant 0 : i32
        %dma_start3A_35 = arith.constant 0 : i32
        %dma_start3A_36 = tpu.memref_slice %arg2[%dma_start3A_34, %dma_start3A_35] : memref<10240x128xf32, #tpu.memory_space<hbm>> -> memref<10240x128xf32, #tpu.memory_space<hbm>>
        tpu.enqueue_indirect_dma source(%dma_start3A_36 : memref<10240x128xf32, #tpu.memory_space<hbm>>) target(%dma_start3A_30 : memref<128x128xf32, #tpu.memory_space<vmem>>) offsets(%dma_start3A_33 : memref<128xi32, #tpu.memory_space<vmem>>) semaphore(%arg11 : memref<!tpu.dma_semaphore, #tpu.memory_space<semaphore_mem>>)
        %scan3A = arith.constant 0 : i32
        %scan3A_37 = arith.constant 0 : i32
        %scan3A_38 = arith.constant 20 : i32
        %scan3A_39 = arith.addi %scan3A_37, %scan3A_38 : i32
        %scan3A_40 = arith.constant 1 : i32
        scf.for %scan3A_42 = %scan3A_37 to %scan3A_39 step %scan3A_40  : i32 {
          %mul3A_43 = arith.constant 2 : i32
          %mul3A_44 = arith.muli %scan3A_42, %mul3A_43 : i32
          %add3A_45 = arith.constant 0 : i32
          %add3A_46 = arith.addi %mul3A_44, %add3A_45 : i32
          %add3A_47 = arith.constant 1 : i32
          %add3A_48 = arith.addi %add3A_46, %add3A_47 : i32
          %lt3A = arith.constant 40 : i32
          %lt3A_49 = arith.cmpi slt, %add3A_48, %lt3A : i32
          %convert_element_type3A_50 = arith.extui %lt3A_49 : i1 to i32
          %cond3A_51 = arith.constant 0 : i32
          %cond3A_52 = arith.cmpi ne, %convert_element_type3A_50, %cond3A_51 : i32
          scf.if %cond3A_52 {
            %add3A_86 = arith.constant 1 : i32
            %add3A_87 = arith.addi %add3A_46, %add3A_86 : i32
            %dma_start3A_88 = arith.constant 1 : i32
            %dma_start3A_89 = arith.constant 0 : i32
            %dma_start3A_90 = arith.constant 0 : i32
            %dma_start3A_91 = tpu.memref_slice %arg9[%dma_start3A_88, %dma_start3A_89, %dma_start3A_90] : memref<2x128x128xf32, #tpu.memory_space<vmem>> -> memref<1x128x128xf32, #tpu.memory_space<vmem>>
            %dma_start3A_92 = tpu.memref_squeeze %dma_start3A_91 : memref<1x128x128xf32, #tpu.memory_space<vmem>> -> memref<128x128xf32, #tpu.memory_space<vmem>>
            %dma_start3A_93 = arith.constant 0 : i32
            %dma_start3A_94 = tpu.memref_slice %arg7[%add3A_87, %dma_start3A_93] : memref<40x128xi32, #tpu.memory_space<vmem>> -> memref<1x128xi32, #tpu.memory_space<vmem>>
            %dma_start3A_95 = tpu.memref_squeeze %dma_start3A_94 : memref<1x128xi32, #tpu.memory_space<vmem>> -> memref<128xi32, #tpu.memory_space<vmem>>
            %dma_start3A_96 = arith.constant 0 : i32
            %dma_start3A_97 = arith.constant 0 : i32
            %dma_start3A_98 = tpu.memref_slice %arg2[%dma_start3A_96, %dma_start3A_97] : memref<10240x128xf32, #tpu.memory_space<hbm>> -> memref<10240x128xf32, #tpu.memory_space<hbm>>
            tpu.enqueue_indirect_dma source(%dma_start3A_98 : memref<10240x128xf32, #tpu.memory_space<hbm>>) target(%dma_start3A_92 : memref<128x128xf32, #tpu.memory_space<vmem>>) offsets(%dma_start3A_95 : memref<128xi32, #tpu.memory_space<vmem>>) semaphore(%arg12 : memref<!tpu.dma_semaphore, #tpu.memory_space<semaphore_mem>>)
          } else {
          }
          %dma_wait3A = arith.constant 0 : i32
          %dma_wait3A_53 = arith.constant 0 : i32
          %dma_wait3A_54 = arith.constant 0 : i32
          %dma_wait3A_55 = tpu.memref_slice %arg9[%dma_wait3A, %dma_wait3A_53, %dma_wait3A_54] : memref<2x128x128xf32, #tpu.memory_space<vmem>> -> memref<1x128x128xf32, #tpu.memory_space<vmem>>
          %dma_wait3A_56 = tpu.memref_squeeze %dma_wait3A_55 : memref<1x128x128xf32, #tpu.memory_space<vmem>> -> memref<128x128xf32, #tpu.memory_space<vmem>>
          %dma_wait3A_57 = arith.constant 0 : i32
          %dma_wait3A_58 = tpu.memref_slice %arg7[%add3A_46, %dma_wait3A_57] : memref<40x128xi32, #tpu.memory_space<vmem>> -> memref<1x128xi32, #tpu.memory_space<vmem>>
          %dma_wait3A_59 = tpu.memref_squeeze %dma_wait3A_58 : memref<1x128xi32, #tpu.memory_space<vmem>> -> memref<128xi32, #tpu.memory_space<vmem>>
          %dma_wait3A_60 = arith.constant 0 : i32
          %dma_wait3A_61 = arith.constant 0 : i32
          %dma_wait3A_62 = tpu.memref_slice %arg2[%dma_wait3A_60, %dma_wait3A_61] : memref<10240x128xf32, #tpu.memory_space<hbm>> -> memref<10240x128xf32, #tpu.memory_space<hbm>>
          tpu.wait_indirect_dma semaphore(%arg11 : memref<!tpu.dma_semaphore, #tpu.memory_space<semaphore_mem>>) src(%dma_wait3A_62 : memref<10240x128xf32, #tpu.memory_space<hbm>>) dst(%dma_wait3A_56 : memref<128x128xf32, #tpu.memory_space<vmem>>)
          %run_scoped3A = arith.constant 0 : i32
          "tpu.region"() ({
            %run_scoped3A_86 = tpu.sem_alloc : memref<!tpu.dma_semaphore, #tpu.memory_space<semaphore_mem>>
            %dma_start3A_87 = arith.constant 0 : i32
            %dma_start3A_88 = arith.constant 0 : i32
            %dma_start3A_89 = tpu.memref_slice %arg9[%run_scoped3A, %dma_start3A_87, %dma_start3A_88] : memref<2x128x128xf32, #tpu.memory_space<vmem>> -> memref<1x128x128xf32, #tpu.memory_space<vmem>>
            %dma_start3A_90 = tpu.memref_squeeze %dma_start3A_89 : memref<1x128x128xf32, #tpu.memory_space<vmem>> -> memref<128x128xf32, #tpu.memory_space<vmem>>
            %dma_start3A_91 = arith.constant 0 : i32
            %dma_start3A_92 = tpu.memref_slice %arg8[%add3A_46, %dma_start3A_91] : memref<40x128xi32, #tpu.memory_space<vmem>> -> memref<1x128xi32, #tpu.memory_space<vmem>>
            %dma_start3A_93 = tpu.memref_squeeze %dma_start3A_92 : memref<1x128xi32, #tpu.memory_space<vmem>> -> memref<128xi32, #tpu.memory_space<vmem>>
            %dma_start3A_94 = arith.constant 0 : i32
            %dma_start3A_95 = arith.constant 0 : i32
            %dma_start3A_96 = tpu.memref_slice %arg10[%dma_start3A_94, %dma_start3A_95] : memref<10240x128xf32, #tpu.memory_space<vmem_shared>> -> memref<10240x128xf32, #tpu.memory_space<vmem_shared>>
            tpu.enqueue_indirect_dma source(%dma_start3A_90 : memref<128x128xf32, #tpu.memory_space<vmem>>) target(%dma_start3A_96 : memref<10240x128xf32, #tpu.memory_space<vmem_shared>>) offsets(%dma_start3A_93 : memref<128xi32, #tpu.memory_space<vmem>>) semaphore(%run_scoped3A_86 : memref<!tpu.dma_semaphore, #tpu.memory_space<semaphore_mem>>) {add = true}
            %dma_wait3A_97 = arith.constant 0 : i32
            %dma_wait3A_98 = arith.constant 0 : i32
            %dma_wait3A_99 = tpu.memref_slice %arg9[%run_scoped3A, %dma_wait3A_97, %dma_wait3A_98] : memref<2x128x128xf32, #tpu.memory_space<vmem>> -> memref<1x128x128xf32, #tpu.memory_space<vmem>>
            %dma_wait3A_100 = tpu.memref_squeeze %dma_wait3A_99 : memref<1x128x128xf32, #tpu.memory_space<vmem>> -> memref<128x128xf32, #tpu.memory_space<vmem>>
            %dma_wait3A_101 = arith.constant 0 : i32
            %dma_wait3A_102 = tpu.memref_slice %arg8[%add3A_46, %dma_wait3A_101] : memref<40x128xi32, #tpu.memory_space<vmem>> -> memref<1x128xi32, #tpu.memory_space<vmem>>
            %dma_wait3A_103 = tpu.memref_squeeze %dma_wait3A_102 : memref<1x128xi32, #tpu.memory_space<vmem>> -> memref<128xi32, #tpu.memory_space<vmem>>
            %dma_wait3A_104 = arith.constant 0 : i32
            %dma_wait3A_105 = arith.constant 0 : i32
            %dma_wait3A_106 = tpu.memref_slice %arg10[%dma_wait3A_104, %dma_wait3A_105] : memref<10240x128xf32, #tpu.memory_space<vmem_shared>> -> memref<10240x128xf32, #tpu.memory_space<vmem_shared>>
            tpu.wait_indirect_dma semaphore(%run_scoped3A_86 : memref<!tpu.dma_semaphore, #tpu.memory_space<semaphore_mem>>) src(%dma_wait3A_100 : memref<128x128xf32, #tpu.memory_space<vmem>>) dst(%dma_wait3A_106 : memref<10240x128xf32, #tpu.memory_space<vmem_shared>>)
            tpu.yield
          }) : () -> ()
          %mul3A_63 = arith.constant 2 : i32
          %mul3A_64 = arith.muli %scan3A_42, %mul3A_63 : i32
          %add3A_65 = arith.constant 1 : i32
          %add3A_66 = arith.addi %mul3A_64, %add3A_65 : i32
          %add3A_67 = arith.constant 1 : i32
          %add3A_68 = arith.addi %add3A_66, %add3A_67 : i32
          %lt3A_69 = arith.constant 40 : i32
          %lt3A_70 = arith.cmpi slt, %add3A_68, %lt3A_69 : i32
          %convert_element_type3A_71 = arith.extui %lt3A_70 : i1 to i32
          %cond3A_72 = arith.constant 0 : i32
          %cond3A_73 = arith.cmpi ne, %convert_element_type3A_71, %cond3A_72 : i32
          scf.if %cond3A_73 {
            %add3A_86 = arith.constant 1 : i32
            %add3A_87 = arith.addi %add3A_66, %add3A_86 : i32
            %dma_start3A_88 = arith.constant 0 : i32
            %dma_start3A_89 = arith.constant 0 : i32
            %dma_start3A_90 = arith.constant 0 : i32
            %dma_start3A_91 = tpu.memref_slice %arg9[%dma_start3A_88, %dma_start3A_89, %dma_start3A_90] : memref<2x128x128xf32, #tpu.memory_space<vmem>> -> memref<1x128x128xf32, #tpu.memory_space<vmem>>
            %dma_start3A_92 = tpu.memref_squeeze %dma_start3A_91 : memref<1x128x128xf32, #tpu.memory_space<vmem>> -> memref<128x128xf32, #tpu.memory_space<vmem>>
            %dma_start3A_93 = arith.constant 0 : i32
            %dma_start3A_94 = tpu.memref_slice %arg7[%add3A_87, %dma_start3A_93] : memref<40x128xi32, #tpu.memory_space<vmem>> -> memref<1x128xi32, #tpu.memory_space<vmem>>
            %dma_start3A_95 = tpu.memref_squeeze %dma_start3A_94 : memref<1x128xi32, #tpu.memory_space<vmem>> -> memref<128xi32, #tpu.memory_space<vmem>>
            %dma_start3A_96 = arith.constant 0 : i32
            %dma_start3A_97 = arith.constant 0 : i32
            %dma_start3A_98 = tpu.memref_slice %arg2[%dma_start3A_96, %dma_start3A_97] : memref<10240x128xf32, #tpu.memory_space<hbm>> -> memref<10240x128xf32, #tpu.memory_space<hbm>>
            tpu.enqueue_indirect_dma source(%dma_start3A_98 : memref<10240x128xf32, #tpu.memory_space<hbm>>) target(%dma_start3A_92 : memref<128x128xf32, #tpu.memory_space<vmem>>) offsets(%dma_start3A_95 : memref<128xi32, #tpu.memory_space<vmem>>) semaphore(%arg11 : memref<!tpu.dma_semaphore, #tpu.memory_space<semaphore_mem>>)
          } else {
          }
          %dma_wait3A_74 = arith.constant 1 : i32
          %dma_wait3A_75 = arith.constant 0 : i32
          %dma_wait3A_76 = arith.constant 0 : i32
          %dma_wait3A_77 = tpu.memref_slice %arg9[%dma_wait3A_74, %dma_wait3A_75, %dma_wait3A_76] : memref<2x128x128xf32, #tpu.memory_space<vmem>> -> memref<1x128x128xf32, #tpu.memory_space<vmem>>
          %dma_wait3A_78 = tpu.memref_squeeze %dma_wait3A_77 : memref<1x128x128xf32, #tpu.memory_space<vmem>> -> memref<128x128xf32, #tpu.memory_space<vmem>>
          %dma_wait3A_79 = arith.constant 0 : i32
          %dma_wait3A_80 = tpu.memref_slice %arg7[%add3A_66, %dma_wait3A_79] : memref<40x128xi32, #tpu.memory_space<vmem>> -> memref<1x128xi32, #tpu.memory_space<vmem>>
          %dma_wait3A_81 = tpu.memref_squeeze %dma_wait3A_80 : memref<1x128xi32, #tpu.memory_space<vmem>> -> memref<128xi32, #tpu.memory_space<vmem>>
          %dma_wait3A_82 = arith.constant 0 : i32
          %dma_wait3A_83 = arith.constant 0 : i32
          %dma_wait3A_84 = tpu.memref_slice %arg2[%dma_wait3A_82, %dma_wait3A_83] : memref<10240x128xf32, #tpu.memory_space<hbm>> -> memref<10240x128xf32, #tpu.memory_space<hbm>>
          tpu.wait_indirect_dma semaphore(%arg12 : memref<!tpu.dma_semaphore, #tpu.memory_space<semaphore_mem>>) src(%dma_wait3A_84 : memref<10240x128xf32, #tpu.memory_space<hbm>>) dst(%dma_wait3A_78 : memref<128x128xf32, #tpu.memory_space<vmem>>)
          %run_scoped3A_85 = arith.constant 1 : i32
          "tpu.region"() ({
            %run_scoped3A_86 = tpu.sem_alloc : memref<!tpu.dma_semaphore, #tpu.memory_space<semaphore_mem>>
            %dma_start3A_87 = arith.constant 0 : i32
            %dma_start3A_88 = arith.constant 0 : i32
            %dma_start3A_89 = tpu.memref_slice %arg9[%run_scoped3A_85, %dma_start3A_87, %dma_start3A_88] : memref<2x128x128xf32, #tpu.memory_space<vmem>> -> memref<1x128x128xf32, #tpu.memory_space<vmem>>
            %dma_start3A_90 = tpu.memref_squeeze %dma_start3A_89 : memref<1x128x128xf32, #tpu.memory_space<vmem>> -> memref<128x128xf32, #tpu.memory_space<vmem>>
            %dma_start3A_91 = arith.constant 0 : i32
            %dma_start3A_92 = tpu.memref_slice %arg8[%add3A_66, %dma_start3A_91] : memref<40x128xi32, #tpu.memory_space<vmem>> -> memref<1x128xi32, #tpu.memory_space<vmem>>
            %dma_start3A_93 = tpu.memref_squeeze %dma_start3A_92 : memref<1x128xi32, #tpu.memory_space<vmem>> -> memref<128xi32, #tpu.memory_space<vmem>>
            %dma_start3A_94 = arith.constant 0 : i32
            %dma_start3A_95 = arith.constant 0 : i32
            %dma_start3A_96 = tpu.memref_slice %arg10[%dma_start3A_94, %dma_start3A_95] : memref<10240x128xf32, #tpu.memory_space<vmem_shared>> -> memref<10240x128xf32, #tpu.memory_space<vmem_shared>>
            tpu.enqueue_indirect_dma source(%dma_start3A_90 : memref<128x128xf32, #tpu.memory_space<vmem>>) target(%dma_start3A_96 : memref<10240x128xf32, #tpu.memory_space<vmem_shared>>) offsets(%dma_start3A_93 : memref<128xi32, #tpu.memory_space<vmem>>) semaphore(%run_scoped3A_86 : memref<!tpu.dma_semaphore, #tpu.memory_space<semaphore_mem>>) {add = true}
            %dma_wait3A_97 = arith.constant 0 : i32
            %dma_wait3A_98 = arith.constant 0 : i32
            %dma_wait3A_99 = tpu.memref_slice %arg9[%run_scoped3A_85, %dma_wait3A_97, %dma_wait3A_98] : memref<2x128x128xf32, #tpu.memory_space<vmem>> -> memref<1x128x128xf32, #tpu.memory_space<vmem>>
            %dma_wait3A_100 = tpu.memref_squeeze %dma_wait3A_99 : memref<1x128x128xf32, #tpu.memory_space<vmem>> -> memref<128x128xf32, #tpu.memory_space<vmem>>
            %dma_wait3A_101 = arith.constant 0 : i32
            %dma_wait3A_102 = tpu.memref_slice %arg8[%add3A_66, %dma_wait3A_101] : memref<40x128xi32, #tpu.memory_space<vmem>> -> memref<1x128xi32, #tpu.memory_space<vmem>>
            %dma_wait3A_103 = tpu.memref_squeeze %dma_wait3A_102 : memref<1x128xi32, #tpu.memory_space<vmem>> -> memref<128xi32, #tpu.memory_space<vmem>>
            %dma_wait3A_104 = arith.constant 0 : i32
            %dma_wait3A_105 = arith.constant 0 : i32
            %dma_wait3A_106 = tpu.memref_slice %arg10[%dma_wait3A_104, %dma_wait3A_105] : memref<10240x128xf32, #tpu.memory_space<vmem_shared>> -> memref<10240x128xf32, #tpu.memory_space<vmem_shared>>
            tpu.wait_indirect_dma semaphore(%run_scoped3A_86 : memref<!tpu.dma_semaphore, #tpu.memory_space<semaphore_mem>>) src(%dma_wait3A_100 : memref<128x128xf32, #tpu.memory_space<vmem>>) dst(%dma_wait3A_106 : memref<10240x128xf32, #tpu.memory_space<vmem_shared>>)
            tpu.yield
          }) : () -> ()
        }
        %scan3A_41 = arith.constant 20 : i32
      }
    } else {
    }
    %barrier3A_10 = arith.constant 0 : index
    tpu.barrier barrier_id(%barrier3A_10)
    "tpu.region"() ({
      %run_scoped3A = tpu.sem_alloc : memref<!tpu.dma_semaphore, #tpu.memory_space<semaphore_mem>>
      %dma_start3A = arith.constant 0 : i32
      %dma_start3A_11 = tpu.memref_slice %arg6[%arg0, %mul3A_2, %dma_start3A] : memref<2x10240x128xf32, #tpu.memory_space<hbm>> -> memref<1x640x128xf32, #tpu.memory_space<hbm>>
      %dma_start3A_12 = tpu.memref_squeeze %dma_start3A_11 : memref<1x640x128xf32, #tpu.memory_space<hbm>> -> memref<640x128xf32, #tpu.memory_space<hbm>>
      %dma_start3A_13 = arith.constant 0 : i32
      %dma_start3A_14 = tpu.memref_slice %arg10[%mul3A_2, %dma_start3A_13] : memref<10240x128xf32, #tpu.memory_space<vmem_shared>> -> memref<640x128xf32, #tpu.memory_space<vmem_shared>>
      tpu.enqueue_dma source(%dma_start3A_14 : memref<640x128xf32, #tpu.memory_space<vmem_shared>>) target(%dma_start3A_12 : memref<640x128xf32, #tpu.memory_space<hbm>>) target_semaphore(%run_scoped3A : memref<!tpu.dma_semaphore, #tpu.memory_space<semaphore_mem>>)
      %dma_wait3A = arith.constant 0 : i32
      %dma_wait3A_15 = tpu.memref_slice %arg6[%arg0, %mul3A_2, %dma_wait3A] : memref<2x10240x128xf32, #tpu.memory_space<hbm>> -> memref<1x640x128xf32, #tpu.memory_space<hbm>>
      %dma_wait3A_16 = tpu.memref_squeeze %dma_wait3A_15 : memref<1x640x128xf32, #tpu.memory_space<hbm>> -> memref<640x128xf32, #tpu.memory_space<hbm>>
      %dma_wait3A_17 = arith.constant 0 : i32
      %dma_wait3A_18 = tpu.memref_slice %arg10[%mul3A_2, %dma_wait3A_17] : memref<10240x128xf32, #tpu.memory_space<vmem_shared>> -> memref<640x128xf32, #tpu.memory_space<vmem_shared>>
      tpu.wait_dma2 semaphore(%run_scoped3A : memref<!tpu.dma_semaphore, #tpu.memory_space<semaphore_mem>>) src(%dma_wait3A_18 : memref<640x128xf32, #tpu.memory_space<vmem_shared>>) dst(%dma_wait3A_16 : memref<640x128xf32, #tpu.memory_space<hbm>>)
      tpu.yield
    }) : () -> ()
    return
  }
}

module attributes {stable_mosaic.version = 14 : i64} {
  func.func @_tc1_body(%arg0: i32, %arg1: memref<2x1024xf32, #tpu.memory_space<vmem>>, %arg2: memref<1024x128xf32, #tpu.memory_space<vmem>>, %arg3: memref<128x128xf32, #tpu.memory_space<vmem>>, %arg4: memref<1024x128xf32, #tpu.memory_space<vmem>>) attributes {dimension_semantics = [#tpu.dimension_semantics<arbitrary>], iteration_bounds = array<i64: 10>, scalar_prefetch = 0 : i64, scratch_operands = 0 : i64, tpu.core_type = #tpu.core_type<tc>, window_params = [{transform_indices = @transform_0, window_bounds = array<i64: 2, 1024>}, {transform_indices = @transform_1, window_bounds = array<i64: 1024, 128>}, {pipeline_mode = #tpu.pipeline_mode<synchronous>, transform_indices = @transform_2, window_bounds = array<i64: 128, 128>}, {transform_indices = @transform_3, window_bounds = array<i64: 1024, 128>}]} {
    %get3A = arith.constant 0 : index
    %get3A_0 = arith.constant 0 : index
    %get3A_1 = vector.load %arg1[%get3A, %get3A_0] : memref<2x1024xf32, #tpu.memory_space<vmem>>, vector<1x1024xf32>
    %get3A_2 = vector.shape_cast %get3A_1 : vector<1x1024xf32> to vector<1024xf32>
    %get3A_3 = arith.constant 1 : index
    %get3A_4 = arith.constant 0 : index
    %get3A_5 = vector.load %arg1[%get3A_3, %get3A_4] : memref<2x1024xf32, #tpu.memory_space<vmem>>, vector<1x1024xf32>
    %get3A_6 = vector.shape_cast %get3A_5 : vector<1x1024xf32> to vector<1024xf32>
    %add3A = arith.addf %get3A_2, %get3A_6 : vector<1024xf32>
    %add3A_7 = arith.constant 1.000000e+00 : f32
    %add3A_8 = vector.broadcast %add3A_7 : f32 to vector<1024xf32>
    %add3A_9 = arith.addf %add3A, %add3A_8 : vector<1024xf32>
    %rsqrt3A = math.rsqrt %add3A_9 : vector<1024xf32>
    %get3A_10 = arith.constant 0 : index
    %get3A_11 = arith.constant 0 : index
    %get3A_12 = vector.load %arg2[%get3A_10, %get3A_11] : memref<1024x128xf32, #tpu.memory_space<vmem>>, vector<1024x128xf32>
    %get3A_13 = arith.constant 0 : index
    %get3A_14 = arith.constant 0 : index
    %get3A_15 = vector.load %arg3[%get3A_13, %get3A_14] : memref<128x128xf32, #tpu.memory_space<vmem>>, vector<128x128xf32>
    %dot_general3A = arith.constant dense<0.000000e+00> : vector<1024x128xf32>
    %dot_general3A_16 = tpu.matmul %get3A_12, %get3A_15, %dot_general3A {dimension_numbers = #tpu.dot_dimension_numbers<[1], [0], [0], [1], [0, 0, 1, 1], [], []>, transpose_lhs_hint = false} : vector<1024x128xf32>, vector<128x128xf32>, vector<1024x128xf32> -> vector<1024x128xf32>
    %broadcast_in_dim3A = vector.shape_cast %rsqrt3A : vector<1024xf32> to vector<1024x1xf32>
    %mul3A = vector.broadcast %broadcast_in_dim3A : vector<1024x1xf32> to vector<1024x128xf32>
    %mul3A_17 = arith.mulf %dot_general3A_16, %mul3A : vector<1024x128xf32>
    %swap3A = arith.constant 0 : index
    %swap3A_18 = arith.constant 0 : index
    %swap3A_19 = vector.load %arg4[%swap3A, %swap3A_18] : memref<1024x128xf32, #tpu.memory_space<vmem>>, vector<1024x128xf32>
    tpu.vector_store %arg4[%swap3A, %swap3A_18], %mul3A_17 {strides = array<i32>} : memref<1024x128xf32, #tpu.memory_space<vmem>>, vector<1024x128xf32>,
    return
  }
  func.func @transform_0(%arg0: i32) -> (i32, i32) {
    %c0_i32 = arith.constant 0 : i32
    %c0_i32_0 = arith.constant 0 : i32
    return %c0_i32, %arg0 : i32, i32
  }
  func.func @transform_1(%arg0: i32) -> (i32, i32) {
    %c0_i32 = arith.constant 0 : i32
    %c0_i32_0 = arith.constant 0 : i32
    return %arg0, %c0_i32 : i32, i32
  }
  func.func @transform_2(%arg0: i32) -> (i32, i32) {
    %c0_i32 = arith.constant 0 : i32
    %c0_i32_0 = arith.constant 0 : i32
    %c0_i32_1 = arith.constant 0 : i32
    return %c0_i32, %c0_i32_0 : i32, i32
  }
  func.func @transform_3(%arg0: i32) -> (i32, i32) {
    %c0_i32 = arith.constant 0 : i32
    %c0_i32_0 = arith.constant 0 : i32
    return %arg0, %c0_i32 : i32, i32
  }
}

module attributes {stable_mosaic.version = 14 : i64} {
  func.func @_tc2_body(%arg0: i32, %arg1: memref<2x1024xf32, #tpu.memory_space<vmem>>, %arg2: memref<1024x128xf32, #tpu.memory_space<vmem>>, %arg3: memref<1024x128xf32, #tpu.memory_space<vmem>>, %arg4: memref<1024x128xf32, #tpu.memory_space<vmem>>, %arg5: memref<1x128xf32, #tpu.memory_space<vmem>>, %arg6: memref<128x128xf32, #tpu.memory_space<vmem>>, %arg7: memref<1024x128xf32, #tpu.memory_space<vmem>>) attributes {dimension_semantics = [#tpu.dimension_semantics<arbitrary>], iteration_bounds = array<i64: 10>, scalar_prefetch = 0 : i64, scratch_operands = 0 : i64, tpu.core_type = #tpu.core_type<tc>, window_params = [{transform_indices = @transform_0, window_bounds = array<i64: 2, 1024>}, {transform_indices = @transform_1, window_bounds = array<i64: 1024, 128>}, {transform_indices = @transform_2, window_bounds = array<i64: 1024, 128>}, {transform_indices = @transform_3, window_bounds = array<i64: 1024, 128>}, {pipeline_mode = #tpu.pipeline_mode<synchronous>, transform_indices = @transform_4, window_bounds = array<i64: 1, 128>}, {pipeline_mode = #tpu.pipeline_mode<synchronous>, transform_indices = @transform_5, window_bounds = array<i64: 128, 128>}, {transform_indices = @transform_6, window_bounds = array<i64: 1024, 128>}]} {
    %get3A = arith.constant 0 : index
    %get3A_0 = arith.constant 0 : index
    %get3A_1 = vector.load %arg1[%get3A, %get3A_0] : memref<2x1024xf32, #tpu.memory_space<vmem>>, vector<1x1024xf32>
    %get3A_2 = vector.shape_cast %get3A_1 : vector<1x1024xf32> to vector<1024xf32>
    %get3A_3 = arith.constant 1 : index
    %get3A_4 = arith.constant 0 : index
    %get3A_5 = vector.load %arg1[%get3A_3, %get3A_4] : memref<2x1024xf32, #tpu.memory_space<vmem>>, vector<1x1024xf32>
    %get3A_6 = vector.shape_cast %get3A_5 : vector<1x1024xf32> to vector<1024xf32>
    %add3A = arith.addf %get3A_2, %get3A_6 : vector<1024xf32>
    %add3A_7 = arith.constant 1.000000e+00 : f32
    %add3A_8 = vector.broadcast %add3A_7 : f32 to vector<1024xf32>
    %add3A_9 = arith.addf %add3A, %add3A_8 : vector<1024xf32>
    %rsqrt3A = math.rsqrt %add3A_9 : vector<1024xf32>
    %get3A_10 = arith.constant 0 : index
    %get3A_11 = arith.constant 0 : index
    %get3A_12 = vector.load %arg2[%get3A_10, %get3A_11] : memref<1024x128xf32, #tpu.memory_space<vmem>>, vector<1024x128xf32>
    %get3A_13 = arith.constant 0 : index
    %get3A_14 = arith.constant 0 : index
    %get3A_15 = vector.load %arg3[%get3A_13, %get3A_14] : memref<1024x128xf32, #tpu.memory_space<vmem>>, vector<1024x128xf32>
    %add3A_16 = arith.addf %get3A_12, %get3A_15 : vector<1024x128xf32>
    %get3A_17 = arith.constant 0 : index
    %get3A_18 = arith.constant 0 : index
    %get3A_19 = vector.load %arg4[%get3A_17, %get3A_18] : memref<1024x128xf32, #tpu.memory_space<vmem>>, vector<1024x128xf32>
    %add3A_20 = arith.addf %add3A_16, %get3A_19 : vector<1024x128xf32>
    %broadcast_in_dim3A = vector.shape_cast %rsqrt3A : vector<1024xf32> to vector<1024x1xf32>
    %mul3A = vector.broadcast %broadcast_in_dim3A : vector<1024x1xf32> to vector<1024x128xf32>
    %mul3A_21 = arith.mulf %add3A_20, %mul3A : vector<1024x128xf32>
    %get3A_22 = arith.constant 0 : index
    %get3A_23 = arith.constant 0 : index
    %get3A_24 = vector.load %arg5[%get3A_22, %get3A_23] : memref<1x128xf32, #tpu.memory_space<vmem>>, vector<1x128xf32>
    %add3A_25 = vector.broadcast %get3A_24 : vector<1x128xf32> to vector<1024x128xf32>
    %add3A_26 = arith.addf %mul3A_21, %add3A_25 : vector<1024x128xf32>
    %max3A = arith.constant 0.000000e+00 : f32
    %max3A_27 = vector.broadcast %max3A : f32 to vector<1024x128xf32>
    %max3A_28 = arith.maximumf %add3A_26, %max3A_27 : vector<1024x128xf32>
    %get3A_29 = arith.constant 0 : index
    %get3A_30 = arith.constant 0 : index
    %get3A_31 = vector.load %arg6[%get3A_29, %get3A_30] : memref<128x128xf32, #tpu.memory_space<vmem>>, vector<128x128xf32>
    %dot_general3A = arith.constant dense<0.000000e+00> : vector<1024x128xf32>
    %dot_general3A_32 = tpu.matmul %max3A_28, %get3A_31, %dot_general3A {dimension_numbers = #tpu.dot_dimension_numbers<[1], [0], [0], [1], [0, 0, 1, 1], [], []>, transpose_lhs_hint = false} : vector<1024x128xf32>, vector<128x128xf32>, vector<1024x128xf32> -> vector<1024x128xf32>
    %broadcast_in_dim3A_33 = vector.shape_cast %rsqrt3A : vector<1024xf32> to vector<1024x1xf32>
    %mul3A_34 = vector.broadcast %broadcast_in_dim3A_33 : vector<1024x1xf32> to vector<1024x128xf32>
    %mul3A_35 = arith.mulf %dot_general3A_32, %mul3A_34 : vector<1024x128xf32>
    %swap3A = arith.constant 0 : index
    %swap3A_36 = arith.constant 0 : index
    %swap3A_37 = vector.load %arg7[%swap3A, %swap3A_36] : memref<1024x128xf32, #tpu.memory_space<vmem>>, vector<1024x128xf32>
    tpu.vector_store %arg7[%swap3A, %swap3A_36], %mul3A_35 {strides = array<i32>} : memref<1024x128xf32, #tpu.memory_space<vmem>>, vector<1024x128xf32>,
    return
  }
  func.func @transform_0(%arg0: i32) -> (i32, i32) {
    %c0_i32 = arith.constant 0 : i32
    %c0_i32_0 = arith.constant 0 : i32
    return %c0_i32, %arg0 : i32, i32
  }
  func.func @transform_1(%arg0: i32) -> (i32, i32) {
    %c0_i32 = arith.constant 0 : i32
    %c0_i32_0 = arith.constant 0 : i32
    return %arg0, %c0_i32 : i32, i32
  }
  func.func @transform_2(%arg0: i32) -> (i32, i32) {
    %c0_i32 = arith.constant 0 : i32
    %c0_i32_0 = arith.constant 0 : i32
    return %arg0, %c0_i32 : i32, i32
  }
  func.func @transform_3(%arg0: i32) -> (i32, i32) {
    %c0_i32 = arith.constant 0 : i32
    %c0_i32_0 = arith.constant 0 : i32
    return %arg0, %c0_i32 : i32, i32
  }
  func.func @transform_4(%arg0: i32) -> (i32, i32) {
    %c0_i32 = arith.constant 0 : i32
    %c0_i32_0 = arith.constant 0 : i32
    %c0_i32_1 = arith.constant 0 : i32
    return %c0_i32, %c0_i32_0 : i32, i32
  }
  func.func @transform_5(%arg0: i32) -> (i32, i32) {
    %c0_i32 = arith.constant 0 : i32
    %c0_i32_0 = arith.constant 0 : i32
    %c0_i32_1 = arith.constant 0 : i32
    return %c0_i32, %c0_i32_0 : i32, i32
  }
  func.func @transform_6(%arg0: i32) -> (i32, i32) {
    %c0_i32 = arith.constant 0 : i32
    %c0_i32_0 = arith.constant 0 : i32
    return %arg0, %c0_i32 : i32, i32
  }
}

module attributes {stable_mosaic.version = 14 : i64} {
  func.func @_tc3_body(%arg0: i32, %arg1: memref<2x1024xf32, #tpu.memory_space<vmem>>, %arg2: memref<1024x128xf32, #tpu.memory_space<vmem>>, %arg3: memref<1024x128xf32, #tpu.memory_space<vmem>>, %arg4: memref<1024x128xf32, #tpu.memory_space<vmem>>, %arg5: memref<1x128xf32, #tpu.memory_space<vmem>>, %arg6: memref<1024x128xf32, #tpu.memory_space<vmem>>) attributes {dimension_semantics = [#tpu.dimension_semantics<arbitrary>], iteration_bounds = array<i64: 10>, scalar_prefetch = 0 : i64, scratch_operands = 0 : i64, tpu.core_type = #tpu.core_type<tc>, window_params = [{transform_indices = @transform_0, window_bounds = array<i64: 2, 1024>}, {transform_indices = @transform_1, window_bounds = array<i64: 1024, 128>}, {transform_indices = @transform_2, window_bounds = array<i64: 1024, 128>}, {transform_indices = @transform_3, window_bounds = array<i64: 1024, 128>}, {pipeline_mode = #tpu.pipeline_mode<synchronous>, transform_indices = @transform_4, window_bounds = array<i64: 1, 128>}, {transform_indices = @transform_5, window_bounds = array<i64: 1024, 128>}]} {
    %get3A = arith.constant 0 : index
    %get3A_0 = arith.constant 0 : index
    %get3A_1 = vector.load %arg1[%get3A, %get3A_0] : memref<2x1024xf32, #tpu.memory_space<vmem>>, vector<1x1024xf32>
    %get3A_2 = vector.shape_cast %get3A_1 : vector<1x1024xf32> to vector<1024xf32>
    %get3A_3 = arith.constant 1 : index
    %get3A_4 = arith.constant 0 : index
    %get3A_5 = vector.load %arg1[%get3A_3, %get3A_4] : memref<2x1024xf32, #tpu.memory_space<vmem>>, vector<1x1024xf32>
    %get3A_6 = vector.shape_cast %get3A_5 : vector<1x1024xf32> to vector<1024xf32>
    %add3A = arith.addf %get3A_2, %get3A_6 : vector<1024xf32>
    %add3A_7 = arith.constant 1.000000e+00 : f32
    %add3A_8 = vector.broadcast %add3A_7 : f32 to vector<1024xf32>
    %add3A_9 = arith.addf %add3A, %add3A_8 : vector<1024xf32>
    %rsqrt3A = math.rsqrt %add3A_9 : vector<1024xf32>
    %get3A_10 = arith.constant 0 : index
    %get3A_11 = arith.constant 0 : index
    %get3A_12 = vector.load %arg2[%get3A_10, %get3A_11] : memref<1024x128xf32, #tpu.memory_space<vmem>>, vector<1024x128xf32>
    %get3A_13 = arith.constant 0 : index
    %get3A_14 = arith.constant 0 : index
    %get3A_15 = vector.load %arg3[%get3A_13, %get3A_14] : memref<1024x128xf32, #tpu.memory_space<vmem>>, vector<1024x128xf32>
    %add3A_16 = arith.addf %get3A_12, %get3A_15 : vector<1024x128xf32>
    %get3A_17 = arith.constant 0 : index
    %get3A_18 = arith.constant 0 : index
    %get3A_19 = vector.load %arg4[%get3A_17, %get3A_18] : memref<1024x128xf32, #tpu.memory_space<vmem>>, vector<1024x128xf32>
    %add3A_20 = arith.addf %add3A_16, %get3A_19 : vector<1024x128xf32>
    %broadcast_in_dim3A = vector.shape_cast %rsqrt3A : vector<1024xf32> to vector<1024x1xf32>
    %mul3A = vector.broadcast %broadcast_in_dim3A : vector<1024x1xf32> to vector<1024x128xf32>
    %mul3A_21 = arith.mulf %add3A_20, %mul3A : vector<1024x128xf32>
    %get3A_22 = arith.constant 0 : index
    %get3A_23 = arith.constant 0 : index
    %get3A_24 = vector.load %arg5[%get3A_22, %get3A_23] : memref<1x128xf32, #tpu.memory_space<vmem>>, vector<1x128xf32>
    %add3A_25 = vector.broadcast %get3A_24 : vector<1x128xf32> to vector<1024x128xf32>
    %add3A_26 = arith.addf %mul3A_21, %add3A_25 : vector<1024x128xf32>
    %swap3A = arith.constant 0 : index
    %swap3A_27 = arith.constant 0 : index
    %swap3A_28 = vector.load %arg6[%swap3A, %swap3A_27] : memref<1024x128xf32, #tpu.memory_space<vmem>>, vector<1024x128xf32>
    tpu.vector_store %arg6[%swap3A, %swap3A_27], %add3A_26 {strides = array<i32>} : memref<1024x128xf32, #tpu.memory_space<vmem>>, vector<1024x128xf32>,
    return
  }
  func.func @transform_0(%arg0: i32) -> (i32, i32) {
    %c0_i32 = arith.constant 0 : i32
    %c0_i32_0 = arith.constant 0 : i32
    return %c0_i32, %arg0 : i32, i32
  }
  func.func @transform_1(%arg0: i32) -> (i32, i32) {
    %c0_i32 = arith.constant 0 : i32
    %c0_i32_0 = arith.constant 0 : i32
    return %arg0, %c0_i32 : i32, i32
  }
  func.func @transform_2(%arg0: i32) -> (i32, i32) {
    %c0_i32 = arith.constant 0 : i32
    %c0_i32_0 = arith.constant 0 : i32
    return %arg0, %c0_i32 : i32, i32
  }
  func.func @transform_3(%arg0: i32) -> (i32, i32) {
    %c0_i32 = arith.constant 0 : i32
    %c0_i32_0 = arith.constant 0 : i32
    return %arg0, %c0_i32 : i32, i32
  }
  func.func @transform_4(%arg0: i32) -> (i32, i32) {
    %c0_i32 = arith.constant 0 : i32
    %c0_i32_0 = arith.constant 0 : i32
    %c0_i32_1 = arith.constant 0 : i32
    return %c0_i32, %c0_i32_0 : i32, i32
  }
  func.func @transform_5(%arg0: i32) -> (i32, i32) {
    %c0_i32 = arith.constant 0 : i32
    %c0_i32_0 = arith.constant 0 : i32
    return %arg0, %c0_i32 : i32, i32
  }
}

</mosaic_0001>

<sc_bundles>
// kernel: kernel.11.cloned.1.call-start
scs
__scs_entry_jumppad:
0x0: {  	(pc) =	sbr.rel $0x88, $3  }
0x1: {  	(tag) =	ssettag $0x0;
	lr =	simm.s32 $0x1  }
0x2: {  	[smem:$0x3F9B] =	sst lr;
	_ =	strace $0xD0000000  }
0x3: {  	_ = 	snop  }
0x4: {  	_ = 	snop  }
0x5: {  	_ = 	snop  }
0x6: {  	_ = 	snop  }
0x7: {  	_ = 	snop  }
__scs_overlays_trampoline_lowered:
0x8: {  	[smem:$0x3FAA] =	sst s0  }
0x9: {  	[smem:$0x3FAB] =	sst s1  }
0xa: {  	[smem:$0x3FAC] =	sst s2  }
0xb: {  	[smem:$0x3FAD] =	sst s3  }
0xc: {  	[smem:$0x3FAE] =	sst s4  }
0xd: {  	[smem:$0x3FAF] =	sst s5  }
0xe: {  	[smem:$0x3FB0] =	sst s6  }
0xf: {  	[smem:$0x3FB1] =	sst s7  }
0x10: {  	[smem:$0x3FB2] =	sst s8  }
0x11: {  	[smem:$0x3FB3] =	sst s9;
	s0 =	simm.s32 @!p0 $0x0  }
0x12: {  	s1 =	sld [smem:$0x3F99];
	s0 =	simm.s32 @p0 $0x1  }
0x13: {  	[smem:$0x3FB4] =	sst s0;
	s0 =	simm.s32 @!p1 $0x0  }
0x14: {  	s2 =	sld [smem:$0x3F98];
	s0 =	simm.s32 @p1 $0x1  }
0x15: {  	[smem:$0x3FB5] =	sst s0;
	s0 =	simm.s32 @!p2 $0x0  }
0x16: {  	s3 =	sld [smem:$0x3FDB];
	s0 =	simm.s32 @p2 $0x1  }
0x17: {  	s4 =	simm.s32 $0x1BF5;
	[smem:$0x3FB7] =	sst s0  }
0x18: {  	s0 =	sld [smem:$0x3F9A];
	_ =	swait.ge [sflag:s4], $0x0  }
0x19: {  	s7 =	sld [smem:$0x3F9B]  }
0x1a: {  	s8 =	sadd.s32 $0xFFFFE003, lr  }
0x1b: {  	s9 =	sadd.s32 $0xFFFFFEF7, lr;
	s5 =	simm.s32 $0xFFFFFFFF;
	p2 =	slt.u32 s8, $0xFFFFF086  }
0x1c: {  	p1 =	slt.u32 s9, $0xF7A;
	s5 =	simm.s32 @!p2 $0x0  }
0x1d: {  	s5 =	simm.s32 @p1 $0x1;
	p0 =	seq.s32 s7, s2  }
0x1e: {  	s7 =	smul.u32 @!p0 $0xF7A, s2;
	p2 =	seq.s32 @!p0 s5, $0x0  }
0x1f: {  	s9 =	smul.u32 $0xF7A, s1;
	s8 =	simm.s32 @!p0 $0x1BF5;
	p2 =	por !p2, p0  }
0x20: {  	[sflag:s8] =	ssyncset.s32 @!p0 $0xFFFFF086;
	s6 =	sadd.s32 @!p0 s3, s7;
	s7 =	simm.s32 @!p0 $0x108  }
0x21: {  	s3 =	sadd.s32 s3, s9;
	s6 =	sadd.s32 @!p0 $0x88, s6;
	s7 =	simm.s32 @p2 $0x1082  }
0x22: {  	[simem:s7], [sflag:s8] =	dma.local @!p0 [hbm:s6], $0xF7A  }
0x23: {  	s9 =	sor.u32 $0xD0000000, s2;
	s6 =	simm.s32 $0x108;
	_ =	swait.ge @!p0 [sflag:s8], $0x0  }
0x24: {  	s3 =	sadd.s32 $0x88, s3;
	s6 =	simm.s32 @!p1 $0x1082;
	[sflag:s4] =	ssyncset.s32 $0xFFFFF086  }
0x25: {  	[simem:s6], [sflag:s4] =	dma.local [hbm:s3], $0xF7A  }
0x26: {  	[smem:$0x3F9B] =	sst s1;
	(tag) =	ssettag s2;
	_ =	strace s9  }
0x27: {  	s1 =	sld [smem:$0x3FAB]  }
0x28: {  	s2 =	sld [smem:$0x3FAC]  }
0x29: {  	s4 =	sld [smem:$0x3FAE]  }
0x2a: {  	p0 =	seq.s32 s5, $0x0;
	s5 =	sld [smem:$0x3FAF]  }
0x2b: {  	s6 =	sld [smem:$0x3FB0]  }
0x2c: {  	s7 =	sld [smem:$0x3FB1]  }
0x2d: {  	s3 =	simm.s32 $0x108;
	s8 =	sld [smem:$0x3FB2]  }
0x2e: {  	s3 =	simm.s32 @!p0 $0x1082;
	s9 =	sld [smem:$0x3FB3]  }
0x2f: {  	lr =	sadd.s32 s0, s3;
	s0 =	sld [smem:$0x3FAA]  }
0x30: {  	s3 =	sld [smem:$0x3FAD]  }
0x31: {  	[smem:$0x3FB6] =	sst s10  }
0x32: {  	s10 =	sld [smem:$0x3FB4];
	_ =	sdelay $0x3  }
0x33: {  	p0 =	seq.s32 s10, $0x1;
	s10 =	sld [smem:$0x3FB6];
	_ =	sdelay $0x3  }
0x34: {  	[smem:$0x3FB6] =	sst s10  }
0x35: {  	s10 =	sld [smem:$0x3FB5];
	_ =	sdelay $0x3  }
0x36: {  	p1 =	seq.s32 s10, $0x1;
	s10 =	sld [smem:$0x3FB6];
	_ =	sdelay $0x3  }
0x37: {  	[smem:$0x3FB6] =	sst s10  }
0x38: {  	s10 =	sld [smem:$0x3FB7]  }
0x39: {  	_ = 	snop;
	(pc) =	sbr.ind lr, $3  }
0x3a: {  	_ = 	snop  }
0x3b: {  	_ = 	snop  }
0x3c: {  	p2 =	seq.s32 s10, $0x1;
	s10 =	sld [smem:$0x3FB6]  }
0x3d: {  	_ =	shalt  }
0x3e: {  	_ =	shalt  }
0x3f: {  	_ =	shalt  }
0x40: {  	_ =	shalt  }
0x41: {  	_ =	shalt  }
0x42: {  	_ =	shalt  }
0x43: {  	_ =	shalt  }
0x44: {  	_ =	shalt  }
0x45: {  	_ =	shalt  }
0x46: {  	_ =	shalt  }
0x47: {  	_ =	shalt  }
0x48: {  	_ =	shalt  }
0x49: {  	_ =	shalt  }
0x4a: {  	_ =	shalt  }
0x4b: {  	_ =	shalt  }
0x4c: {  	_ =	shalt  }
0x4d: {  	_ =	shalt  }
0x4e: {  	_ =	shalt  }
0x4f: {  	_ =	shalt  }
0x50: {  	_ =	shalt  }
0x51: {  	_ =	shalt  }
0x52: {  	_ =	shalt  }
0x53: {  	_ =	shalt  }
0x54: {  	_ =	shalt  }
0x55: {  	_ =	shalt  }
0x56: {  	_ =	shalt  }
0x57: {  	_ =	shalt  }
0x58: {  	_ =	shalt  }
0x59: {  	_ =	shalt  }
0x5a: {  	_ =	shalt  }
0x5b: {  	_ =	shalt  }
0x5c: {  	_ =	shalt  }
0x5d: {  	_ =	shalt  }
0x5e: {  	_ =	shalt  }
0x5f: {  	_ =	shalt  }
0x60: {  	_ =	shalt  }
0x61: {  	_ =	shalt  }
0x62: {  	_ =	shalt  }
0x63: {  	_ =	shalt  }
0x64: {  	_ =	shalt  }
0x65: {  	_ =	shalt  }
0x66: {  	_ =	shalt  }
0x67: {  	_ =	shalt  }
0x68: {  	_ =	shalt  }
0x69: {  	_ =	shalt  }
0x6a: {  	_ =	shalt  }
0x6b: {  	_ =	shalt  }
0x6c: {  	_ =	shalt  }
0x6d: {  	_ =	shalt  }
0x6e: {  	_ =	shalt  }
0x6f: {  	_ =	shalt  }
0x70: {  	_ =	shalt  }
0x71: {  	_ =	shalt  }
0x72: {  	_ =	shalt  }
0x73: {  	_ =	shalt  }
0x74: {  	_ =	shalt  }
0x75: {  	_ =	shalt  }
0x76: {  	_ =	shalt  }
0x77: {  	_ =	shalt  }
0x78: {  	_ =	shalt  }
0x79: {  	_ =	shalt  }
0x7a: {  	_ =	shalt  }
0x7b: {  	_ =	shalt  }
0x7c: {  	_ =	shalt  }
0x7d: {  	_ =	shalt  }
0x7e: {  	_ =	shalt  }
0x7f: {  	_ =	shalt  }
0x80: {  	_ =	shalt  }
0x81: {  	_ =	shalt  }
0x82: {  	_ =	shalt  }
0x83: {  	_ =	shalt  }
0x84: {  	_ =	shalt  }
0x85: {  	_ =	shalt  }
0x86: {  	_ =	shalt  }
0x87: {  	_ =	shalt  }
.Lfunc_end0:
.L_simem_size_0:
called_computation.1_lowered:
.L_overlay_start_0:
0x88: {  	s2 =	sld [smem:$0x3FD9]  }
0x89: {  	s3 =	sld [smem:$0x3FFE];
	_ =	sdelay $0x1  }
0x8a: {  	s1 =	srdreg.scid  }
0x8b: {  	s0 =	sand.u32 $0x1, s1  }
0x8c: {  	s17 =	sshll.u32 s0, $0xA;
	s2 =	sadd.s32 s3, s2  }
0x8d: {  	s2 =	sadd.s32 s2, s17  }
0x8e: {  	[smem:$0x3FC2] =	sst s2  }
0x8f: {  	_ = 	snop  }
0x90: {  	s2 =	sld [smem:$0x3FD0];
	(tm) =	ssettm $0x1  }
0x91: {  	s18 =	sld [smem:$0x3FFB];
	_ =	sdelay $0x3  }
0x92: {  	_ =	strace s18  }
0x93: {  	s3 =	sld [smem:$0x3FFC];
	_ =	sdelay $0x3  }
0x94: {  	_ =	strace s3  }
0x95: {  	s3 =	sld [smem:$0x3FFD];
	_ =	sdelay $0x3  }
0x96: {  	_ =	strace s3  }
0x97: {  	_ =	strace $0x8FFFFFFF  }
0x98: {  	s19 =	sld [smem:$0x3FDB];
	_ =	sdelay $0x1  }
0x99: {  	s4 =	simm.s32 $_scs_section_size  }
0x9a: {  	s5 =	simm.s32 $_size__tile_overlayer_lowered;
	s6 =	simm.s32 $_tile_overlayer_lowered  }
0x9b: {  	s22 =	simm.s32 $0x1BFF;
	s21 =	sshll.u32 s6, $0x1;
	s3 =	sadd.s32 s4, s19  }
0x9c: {  	s7 =	simm.s32 $0x0;
	s20 =	sshll.u32 s5, $0x1;
	s5 =	sadd.s32 s21, s3  }
0x9d: {  	[timem:s7], [sflag:s22] =	dma.local [hbm:s5], s20  }
0x9e: {  	_ =	swait.ge [sflag:s22], s20  }
0x9f: {  	s4 =	ssub.s32 $0x0, s20;
	[sflag:s22] =	ssyncset.done $0x0  }
0xa0: {  	[sflag:s22] =	ssyncadd.s32 s4;
	_ =	sdelay $0x1  }
0xa1: {  	s23 =	simm.s32 $0x1B8B  }
0xa2: {  	_ =	swait.ge [sflag:s23], $0x1  }
0xa3: {  	[sflag:s23] =	ssyncset.done $0x0  }
0xa4: {  	s25 =	simm.s32 $0x1B8E;
	s24 =	sld [smem:$0x3FFE];
	[sflag:s23] =	ssyncadd.s32 $0xFFFFFFFF  }
0xa5: {  	s26 =	simm.s32 $execute0_lowered;
	[smem:$0x3FD2] =	sst s25  }
0xa6: {  	s5 =	sshll.u32 s26, $0x1;
	_ =	strace $0x80000049;
	[dreg:$0x1] =	wrdreg $0xFFFFFFFF  }
0xa7: {  	s28 =	simm.s32 $_size_execute0_lowered;
	s3 =	sadd.s32 s3, s5;
	[dreg:$0x0] =	wrdreg $0x0  }
0xa8: {  	s5 =	sshll.u32 s28, $0x1;
	[dreg:$0x2] =	wrdreg s3  }
0xa9: {  	[dreg:$0x3] =	wrdreg s5  }
0xaa: {  	[dreg:$0x4] =	wrdreg $0xC0  }
0xab: {  	_ =	task [dreg:s7], $0x5FFFF  }
0xac: {  	[dreg:$0x1] =	wrdreg $0xFFFFFFFF  }
0xad: {  	[dreg:$0x0] =	wrdreg $0x60  }
0xae: {  	[dreg:$0x2] =	wrdreg s24  }
0xaf: {  	[dreg:$0x3] =	wrdreg s2  }
0xb0: {  	[dreg:$0x4] =	wrdreg $0xA8000  }
0xb1: {  	[dreg:$0x5] =	wrdreg $0x9  }
0xb2: {  	_ =	task.clear_ibuf [dreg:s7], $0x6FFFF;
	_ =	strace $0x90000049  }
0xb3: {  	s29 =	simm.s32 $0x9;
	_ =	strace $0x8000004B  }
0xb4: {  	_ =	swait.ge [sflag:s29], $0x1  }
0xb5: {  	[sflag:s29] =	ssyncadd.s32 $0xFFFFFFFF  }
0xb6: {  	_ =	strace $0x9000004B  }
0xb7: {  	_ =	sfence  }
0xb8: {  	s30 =	sld [smem:$0x0];
	_ =	sdelay $0x2  }
0xb9: {  	s31 =	sshll.u32 s1, $0xD;
	s1 =	sshrl.u32 s1, $0x2  }
0xba: {  	s3 =	sand.u32 $0x4000, s31;
	s1 =	sadd.s32 s1, s30  }
0xbb: {  	s0 =	sor.u32 s3, s0;
	s1 =	sshll.u32 s1, $0x11  }
0xbc: {  	s0 =	sor.u32 s1, s0  }
0xbd: {  	s0 =	sadd.s32 $0x8F2B, s0  }
0xbe: {  	[sflag:s0] =	ssyncadd.remote.s32 $0x1  }
0xbf: {  	_ =	sfence.sel $0xFFFF  }
0xc0: {  	[dreg:$0x0] =	wrdreg $0xFFFFFFFF;
	(pc) =	sbr.abs _section_cstart, $3  }
0xc1: {  	[dreg:$0x1] =	wrdreg $0xFFFFFFFF  }
0xc2: {  	_ =	task.clear_ibuf [dreg:s7], $0x2FFFF;
	_ =	strace $0x9FFFFFFF  }
0xc3: {  	(tm) =	ssettm $0x7FFFFFFF  }
tec
execute0_lowered:
.L_overlay_start_1:
0x0: {  	(tag) =	ssettag $0x1  }
0x1: {  	s5 =	rddreg [dreg:$0x0]  }
0x2: {  	s16 =	rddreg [dreg:$0x1]  }
0x3: {  	s2 =	rddreg [dreg:$0x2]  }
0x4: {  	s3 =	simm.s32 $0x0;
	s0 =	stileid.u32;
	s4 =	srdreg.scid  }
0x5: {  	s19 =	simm.s32 $0x1400;
	s20 =	simm.s32 $0x80;
	s21 =	simm.s32 $0x2800  }
0x6: {  	s22 =	simm.s32 $0x6800;
	s23 =	simm.s32 $0x1;
	s24 =	simm.s32 $0x2  }
0x7: {  	s25 =	simm.s32 $0x1380;
	s28 =	simm.s32 $0x2780;
	s6 =	smul.u32 $0x14000, s0  }
0x8: {  	[smem:$0x7FF] =	sst s3;
	s7 =	sand.u32 $0x1, s4;
	s10 =	smul.u32 $0x50000, s0  }
0x9: {  	s4 =	sadd.s32 $0x17C00, s5;
	s15 =	sadd.s32 $0xDC00, s5;
	s13 =	smul.u32 $0x500, s0  }
0xa: {  	s30 =	sshll.u32 s0, $0x6;
	_ =	strace $0x8000004A;
	s8 =	smul.u32 $0x140000, s7  }
0xb: {  	s26 =	ssub.s32 $0x2, s7;
	p0 =	seq.s32 s7, $0x1;
	s9 =	sshrl.u32 s6, $0x3  }
0xc: {  	s11 =	sshrl.u32 s26, $0x1;
	s29 =	sshrl.u32 s10, $0x2;
	s31 =	sadd.s32 $0x280, s13  }
0xd: {  	s10 =	sadd.s32 s16, s13;
	s14 =	sadd.s32 $0x5000, s13;
	s18 =	sadd.s32 $0x5280, s13  }
0xe: {  	s6 =	sadd.s32 s6, s8;
	s9 =	sadd.s32 s9, s5;
	s8 =	ssub.s32 s26, s11  }
0xf: {  	s17 =	sadd.s32 s29, s2;
	s11 =	sadd.s32 s15, s31;
	s26 =	simm.s32 $0x2700  }
.Ltmp0:
0x10: {  	s6 =	sshrl.u32 s6, $0x3;
	s8 =	smax.u32 s8, $0x1;
	(pc) =	sbr.rel .LBB2_1-.Ltmp0, $4  }
0x11: {  	s17 =	sshrl.u32 s17, $0x3;
	s12 =	sadd.s32 s6, s5;
	s5 =	sadd.s32 $0x3FC00, s9  }
0x12: {  	s6 =	sor.u32 $0x1C03, s30;
	s9 =	sadd.s32 s15, s13;
	s13 =	sadd.s32 s15, s14  }
0x13: {  	s14 =	sadd.s32 s16, s14;
	s15 =	sadd.s32 s15, s18;
	s7 =	sadd.s32 $0x67C00, s12  }
0x14: {  	s12 =	sadd.s32 s16, s31;
	s16 =	sadd.s32 s16, s18;
	s18 =	simm.s32 $0x3  }
.LBB2_11:
0x15: {  	s0 =	sadd.s32 $0x80, s29;
	[sflag:s18] =	ssyncadd.s32 $0xFFFFC000  }
0x16: {  	[tilespmem:s22], [sflag:$0x2] =	stream.indirect.gather [hbm4b:s4+s20], $0x80, s0, s20, $0xb8;
	[tilespmem:$0x1E800] =	vst v63  }
0x17: {  	_ =	swait.ge [sflag:s23], $0x4000  }
0x18: {  	[sflag:s23] =	ssyncset.done $0x0  }
0x19: {  	s1 =	sadd.s32 $0x1400, s29;
	[sflag:s23] =	ssyncadd.s32 $0xFFFFC000  }
0x1a: {  	[spmem:s2] =	stream.indirect.scatter.add.f32 [tilespmem:s21], [sflag:$0x3], $0x80, s1, s20, $0xb8;
	[tilespmem:$0x1E800] =	vst v63  }
0x1b: {  	_ =	swait.ge [sflag:s18], $0x4000  }
0x1c: {  	[sflag:s18] =	ssyncset.done $0x0  }
0x1d: {  	s30 =	sadd.s32 $0x100, s29;
	[sflag:s18] =	ssyncadd.s32 $0xFFFFC000  }
0x1e: {  	[tilespmem:s21], [sflag:$0x1] =	stream.indirect.gather [hbm4b:s4+s20], $0x80, s30, s20, $0xb8;
	[tilespmem:$0x1E800] =	vst v63  }
0x1f: {  	_ =	swait.ge [sflag:s24], $0x4000  }
0x20: {  	[sflag:s24] =	ssyncset.done $0x0  }
0x21: {  	s31 =	sadd.s32 $0x1480, s29;
	[sflag:s24] =	ssyncadd.s32 $0xFFFFC000  }
0x22: {  	[spmem:s2] =	stream.indirect.scatter.add.f32 [tilespmem:s22], [sflag:$0x3], $0x80, s31, s20, $0xb8;
	[tilespmem:$0x1E800] =	vst v63  }
0x23: {  	_ =	swait.ge [sflag:s18], $0x4000  }
0x24: {  	[sflag:s18] =	ssyncset.done $0x0  }
0x25: {  	[sflag:s18] =	ssyncadd.s32 $0xFFFFC000  }
.LBB2_12:
0x26: {  	[tilespmem:s22], [sflag:$0x2] =	stream.indirect.gather [hbm4b:s4+s20], $0x80, s25, s20, $0xb8;
	[tilespmem:$0x1E800] =	vst v63  }
0x27: {  	_ =	swait.ge [sflag:s23], $0x4000  }
0x28: {  	[sflag:s23] =	ssyncset.done $0x0  }
0x29: {  	[sflag:s23] =	ssyncadd.s32 $0xFFFFC000  }
0x2a: {  	[spmem:s2] =	stream.indirect.scatter.add.f32 [tilespmem:s21], [sflag:$0x3], $0x80, s26, s20, $0xb8;
	[tilespmem:$0x1E800] =	vst v63  }
0x2b: {  	_ =	swait.ge [sflag:s18], $0x4000  }
0x2c: {  	[sflag:s18] =	ssyncset.done $0x0  }
0x2d: {  	[sflag:s18] =	ssyncadd.s32 $0xFFFFC000  }
0x2e: {  	_ =	swait.ge [sflag:s24], $0x4000  }
0x2f: {  	[sflag:s24] =	ssyncset.done $0x0  }
0x30: {  	[sflag:s24] =	ssyncadd.s32 $0xFFFFC000  }
0x31: {  	[spmem:s2] =	stream.indirect.scatter.add.f32 [tilespmem:s22], [sflag:$0x3], $0x80, s28, s20, $0xb8;
	[tilespmem:$0x1E800] =	vst v63  }
0x32: {  	_ =	swait.ge [sflag:s18], $0x4000  }
0x33: {  	s3 =	sadd.s32 $0x1, s3;
	[sflag:s18] =	ssyncset.done $0x0  }
0x34: {  	p1 =	sne.s32 s3, s8;
	[sflag:s18] =	ssyncadd.s32 $0xFFFFC000  }
.Ltmp1:
0x35: {  	[bflag:$0x0] =	sbarrier.arrive $0xFFFF;
	(pc) =	sbr.rel @!p1 .LBB2_13-.Ltmp1, $4  }
0x36: {  	[hbm:s7], [sflag:s6] =	dma.local [spmem:s17], $0x2800  }
0x37: {  	_ =	swait.ge [sflag:s18], $0x2800  }
0x38: {  	[sflag:s18] =	ssyncset.done $0x0  }
0x39: {  	[sflag:s18] =	ssyncadd.s32 $0xFFFFD800  }
.LBB2_1:
0x3a: {  	[spmem:s17], [sflag:s6] =	dma.local [hbm:s5], $0x2800  }
.Ltmp2:
0x3b: {  	_ =	swait.ge [sflag:s18], $0x2800;
	(pc) =	sbr.rel @!p0 .LBB2_2-.Ltmp2, $3  }
0x3c: {  	[sflag:s18] =	ssyncset.done $0x0  }
0x3d: {  	[sflag:s18] =	ssyncadd.s32 $0xFFFFD800  }
0x3e: {  	[bflag:$0x0] =	sbarrier.arrive $0xFFFF;
	_ =	sdelay $0x1  }
0x3f: {  	s0 =	simm.s32 $0x0  }
0x40: {  	[tilespmem:s0], [sflag:$0x3] =	stream.linear.gather [hbm4b:s13+s0], $0x1400, $0x38;
	[tilespmem:$0x1E800] =	vst v63  }
0x41: {  	_ =	swait.ge [sflag:s18], $0x1400  }
0x42: {  	[sflag:s18] =	ssyncset.done $0x0  }
0x43: {  	[sflag:s18] =	ssyncadd.s32 $0xFFFFEC00  }
0x44: {  	[tilespmem:s19], [sflag:$0x3] =	stream.linear.gather [hbm4b:s14+s0], $0x1400, $0x38;
	[tilespmem:$0x1E800] =	vst v63  }
0x45: {  	_ =	swait.ge [sflag:s18], $0x1400  }
0x46: {  	[sflag:s18] =	ssyncset.done $0x0  }
0x47: {  	[sflag:s18] =	ssyncadd.s32 $0xFFFFEC00  }
0x48: {  	[tilespmem:s21], [sflag:$0x1] =	stream.indirect.gather [hbm4b:s4+s20], $0x80, s0, s20, $0xb8;
	[tilespmem:$0x1E800] =	vst v63  }
0x49: {  	s1 =	simm.s32 $0x80  }
0x4a: {  	[tilespmem:s22], [sflag:$0x2] =	stream.indirect.gather [hbm4b:s4+s20], $0x80, s1, s20, $0xb8;
	[tilespmem:$0x1E800] =	vst v63  }
0x4b: {  	_ =	swait.ge [sflag:s23], $0x4000  }
0x4c: {  	[sflag:s23] =	ssyncset.done $0x0  }
0x4d: {  	s31 =	simm.s32 $0x1400;
	[sflag:s23] =	ssyncadd.s32 $0xFFFFC000  }
0x4e: {  	[spmem:s2] =	stream.indirect.scatter.add.f32 [tilespmem:s21], [sflag:$0x3], $0x80, s31, s20, $0xb8;
	[tilespmem:$0x1E800] =	vst v63  }
0x4f: {  	_ =	swait.ge [sflag:s18], $0x4000  }
0x50: {  	[sflag:s18] =	ssyncset.done $0x0  }
0x51: {  	s1 =	simm.s32 $0x100;
	[sflag:s18] =	ssyncadd.s32 $0xFFFFC000  }
0x52: {  	[tilespmem:s21], [sflag:$0x1] =	stream.indirect.gather [hbm4b:s4+s20], $0x80, s1, s20, $0xb8;
	[tilespmem:$0x1E800] =	vst v63  }
0x53: {  	_ =	swait.ge [sflag:s24], $0x4000  }
0x54: {  	[sflag:s24] =	ssyncset.done $0x0  }
0x55: {  	s31 =	simm.s32 $0x1480;
	[sflag:s24] =	ssyncadd.s32 $0xFFFFC000  }
0x56: {  	[spmem:s2] =	stream.indirect.scatter.add.f32 [tilespmem:s22], [sflag:$0x3], $0x80, s31, s20, $0xb8;
	[tilespmem:$0x1E800] =	vst v63  }
0x57: {  	_ =	swait.ge [sflag:s18], $0x4000  }
0x58: {  	s30 =	simm.s32 $0x800;
	s29 =	simm.s32 $0x100;
	[sflag:s18] =	ssyncset.done $0x0  }
.LBB2_8:
0x59: {  	s0 =	sadd.s32 $0x80, s29  }
0x5a: {  	[sflag:s18] =	ssyncadd.s32 $0xFFFFC000;
	s1 =	smov.u32 s30;
	s31 =	sadd.s32 $0x400, s30  }
0x5b: {  	[tilespmem:s22], [sflag:$0x2] =	stream.indirect.gather [hbm4b:s4+s20], $0x80, s0, s20, $0xb8;
	[tilespmem:$0x1E800] =	vst v63  }
0x5c: {  	p1 =	sne.s32 s30, $0x4800;
	_ =	swait.ge [sflag:s23], $0x4000  }
0x5d: {  	[sflag:s23] =	ssyncset.done $0x0  }
0x5e: {  	s0 =	sadd.s32 $0x1400, s29;
	[sflag:s23] =	ssyncadd.s32 $0xFFFFC000  }
0x5f: {  	[spmem:s2] =	stream.indirect.scatter.add.f32 [tilespmem:s21], [sflag:$0x3], $0x80, s0, s20, $0xb8;
	[tilespmem:$0x1E800] =	vst v63  }
0x60: {  	_ =	swait.ge [sflag:s18], $0x4000  }
0x61: {  	[sflag:s18] =	ssyncset.done $0x0  }
0x62: {  	s0 =	sadd.s32 $0x100, s29;
	[sflag:s18] =	ssyncadd.s32 $0xFFFFC000  }
0x63: {  	[tilespmem:s21], [sflag:$0x1] =	stream.indirect.gather [hbm4b:s4+s20], $0x80, s0, s20, $0xb8;
	[tilespmem:$0x1E800] =	vst v63  }
0x64: {  	_ =	swait.ge [sflag:s24], $0x4000  }
.Ltmp3:
0x65: {  	[sflag:s24] =	ssyncset.done $0x0;
	(pc) =	sbr.rel @p1 .LBB2_8-.Ltmp3, $4  }
0x66: {  	s0 =	sadd.s32 $0x1480, s29;
	[sflag:s24] =	ssyncadd.s32 $0xFFFFC000  }
0x67: {  	[spmem:s2] =	stream.indirect.scatter.add.f32 [tilespmem:s22], [sflag:$0x3], $0x80, s0, s20, $0xb8;
	[tilespmem:$0x1E800] =	vst v63  }
0x68: {  	_ =	swait.ge [sflag:s18], $0x4000  }
0x69: {  	s30 =	smov.u32 s31;
	s29 =	sshra.s32 s1, $0x2;
	[sflag:s18] =	ssyncset.done $0x0  }
0x6a: {  	s0 =	sadd.s32 $0x80, s29;
	[sflag:s18] =	ssyncadd.s32 $0xFFFFC000  }
0x6b: {  	[tilespmem:s22], [sflag:$0x2] =	stream.indirect.gather [hbm4b:s4+s20], $0x80, s0, s20, $0xb8;
	[tilespmem:$0x1E800] =	vst v63  }
0x6c: {  	_ =	swait.ge [sflag:s23], $0x4000  }
0x6d: {  	[sflag:s23] =	ssyncset.done $0x0  }
0x6e: {  	s1 =	sadd.s32 $0x1400, s29;
	[sflag:s23] =	ssyncadd.s32 $0xFFFFC000  }
0x6f: {  	[spmem:s2] =	stream.indirect.scatter.add.f32 [tilespmem:s21], [sflag:$0x3], $0x80, s1, s20, $0xb8;
	[tilespmem:$0x1E800] =	vst v63  }
0x70: {  	_ =	swait.ge [sflag:s18], $0x4000  }
0x71: {  	[sflag:s18] =	ssyncset.done $0x0  }
0x72: {  	s31 =	sadd.s32 $0x100, s29;
	[sflag:s18] =	ssyncadd.s32 $0xFFFFC000  }
0x73: {  	[tilespmem:s21], [sflag:$0x1] =	stream.indirect.gather [hbm4b:s4+s20], $0x80, s31, s20, $0xb8;
	[tilespmem:$0x1E800] =	vst v63  }
0x74: {  	_ =	swait.ge [sflag:s24], $0x4000  }
0x75: {  	[sflag:s24] =	ssyncset.done $0x0  }
0x76: {  	s1 =	sadd.s32 $0x1480, s29;
	[sflag:s24] =	ssyncadd.s32 $0xFFFFC000  }
0x77: {  	[spmem:s2] =	stream.indirect.scatter.add.f32 [tilespmem:s22], [sflag:$0x3], $0x80, s1, s20, $0xb8;
	[tilespmem:$0x1E800] =	vst v63  }
0x78: {  	_ =	swait.ge [sflag:s18], $0x4000  }
0x79: {  	[sflag:s18] =	ssyncset.done $0x0  }
0x7a: {  	[sflag:s18] =	ssyncadd.s32 $0xFFFFC000  }
0x7b: {  	[tilespmem:s22], [sflag:$0x2] =	stream.indirect.gather [hbm4b:s4+s20], $0x80, s25, s20, $0xb8;
	[tilespmem:$0x1E800] =	vst v63  }
0x7c: {  	_ =	swait.ge [sflag:s23], $0x4000  }
0x7d: {  	[sflag:s23] =	ssyncset.done $0x0  }
0x7e: {  	[sflag:s23] =	ssyncadd.s32 $0xFFFFC000  }
0x7f: {  	[spmem:s2] =	stream.indirect.scatter.add.f32 [tilespmem:s21], [sflag:$0x3], $0x80, s26, s20, $0xb8;
	[tilespmem:$0x1E800] =	vst v63  }
0x80: {  	_ =	swait.ge [sflag:s18], $0x4000  }
0x81: {  	[sflag:s18] =	ssyncset.done $0x0  }
0x82: {  	[sflag:s18] =	ssyncadd.s32 $0xFFFFC000  }
0x83: {  	_ =	swait.ge [sflag:s24], $0x4000  }
0x84: {  	[sflag:s24] =	ssyncset.done $0x0  }
0x85: {  	[sflag:s24] =	ssyncadd.s32 $0xFFFFC000  }
0x86: {  	[spmem:s2] =	stream.indirect.scatter.add.f32 [tilespmem:s22], [sflag:$0x3], $0x80, s28, s20, $0xb8;
	[tilespmem:$0x1E800] =	vst v63  }
0x87: {  	_ =	swait.ge [sflag:s18], $0x4000  }
0x88: {  	[sflag:s18] =	ssyncset.done $0x0  }
0x89: {  	s31 =	simm.s32 $0x0;
	[sflag:s18] =	ssyncadd.s32 $0xFFFFC000  }
0x8a: {  	[tilespmem:s31], [sflag:$0x3] =	stream.linear.gather [hbm4b:s15+s31], $0x1400, $0x38;
	[tilespmem:$0x1E800] =	vst v63  }
0x8b: {  	_ =	swait.ge [sflag:s18], $0x1400  }
0x8c: {  	[sflag:s18] =	ssyncset.done $0x0  }
0x8d: {  	[sflag:s18] =	ssyncadd.s32 $0xFFFFEC00  }
0x8e: {  	[tilespmem:s19], [sflag:$0x3] =	stream.linear.gather [hbm4b:s16+s31], $0x1400, $0x38;
	[tilespmem:$0x1E800] =	vst v63  }
0x8f: {  	_ =	swait.ge [sflag:s18], $0x1400  }
0x90: {  	[sflag:s18] =	ssyncset.done $0x0  }
0x91: {  	[sflag:s18] =	ssyncadd.s32 $0xFFFFEC00  }
0x92: {  	[tilespmem:s21], [sflag:$0x1] =	stream.indirect.gather [hbm4b:s4+s20], $0x80, s31, s20, $0xb8;
	[tilespmem:$0x1E800] =	vst v63  }
0x93: {  	s1 =	simm.s32 $0x80  }
0x94: {  	[tilespmem:s22], [sflag:$0x2] =	stream.indirect.gather [hbm4b:s4+s20], $0x80, s1, s20, $0xb8;
	[tilespmem:$0x1E800] =	vst v63  }
0x95: {  	_ =	swait.ge [sflag:s23], $0x4000  }
0x96: {  	[sflag:s23] =	ssyncset.done $0x0  }
0x97: {  	s31 =	simm.s32 $0x1400;
	[sflag:s23] =	ssyncadd.s32 $0xFFFFC000  }
0x98: {  	[spmem:s2] =	stream.indirect.scatter.add.f32 [tilespmem:s21], [sflag:$0x3], $0x80, s31, s20, $0xb8;
	[tilespmem:$0x1E800] =	vst v63  }
0x99: {  	_ =	swait.ge [sflag:s18], $0x4000  }
0x9a: {  	[sflag:s18] =	ssyncset.done $0x0  }
0x9b: {  	s1 =	simm.s32 $0x100;
	[sflag:s18] =	ssyncadd.s32 $0xFFFFC000  }
0x9c: {  	[tilespmem:s21], [sflag:$0x1] =	stream.indirect.gather [hbm4b:s4+s20], $0x80, s1, s20, $0xb8;
	[tilespmem:$0x1E800] =	vst v63  }
0x9d: {  	_ =	swait.ge [sflag:s24], $0x4000  }
0x9e: {  	[sflag:s24] =	ssyncset.done $0x0  }
0x9f: {  	s31 =	simm.s32 $0x1480;
	[sflag:s24] =	ssyncadd.s32 $0xFFFFC000  }
0xa0: {  	[spmem:s2] =	stream.indirect.scatter.add.f32 [tilespmem:s22], [sflag:$0x3], $0x80, s31, s20, $0xb8;
	[tilespmem:$0x1E800] =	vst v63  }
0xa1: {  	_ =	swait.ge [sflag:s18], $0x4000  }
0xa2: {  	s30 =	simm.s32 $0x800;
	s29 =	simm.s32 $0x100;
	[sflag:s18] =	ssyncset.done $0x0  }
.LBB2_10:
0xa3: {  	s0 =	sadd.s32 $0x80, s29  }
0xa4: {  	[sflag:s18] =	ssyncadd.s32 $0xFFFFC000;
	s1 =	smov.u32 s30;
	s31 =	sadd.s32 $0x400, s30  }
0xa5: {  	[tilespmem:s22], [sflag:$0x2] =	stream.indirect.gather [hbm4b:s4+s20], $0x80, s0, s20, $0xb8;
	[tilespmem:$0x1E800] =	vst v63  }
0xa6: {  	p1 =	sne.s32 s30, $0x4800;
	_ =	swait.ge [sflag:s23], $0x4000  }
0xa7: {  	[sflag:s23] =	ssyncset.done $0x0  }
0xa8: {  	s0 =	sadd.s32 $0x1400, s29;
	[sflag:s23] =	ssyncadd.s32 $0xFFFFC000  }
0xa9: {  	[spmem:s2] =	stream.indirect.scatter.add.f32 [tilespmem:s21], [sflag:$0x3], $0x80, s0, s20, $0xb8;
	[tilespmem:$0x1E800] =	vst v63  }
0xaa: {  	_ =	swait.ge [sflag:s18], $0x4000  }
0xab: {  	[sflag:s18] =	ssyncset.done $0x0  }
0xac: {  	s0 =	sadd.s32 $0x100, s29;
	[sflag:s18] =	ssyncadd.s32 $0xFFFFC000  }
0xad: {  	[tilespmem:s21], [sflag:$0x1] =	stream.indirect.gather [hbm4b:s4+s20], $0x80, s0, s20, $0xb8;
	[tilespmem:$0x1E800] =	vst v63  }
0xae: {  	_ =	swait.ge [sflag:s24], $0x4000  }
.Ltmp4:
0xaf: {  	[sflag:s24] =	ssyncset.done $0x0;
	(pc) =	sbr.rel @p1 .LBB2_10-.Ltmp4, $4  }
0xb0: {  	s0 =	sadd.s32 $0x1480, s29;
	[sflag:s24] =	ssyncadd.s32 $0xFFFFC000  }
0xb1: {  	[spmem:s2] =	stream.indirect.scatter.add.f32 [tilespmem:s22], [sflag:$0x3], $0x80, s0, s20, $0xb8;
	[tilespmem:$0x1E800] =	vst v63  }
0xb2: {  	_ =	swait.ge [sflag:s18], $0x4000  }
0xb3: {  	s30 =	smov.u32 s31;
	s29 =	sshra.s32 s1, $0x2;
	[sflag:s18] =	ssyncset.done $0x0  }
.Ltmp5:
0xb4: {  	_ = 	snop;
	(pc) =	sbr.rel .LBB2_11-.Ltmp5, $1  }
0xb5: {  	_ =	sdelay $0x3  }
.LBB2_2:
0xb6: {  	s29 =	simm.s32 $0x0  }
0xb7: {  	[tilespmem:s29], [sflag:$0x3] =	stream.linear.gather [hbm4b:s9+s29], $0x1400, $0x38;
	[tilespmem:$0x1E800] =	vst v63  }
0xb8: {  	_ =	swait.ge [sflag:s18], $0x1400  }
0xb9: {  	[sflag:s18] =	ssyncset.done $0x0  }
0xba: {  	[sflag:s18] =	ssyncadd.s32 $0xFFFFEC00  }
0xbb: {  	[tilespmem:s19], [sflag:$0x3] =	stream.linear.gather [hbm4b:s10+s29], $0x1400, $0x38;
	[tilespmem:$0x1E800] =	vst v63  }
0xbc: {  	_ =	swait.ge [sflag:s18], $0x1400  }
0xbd: {  	[sflag:s18] =	ssyncset.done $0x0  }
0xbe: {  	[sflag:s18] =	ssyncadd.s32 $0xFFFFEC00  }
0xbf: {  	[tilespmem:s21], [sflag:$0x1] =	stream.indirect.gather [hbm4b:s4+s20], $0x80, s29, s20, $0xb8;
	[tilespmem:$0x1E800] =	vst v63  }
0xc0: {  	s29 =	simm.s32 $0x80  }
0xc1: {  	[tilespmem:s22], [sflag:$0x2] =	stream.indirect.gather [hbm4b:s4+s20], $0x80, s29, s20, $0xb8;
	[tilespmem:$0x1E800] =	vst v63  }
0xc2: {  	_ =	swait.ge [sflag:s23], $0x4000  }
0xc3: {  	[sflag:s23] =	ssyncset.done $0x0  }
0xc4: {  	s29 =	simm.s32 $0x1400;
	[sflag:s23] =	ssyncadd.s32 $0xFFFFC000  }
0xc5: {  	[spmem:s2] =	stream.indirect.scatter.add.f32 [tilespmem:s21], [sflag:$0x3], $0x80, s29, s20, $0xb8;
	[tilespmem:$0x1E800] =	vst v63  }
0xc6: {  	_ =	swait.ge [sflag:s18], $0x4000  }
0xc7: {  	[sflag:s18] =	ssyncset.done $0x0  }
0xc8: {  	s29 =	simm.s32 $0x100;
	[sflag:s18] =	ssyncadd.s32 $0xFFFFC000  }
0xc9: {  	[tilespmem:s21], [sflag:$0x1] =	stream.indirect.gather [hbm4b:s4+s20], $0x80, s29, s20, $0xb8;
	[tilespmem:$0x1E800] =	vst v63  }
0xca: {  	_ =	swait.ge [sflag:s24], $0x4000  }
0xcb: {  	[sflag:s24] =	ssyncset.done $0x0  }
0xcc: {  	s29 =	simm.s32 $0x1480;
	[sflag:s24] =	ssyncadd.s32 $0xFFFFC000  }
0xcd: {  	[spmem:s2] =	stream.indirect.scatter.add.f32 [tilespmem:s22], [sflag:$0x3], $0x80, s29, s20, $0xb8;
	[tilespmem:$0x1E800] =	vst v63  }
0xce: {  	_ =	swait.ge [sflag:s18], $0x4000  }
0xcf: {  	s30 =	simm.s32 $0x800;
	s29 =	simm.s32 $0x100;
	[sflag:s18] =	ssyncset.done $0x0  }
.LBB2_3:
0xd0: {  	s31 =	sadd.s32 $0x80, s29  }
0xd1: {  	[sflag:s18] =	ssyncadd.s32 $0xFFFFC000;
	s0 =	smov.u32 s30;
	s1 =	sadd.s32 $0x400, s30  }
0xd2: {  	[tilespmem:s22], [sflag:$0x2] =	stream.indirect.gather [hbm4b:s4+s20], $0x80, s31, s20, $0xb8;
	[tilespmem:$0x1E800] =	vst v63  }
0xd3: {  	p1 =	sne.s32 s30, $0x4800;
	_ =	swait.ge [sflag:s23], $0x4000  }
0xd4: {  	[sflag:s23] =	ssyncset.done $0x0  }
0xd5: {  	s30 =	sadd.s32 $0x1400, s29;
	[sflag:s23] =	ssyncadd.s32 $0xFFFFC000  }
0xd6: {  	[spmem:s2] =	stream.indirect.scatter.add.f32 [tilespmem:s21], [sflag:$0x3], $0x80, s30, s20, $0xb8;
	[tilespmem:$0x1E800] =	vst v63  }
0xd7: {  	_ =	swait.ge [sflag:s18], $0x4000  }
0xd8: {  	[sflag:s18] =	ssyncset.done $0x0  }
0xd9: {  	s30 =	sadd.s32 $0x100, s29;
	[sflag:s18] =	ssyncadd.s32 $0xFFFFC000  }
0xda: {  	[tilespmem:s21], [sflag:$0x1] =	stream.indirect.gather [hbm4b:s4+s20], $0x80, s30, s20, $0xb8;
	[tilespmem:$0x1E800] =	vst v63  }
0xdb: {  	_ =	swait.ge [sflag:s24], $0x4000  }
.Ltmp6:
0xdc: {  	[sflag:s24] =	ssyncset.done $0x0;
	(pc) =	sbr.rel @p1 .LBB2_3-.Ltmp6, $4  }
0xdd: {  	s29 =	sadd.s32 $0x1480, s29;
	[sflag:s24] =	ssyncadd.s32 $0xFFFFC000  }
0xde: {  	[spmem:s2] =	stream.indirect.scatter.add.f32 [tilespmem:s22], [sflag:$0x3], $0x80, s29, s20, $0xb8;
	[tilespmem:$0x1E800] =	vst v63  }
0xdf: {  	_ =	swait.ge [sflag:s18], $0x4000  }
0xe0: {  	s30 =	smov.u32 s1;
	s29 =	sshra.s32 s0, $0x2;
	[sflag:s18] =	ssyncset.done $0x0  }
0xe1: {  	s0 =	sadd.s32 $0x80, s29;
	[sflag:s18] =	ssyncadd.s32 $0xFFFFC000  }
0xe2: {  	[tilespmem:s22], [sflag:$0x2] =	stream.indirect.gather [hbm4b:s4+s20], $0x80, s0, s20, $0xb8;
	[tilespmem:$0x1E800] =	vst v63  }
0xe3: {  	_ =	swait.ge [sflag:s23], $0x4000  }
0xe4: {  	[sflag:s23] =	ssyncset.done $0x0  }
0xe5: {  	s1 =	sadd.s32 $0x1400, s29;
	[sflag:s23] =	ssyncadd.s32 $0xFFFFC000  }
0xe6: {  	[spmem:s2] =	stream.indirect.scatter.add.f32 [tilespmem:s21], [sflag:$0x3], $0x80, s1, s20, $0xb8;
	[tilespmem:$0x1E800] =	vst v63  }
0xe7: {  	_ =	swait.ge [sflag:s18], $0x4000  }
0xe8: {  	[sflag:s18] =	ssyncset.done $0x0  }
0xe9: {  	s31 =	sadd.s32 $0x100, s29;
	[sflag:s18] =	ssyncadd.s32 $0xFFFFC000  }
0xea: {  	[tilespmem:s21], [sflag:$0x1] =	stream.indirect.gather [hbm4b:s4+s20], $0x80, s31, s20, $0xb8;
	[tilespmem:$0x1E800] =	vst v63  }
0xeb: {  	_ =	swait.ge [sflag:s24], $0x4000  }
0xec: {  	[sflag:s24] =	ssyncset.done $0x0  }
0xed: {  	s1 =	sadd.s32 $0x1480, s29;
	[sflag:s24] =	ssyncadd.s32 $0xFFFFC000  }
0xee: {  	[spmem:s2] =	stream.indirect.scatter.add.f32 [tilespmem:s22], [sflag:$0x3], $0x80, s1, s20, $0xb8;
	[tilespmem:$0x1E800] =	vst v63  }
0xef: {  	_ =	swait.ge [sflag:s18], $0x4000  }
0xf0: {  	[sflag:s18] =	ssyncset.done $0x0  }
0xf1: {  	[sflag:s18] =	ssyncadd.s32 $0xFFFFC000  }
0xf2: {  	[tilespmem:s22], [sflag:$0x2] =	stream.indirect.gather [hbm4b:s4+s20], $0x80, s25, s20, $0xb8;
	[tilespmem:$0x1E800] =	vst v63  }
0xf3: {  	_ =	swait.ge [sflag:s23], $0x4000  }
0xf4: {  	[sflag:s23] =	ssyncset.done $0x0  }
0xf5: {  	[sflag:s23] =	ssyncadd.s32 $0xFFFFC000  }
0xf6: {  	[spmem:s2] =	stream.indirect.scatter.add.f32 [tilespmem:s21], [sflag:$0x3], $0x80, s26, s20, $0xb8;
	[tilespmem:$0x1E800] =	vst v63  }
0xf7: {  	_ =	swait.ge [sflag:s18], $0x4000  }
0xf8: {  	[sflag:s18] =	ssyncset.done $0x0  }
0xf9: {  	[sflag:s18] =	ssyncadd.s32 $0xFFFFC000  }
0xfa: {  	_ =	swait.ge [sflag:s24], $0x4000  }
0xfb: {  	[sflag:s24] =	ssyncset.done $0x0  }
0xfc: {  	[sflag:s24] =	ssyncadd.s32 $0xFFFFC000  }
0xfd: {  	[spmem:s2] =	stream.indirect.scatter.add.f32 [tilespmem:s22], [sflag:$0x3], $0x80, s28, s20, $0xb8;
	[tilespmem:$0x1E800] =	vst v63  }
0xfe: {  	_ =	swait.ge [sflag:s18], $0x4000  }
0xff: {  	[sflag:s18] =	ssyncset.done $0x0  }
0x100: {  	s31 =	simm.s32 $0x0;
	[sflag:s18] =	ssyncadd.s32 $0xFFFFC000  }
0x101: {  	[tilespmem:s31], [sflag:$0x3] =	stream.linear.gather [hbm4b:s11+s31], $0x1400, $0x38;
	[tilespmem:$0x1E800] =	vst v63  }
0x102: {  	_ =	swait.ge [sflag:s18], $0x1400  }
0x103: {  	[sflag:s18] =	ssyncset.done $0x0  }
0x104: {  	[sflag:s18] =	ssyncadd.s32 $0xFFFFEC00  }
0x105: {  	[tilespmem:s19], [sflag:$0x3] =	stream.linear.gather [hbm4b:s12+s31], $0x1400, $0x38;
	[tilespmem:$0x1E800] =	vst v63  }
0x106: {  	_ =	swait.ge [sflag:s18], $0x1400  }
0x107: {  	[sflag:s18] =	ssyncset.done $0x0  }
0x108: {  	[sflag:s18] =	ssyncadd.s32 $0xFFFFEC00  }
0x109: {  	[tilespmem:s21], [sflag:$0x1] =	stream.indirect.gather [hbm4b:s4+s20], $0x80, s31, s20, $0xb8;
	[tilespmem:$0x1E800] =	vst v63  }
0x10a: {  	s1 =	simm.s32 $0x80  }
0x10b: {  	[tilespmem:s22], [sflag:$0x2] =	stream.indirect.gather [hbm4b:s4+s20], $0x80, s1, s20, $0xb8;
	[tilespmem:$0x1E800] =	vst v63  }
0x10c: {  	_ =	swait.ge [sflag:s23], $0x4000  }
0x10d: {  	[sflag:s23] =	ssyncset.done $0x0  }
0x10e: {  	s31 =	simm.s32 $0x1400;
	[sflag:s23] =	ssyncadd.s32 $0xFFFFC000  }
0x10f: {  	[spmem:s2] =	stream.indirect.scatter.add.f32 [tilespmem:s21], [sflag:$0x3], $0x80, s31, s20, $0xb8;
	[tilespmem:$0x1E800] =	vst v63  }
0x110: {  	_ =	swait.ge [sflag:s18], $0x4000  }
0x111: {  	[sflag:s18] =	ssyncset.done $0x0  }
0x112: {  	s1 =	simm.s32 $0x100;
	[sflag:s18] =	ssyncadd.s32 $0xFFFFC000  }
0x113: {  	[tilespmem:s21], [sflag:$0x1] =	stream.indirect.gather [hbm4b:s4+s20], $0x80, s1, s20, $0xb8;
	[tilespmem:$0x1E800] =	vst v63  }
0x114: {  	_ =	swait.ge [sflag:s24], $0x4000  }
0x115: {  	[sflag:s24] =	ssyncset.done $0x0  }
0x116: {  	s31 =	simm.s32 $0x1480;
	[sflag:s24] =	ssyncadd.s32 $0xFFFFC000  }
0x117: {  	[spmem:s2] =	stream.indirect.scatter.add.f32 [tilespmem:s22], [sflag:$0x3], $0x80, s31, s20, $0xb8;
	[tilespmem:$0x1E800] =	vst v63  }
0x118: {  	_ =	swait.ge [sflag:s18], $0x4000  }
0x119: {  	s30 =	simm.s32 $0x800;
	s29 =	simm.s32 $0x100;
	[sflag:s18] =	ssyncset.done $0x0  }
.LBB2_5:
0x11a: {  	s0 =	sadd.s32 $0x80, s29  }
0x11b: {  	[sflag:s18] =	ssyncadd.s32 $0xFFFFC000;
	s1 =	smov.u32 s30;
	s31 =	sadd.s32 $0x400, s30  }
0x11c: {  	[tilespmem:s22], [sflag:$0x2] =	stream.indirect.gather [hbm4b:s4+s20], $0x80, s0, s20, $0xb8;
	[tilespmem:$0x1E800] =	vst v63  }
0x11d: {  	p1 =	seq.s32 s30, $0x4800;
	_ =	swait.ge [sflag:s23], $0x4000  }
0x11e: {  	[sflag:s23] =	ssyncset.done $0x0  }
0x11f: {  	s0 =	sadd.s32 $0x1400, s29;
	[sflag:s23] =	ssyncadd.s32 $0xFFFFC000  }
0x120: {  	[spmem:s2] =	stream.indirect.scatter.add.f32 [tilespmem:s21], [sflag:$0x3], $0x80, s0, s20, $0xb8;
	[tilespmem:$0x1E800] =	vst v63  }
0x121: {  	_ =	swait.ge [sflag:s18], $0x4000  }
0x122: {  	[sflag:s18] =	ssyncset.done $0x0  }
0x123: {  	s0 =	sadd.s32 $0x100, s29;
	[sflag:s18] =	ssyncadd.s32 $0xFFFFC000  }
0x124: {  	[tilespmem:s21], [sflag:$0x1] =	stream.indirect.gather [hbm4b:s4+s20], $0x80, s0, s20, $0xb8;
	[tilespmem:$0x1E800] =	vst v63  }
0x125: {  	_ =	swait.ge [sflag:s24], $0x4000  }
.Ltmp7:
0x126: {  	[sflag:s24] =	ssyncset.done $0x0;
	(pc) =	sbr.rel @!p1 .LBB2_5-.Ltmp7, $4  }
0x127: {  	s0 =	sadd.s32 $0x1480, s29;
	[sflag:s24] =	ssyncadd.s32 $0xFFFFC000  }
0x128: {  	[spmem:s2] =	stream.indirect.scatter.add.f32 [tilespmem:s22], [sflag:$0x3], $0x80, s0, s20, $0xb8;
	[tilespmem:$0x1E800] =	vst v63  }
0x129: {  	_ =	swait.ge [sflag:s18], $0x4000  }
0x12a: {  	s30 =	smov.u32 s31;
	s29 =	sshra.s32 s1, $0x2;
	[sflag:s18] =	ssyncset.done $0x0  }
0x12b: {  	s0 =	sadd.s32 $0x80, s29;
	[sflag:s18] =	ssyncadd.s32 $0xFFFFC000  }
0x12c: {  	[tilespmem:s22], [sflag:$0x2] =	stream.indirect.gather [hbm4b:s4+s20], $0x80, s0, s20, $0xb8;
	[tilespmem:$0x1E800] =	vst v63  }
0x12d: {  	_ =	swait.ge [sflag:s23], $0x4000  }
0x12e: {  	[sflag:s23] =	ssyncset.done $0x0  }
0x12f: {  	s1 =	sadd.s32 $0x1400, s29;
	[sflag:s23] =	ssyncadd.s32 $0xFFFFC000  }
0x130: {  	[spmem:s2] =	stream.indirect.scatter.add.f32 [tilespmem:s21], [sflag:$0x3], $0x80, s1, s20, $0xb8;
	[tilespmem:$0x1E800] =	vst v63  }
0x131: {  	_ =	swait.ge [sflag:s18], $0x4000  }
0x132: {  	[sflag:s18] =	ssyncset.done $0x0  }
0x133: {  	s30 =	sadd.s32 $0x100, s29;
	[sflag:s18] =	ssyncadd.s32 $0xFFFFC000  }
0x134: {  	[tilespmem:s21], [sflag:$0x1] =	stream.indirect.gather [hbm4b:s4+s20], $0x80, s30, s20, $0xb8;
	[tilespmem:$0x1E800] =	vst v63  }
0x135: {  	_ =	swait.ge [sflag:s24], $0x4000  }
0x136: {  	[sflag:s24] =	ssyncset.done $0x0  }
.Ltmp8:
0x137: {  	s31 =	sadd.s32 $0x1480, s29;
	[sflag:s24] =	ssyncadd.s32 $0xFFFFC000;
	(pc) =	sbr.rel .LBB2_12-.Ltmp8, $4  }
0x138: {  	[spmem:s2] =	stream.indirect.scatter.add.f32 [tilespmem:s22], [sflag:$0x3], $0x80, s31, s20, $0xb8;
	[tilespmem:$0x1E800] =	vst v63  }
0x139: {  	_ =	swait.ge [sflag:s18], $0x4000  }
0x13a: {  	[sflag:s18] =	ssyncset.done $0x0  }
0x13b: {  	[sflag:s18] =	ssyncadd.s32 $0xFFFFC000  }
.LBB2_13:
0x13c: {  	_ =	sfence.sel $0x180000  }
0x13d: {  	[bflag:$0x0] =	sbarrier.arrive $0xFFFF  }
0x13e: {  	_ =	strace $0x9000004A  }
0x13f: {  	s0 =	stileid.u32;
	[bflag:$0x2] =	sbarrier.arrive $0xFFFF  }
0x140: {  	p0 =	sne.s32 s0, $0x0;
	s0 =	rddreg [dreg:$0x3]  }
0x141: {  	s0 =	sadd.s32 @!p0 $0x100000, s0  }
0x142: {  	[sflag:s0] =	ssyncadd.tile.s32 @!p0 $0x1;
	_ =	shalt  }
.Lfunc_end2:
_tile_overlayer_lowered:
.L_overlay_start_2:
0x143: {  	(tag) =	ssettag $0x2  }
0x144: {  	s0 =	rddreg [dreg:$0x0];
	s2 =	stileid.u32  }
0x145: {  	s1 =	rddreg [dreg:$0x1];
	p0 =	sne.s32 s2, $0x0  }
0x146: {  	s3 =	rddreg [dreg:$0x2];
	[bflag:$0x3] =	sbarrier.arrive $0xFFFF;
	s2 =	simm.s32 @!p0 $0x1C03  }
0x147: {  	[timem:s3], [sflag:s2] =	dma.local @!p0 [hbm:s0], s1  }
0x148: {  	s0 =	simm.s32 @!p0 $0x3  }
0x149: {  	_ =	swait.ge @!p0 [sflag:s0], s1  }
0x14a: {  	s1 =	ssub.s32 @!p0 $0x0, s1;
	[sflag:s0] =	ssyncset.done @!p0 $0x0  }
0x14b: {  	[sflag:s0] =	ssyncadd.s32 @!p0 s1  }
0x14c: {  	[bflag:$0x3] =	sbarrier.arrive $0xFFFF  }
0x14d: {  	_ =	shalt  }

// kernel: kernel.14.cloned.1.call-start
scs
__scs_entry_jumppad:
0x0: {  	(pc) =	sbr.rel $0x88, $3  }
0x1: {  	(tag) =	ssettag $0x0;
	lr =	simm.s32 $0x1  }
0x2: {  	[smem:$0x3F9B] =	sst lr;
	_ =	strace $0xD0000000  }
0x3: {  	_ = 	snop  }
0x4: {  	_ = 	snop  }
0x5: {  	_ = 	snop  }
0x6: {  	_ = 	snop  }
0x7: {  	_ = 	snop  }
__scs_overlays_trampoline_lowered:
0x8: {  	[smem:$0x3FAA] =	sst s0  }
0x9: {  	[smem:$0x3FAB] =	sst s1  }
0xa: {  	[smem:$0x3FAC] =	sst s2  }
0xb: {  	[smem:$0x3FAD] =	sst s3  }
0xc: {  	[smem:$0x3FAE] =	sst s4  }
0xd: {  	[smem:$0x3FAF] =	sst s5  }
0xe: {  	[smem:$0x3FB0] =	sst s6  }
0xf: {  	[smem:$0x3FB1] =	sst s7  }
0x10: {  	[smem:$0x3FB2] =	sst s8  }
0x11: {  	[smem:$0x3FB3] =	sst s9;
	s0 =	simm.s32 @!p0 $0x0  }
0x12: {  	s1 =	sld [smem:$0x3F99];
	s0 =	simm.s32 @p0 $0x1  }
0x13: {  	[smem:$0x3FB4] =	sst s0;
	s0 =	simm.s32 @!p1 $0x0  }
0x14: {  	s2 =	sld [smem:$0x3F98];
	s0 =	simm.s32 @p1 $0x1  }
0x15: {  	[smem:$0x3FB5] =	sst s0;
	s0 =	simm.s32 @!p2 $0x0  }
0x16: {  	s3 =	sld [smem:$0x3FDB];
	s0 =	simm.s32 @p2 $0x1  }
0x17: {  	s4 =	simm.s32 $0x1BF5;
	[smem:$0x3FB7] =	sst s0  }
0x18: {  	s0 =	sld [smem:$0x3F9A];
	_ =	swait.ge [sflag:s4], $0x0  }
0x19: {  	s7 =	sld [smem:$0x3F9B]  }
0x1a: {  	s8 =	sadd.s32 $0xFFFFE003, lr  }
0x1b: {  	s9 =	sadd.s32 $0xFFFFFEF7, lr;
	s5 =	simm.s32 $0xFFFFFFFF;
	p2 =	slt.u32 s8, $0xFFFFF086  }
0x1c: {  	p1 =	slt.u32 s9, $0xF7A;
	s5 =	simm.s32 @!p2 $0x0  }
0x1d: {  	s5 =	simm.s32 @p1 $0x1;
	p0 =	seq.s32 s7, s2  }
0x1e: {  	s7 =	smul.u32 @!p0 $0xF7A, s2;
	p2 =	seq.s32 @!p0 s5, $0x0  }
0x1f: {  	s9 =	smul.u32 $0xF7A, s1;
	s8 =	simm.s32 @!p0 $0x1BF5;
	p2 =	por !p2, p0  }
0x20: {  	[sflag:s8] =	ssyncset.s32 @!p0 $0xFFFFF086;
	s6 =	sadd.s32 @!p0 s3, s7;
	s7 =	simm.s32 @!p0 $0x108  }
0x21: {  	s3 =	sadd.s32 s3, s9;
	s6 =	sadd.s32 @!p0 $0x88, s6;
	s7 =	simm.s32 @p2 $0x1082  }
0x22: {  	[simem:s7], [sflag:s8] =	dma.local @!p0 [hbm:s6], $0xF7A  }
0x23: {  	s9 =	sor.u32 $0xD0000000, s2;
	s6 =	simm.s32 $0x108;
	_ =	swait.ge @!p0 [sflag:s8], $0x0  }
0x24: {  	s3 =	sadd.s32 $0x88, s3;
	s6 =	simm.s32 @!p1 $0x1082;
	[sflag:s4] =	ssyncset.s32 $0xFFFFF086  }
0x25: {  	[simem:s6], [sflag:s4] =	dma.local [hbm:s3], $0xF7A  }
0x26: {  	[smem:$0x3F9B] =	sst s1;
	(tag) =	ssettag s2;
	_ =	strace s9  }
0x27: {  	s1 =	sld [smem:$0x3FAB]  }
0x28: {  	s2 =	sld [smem:$0x3FAC]  }
0x29: {  	s4 =	sld [smem:$0x3FAE]  }
0x2a: {  	p0 =	seq.s32 s5, $0x0;
	s5 =	sld [smem:$0x3FAF]  }
0x2b: {  	s6 =	sld [smem:$0x3FB0]  }
0x2c: {  	s7 =	sld [smem:$0x3FB1]  }
0x2d: {  	s3 =	simm.s32 $0x108;
	s8 =	sld [smem:$0x3FB2]  }
0x2e: {  	s3 =	simm.s32 @!p0 $0x1082;
	s9 =	sld [smem:$0x3FB3]  }
0x2f: {  	lr =	sadd.s32 s0, s3;
	s0 =	sld [smem:$0x3FAA]  }
0x30: {  	s3 =	sld [smem:$0x3FAD]  }
0x31: {  	[smem:$0x3FB6] =	sst s10  }
0x32: {  	s10 =	sld [smem:$0x3FB4];
	_ =	sdelay $0x3  }
0x33: {  	p0 =	seq.s32 s10, $0x1;
	s10 =	sld [smem:$0x3FB6];
	_ =	sdelay $0x3  }
0x34: {  	[smem:$0x3FB6] =	sst s10  }
0x35: {  	s10 =	sld [smem:$0x3FB5];
	_ =	sdelay $0x3  }
0x36: {  	p1 =	seq.s32 s10, $0x1;
	s10 =	sld [smem:$0x3FB6];
	_ =	sdelay $0x3  }
0x37: {  	[smem:$0x3FB6] =	sst s10  }
0x38: {  	s10 =	sld [smem:$0x3FB7]  }
0x39: {  	_ = 	snop;
	(pc) =	sbr.ind lr, $3  }
0x3a: {  	_ = 	snop  }
0x3b: {  	_ = 	snop  }
0x3c: {  	p2 =	seq.s32 s10, $0x1;
	s10 =	sld [smem:$0x3FB6]  }
0x3d: {  	_ =	shalt  }
0x3e: {  	_ =	shalt  }
0x3f: {  	_ =	shalt  }
0x40: {  	_ =	shalt  }
0x41: {  	_ =	shalt  }
0x42: {  	_ =	shalt  }
0x43: {  	_ =	shalt  }
0x44: {  	_ =	shalt  }
0x45: {  	_ =	shalt  }
0x46: {  	_ =	shalt  }
0x47: {  	_ =	shalt  }
0x48: {  	_ =	shalt  }
0x49: {  	_ =	shalt  }
0x4a: {  	_ =	shalt  }
0x4b: {  	_ =	shalt  }
0x4c: {  	_ =	shalt  }
0x4d: {  	_ =	shalt  }
0x4e: {  	_ =	shalt  }
0x4f: {  	_ =	shalt  }
0x50: {  	_ =	shalt  }
0x51: {  	_ =	shalt  }
0x52: {  	_ =	shalt  }
0x53: {  	_ =	shalt  }
0x54: {  	_ =	shalt  }
0x55: {  	_ =	shalt  }
0x56: {  	_ =	shalt  }
0x57: {  	_ =	shalt  }
0x58: {  	_ =	shalt  }
0x59: {  	_ =	shalt  }
0x5a: {  	_ =	shalt  }
0x5b: {  	_ =	shalt  }
0x5c: {  	_ =	shalt  }
0x5d: {  	_ =	shalt  }
0x5e: {  	_ =	shalt  }
0x5f: {  	_ =	shalt  }
0x60: {  	_ =	shalt  }
0x61: {  	_ =	shalt  }
0x62: {  	_ =	shalt  }
0x63: {  	_ =	shalt  }
0x64: {  	_ =	shalt  }
0x65: {  	_ =	shalt  }
0x66: {  	_ =	shalt  }
0x67: {  	_ =	shalt  }
0x68: {  	_ =	shalt  }
0x69: {  	_ =	shalt  }
0x6a: {  	_ =	shalt  }
0x6b: {  	_ =	shalt  }
0x6c: {  	_ =	shalt  }
0x6d: {  	_ =	shalt  }
0x6e: {  	_ =	shalt  }
0x6f: {  	_ =	shalt  }
0x70: {  	_ =	shalt  }
0x71: {  	_ =	shalt  }
0x72: {  	_ =	shalt  }
0x73: {  	_ =	shalt  }
0x74: {  	_ =	shalt  }
0x75: {  	_ =	shalt  }
0x76: {  	_ =	shalt  }
0x77: {  	_ =	shalt  }
0x78: {  	_ =	shalt  }
0x79: {  	_ =	shalt  }
0x7a: {  	_ =	shalt  }
0x7b: {  	_ =	shalt  }
0x7c: {  	_ =	shalt  }
0x7d: {  	_ =	shalt  }
0x7e: {  	_ =	shalt  }
0x7f: {  	_ =	shalt  }
0x80: {  	_ =	shalt  }
0x81: {  	_ =	shalt  }
0x82: {  	_ =	shalt  }
0x83: {  	_ =	shalt  }
0x84: {  	_ =	shalt  }
0x85: {  	_ =	shalt  }
0x86: {  	_ =	shalt  }
0x87: {  	_ =	shalt  }
.Lfunc_end0:
.L_simem_size_0:
called_computation.2_lowered:
.L_overlay_start_0:
0x88: {  	s2 =	sld [smem:$0x3FD9]  }
0x89: {  	s3 =	sld [smem:$0x3FFE];
	_ =	sdelay $0x1  }
0x8a: {  	s1 =	srdreg.scid  }
0x8b: {  	s0 =	sand.u32 $0x1, s1  }
0x8c: {  	s17 =	sshll.u32 s0, $0xA;
	s2 =	sadd.s32 s3, s2  }
0x8d: {  	s2 =	sadd.s32 s2, s17  }
0x8e: {  	[smem:$0x3FC2] =	sst s2  }
0x8f: {  	_ = 	snop  }
0x90: {  	s2 =	sld [smem:$0x3FD0];
	(tm) =	ssettm $0x1  }
0x91: {  	s18 =	sld [smem:$0x3FFB];
	_ =	sdelay $0x3  }
0x92: {  	_ =	strace s18  }
0x93: {  	s3 =	sld [smem:$0x3FFC];
	_ =	sdelay $0x3  }
0x94: {  	_ =	strace s3  }
0x95: {  	s3 =	sld [smem:$0x3FFD];
	_ =	sdelay $0x3  }
0x96: {  	_ =	strace s3  }
0x97: {  	_ =	strace $0x8FFFFFFF  }
0x98: {  	s19 =	sld [smem:$0x3FDB];
	_ =	sdelay $0x1  }
0x99: {  	s4 =	simm.s32 $_scs_section_size  }
0x9a: {  	s5 =	simm.s32 $_size__tile_overlayer_lowered;
	s6 =	simm.s32 $_tile_overlayer_lowered  }
0x9b: {  	s22 =	simm.s32 $0x1BFF;
	s21 =	sshll.u32 s6, $0x1;
	s3 =	sadd.s32 s4, s19  }
0x9c: {  	s7 =	simm.s32 $0x0;
	s20 =	sshll.u32 s5, $0x1;
	s5 =	sadd.s32 s21, s3  }
0x9d: {  	[timem:s7], [sflag:s22] =	dma.local [hbm:s5], s20  }
0x9e: {  	_ =	swait.ge [sflag:s22], s20  }
0x9f: {  	s4 =	ssub.s32 $0x0, s20;
	[sflag:s22] =	ssyncset.done $0x0  }
0xa0: {  	[sflag:s22] =	ssyncadd.s32 s4;
	_ =	sdelay $0x1  }
0xa1: {  	s23 =	simm.s32 $0x1B8B  }
0xa2: {  	_ =	swait.ge [sflag:s23], $0x1  }
0xa3: {  	[sflag:s23] =	ssyncset.done $0x0  }
0xa4: {  	s25 =	simm.s32 $0x1B8E;
	s24 =	sld [smem:$0x3FFE];
	[sflag:s23] =	ssyncadd.s32 $0xFFFFFFFF  }
0xa5: {  	s26 =	simm.s32 $execute0_lowered;
	[smem:$0x3FD2] =	sst s25  }
0xa6: {  	s5 =	sshll.u32 s26, $0x1;
	_ =	strace $0x8000004C;
	[dreg:$0x1] =	wrdreg $0xFFFFFFFF  }
0xa7: {  	s28 =	simm.s32 $_size_execute0_lowered;
	s3 =	sadd.s32 s3, s5;
	[dreg:$0x0] =	wrdreg $0x0  }
0xa8: {  	s5 =	sshll.u32 s28, $0x1;
	[dreg:$0x2] =	wrdreg s3  }
0xa9: {  	[dreg:$0x3] =	wrdreg s5  }
0xaa: {  	[dreg:$0x4] =	wrdreg $0xC0  }
0xab: {  	_ =	task [dreg:s7], $0x5FFFF  }
0xac: {  	[dreg:$0x1] =	wrdreg $0xFFFFFFFF  }
0xad: {  	[dreg:$0x0] =	wrdreg $0x60  }
0xae: {  	[dreg:$0x2] =	wrdreg s24  }
0xaf: {  	[dreg:$0x3] =	wrdreg s2  }
0xb0: {  	[dreg:$0x4] =	wrdreg $0xA8000  }
0xb1: {  	[dreg:$0x5] =	wrdreg $0x9  }
0xb2: {  	_ =	task.clear_ibuf [dreg:s7], $0x6FFFF;
	_ =	strace $0x9000004C  }
0xb3: {  	s29 =	simm.s32 $0x9;
	_ =	strace $0x8000004E  }
0xb4: {  	_ =	swait.ge [sflag:s29], $0x1  }
0xb5: {  	[sflag:s29] =	ssyncadd.s32 $0xFFFFFFFF  }
0xb6: {  	_ =	strace $0x9000004E  }
0xb7: {  	_ =	sfence  }
0xb8: {  	s30 =	sld [smem:$0x0];
	_ =	sdelay $0x2  }
0xb9: {  	s31 =	sshll.u32 s1, $0xD;
	s1 =	sshrl.u32 s1, $0x2  }
0xba: {  	s3 =	sand.u32 $0x4000, s31;
	s1 =	sadd.s32 s1, s30  }
0xbb: {  	s0 =	sor.u32 s3, s0;
	s1 =	sshll.u32 s1, $0x11  }
0xbc: {  	s0 =	sor.u32 s1, s0  }
0xbd: {  	s0 =	sadd.s32 $0x8F2B, s0  }
0xbe: {  	[sflag:s0] =	ssyncadd.remote.s32 $0x1  }
0xbf: {  	_ =	sfence.sel $0xFFFF  }
0xc0: {  	[dreg:$0x0] =	wrdreg $0xFFFFFFFF;
	(pc) =	sbr.abs _section_cstart, $3  }
0xc1: {  	[dreg:$0x1] =	wrdreg $0xFFFFFFFF  }
0xc2: {  	_ =	task.clear_ibuf [dreg:s7], $0x2FFFF;
	_ =	strace $0x9FFFFFFF  }
0xc3: {  	(tm) =	ssettm $0x7FFFFFFF  }
tec
execute0_lowered:
.L_overlay_start_1:
0x0: {  	(tag) =	ssettag $0x1  }
0x1: {  	s5 =	rddreg [dreg:$0x0]  }
0x2: {  	s16 =	rddreg [dreg:$0x1]  }
0x3: {  	s2 =	rddreg [dreg:$0x2]  }
0x4: {  	s3 =	simm.s32 $0x0;
	s0 =	stileid.u32;
	s4 =	srdreg.scid  }
0x5: {  	s19 =	simm.s32 $0x1400;
	s20 =	simm.s32 $0x80;
	s21 =	simm.s32 $0x2800  }
0x6: {  	s22 =	simm.s32 $0x6800;
	s23 =	simm.s32 $0x1;
	s24 =	simm.s32 $0x2  }
0x7: {  	s25 =	simm.s32 $0x1380;
	s28 =	simm.s32 $0x2780;
	s6 =	smul.u32 $0x14000, s0  }
0x8: {  	[smem:$0x7FF] =	sst s3;
	s7 =	sand.u32 $0x1, s4;
	s10 =	smul.u32 $0x50000, s0  }
0x9: {  	s4 =	sadd.s32 $0x17C00, s5;
	s15 =	sadd.s32 $0xDC00, s5;
	s13 =	smul.u32 $0x500, s0  }
0xa: {  	s30 =	sshll.u32 s0, $0x6;
	_ =	strace $0x8000004D;
	s8 =	smul.u32 $0x140000, s7  }
0xb: {  	s26 =	ssub.s32 $0x2, s7;
	p0 =	seq.s32 s7, $0x1;
	s9 =	sshrl.u32 s6, $0x3  }
0xc: {  	s11 =	sshrl.u32 s26, $0x1;
	s29 =	sshrl.u32 s10, $0x2;
	s31 =	sadd.s32 $0x280, s13  }
0xd: {  	s10 =	sadd.s32 s16, s13;
	s14 =	sadd.s32 $0x5000, s13;
	s18 =	sadd.s32 $0x5280, s13  }
0xe: {  	s6 =	sadd.s32 s6, s8;
	s9 =	sadd.s32 s9, s5;
	s8 =	ssub.s32 s26, s11  }
0xf: {  	s17 =	sadd.s32 s29, s2;
	s11 =	sadd.s32 s15, s31;
	s26 =	simm.s32 $0x2700  }
.Ltmp0:
0x10: {  	s6 =	sshrl.u32 s6, $0x3;
	s8 =	smax.u32 s8, $0x1;
	(pc) =	sbr.rel .LBB2_1-.Ltmp0, $4  }
0x11: {  	s17 =	sshrl.u32 s17, $0x3;
	s12 =	sadd.s32 s6, s5;
	s5 =	sadd.s32 $0x3FC00, s9  }
0x12: {  	s6 =	sor.u32 $0x1C03, s30;
	s9 =	sadd.s32 s15, s13;
	s13 =	sadd.s32 s15, s14  }
0x13: {  	s14 =	sadd.s32 s16, s14;
	s15 =	sadd.s32 s15, s18;
	s7 =	sadd.s32 $0x67C00, s12  }
0x14: {  	s12 =	sadd.s32 s16, s31;
	s16 =	sadd.s32 s16, s18;
	s18 =	simm.s32 $0x3  }
.LBB2_11:
0x15: {  	s0 =	sadd.s32 $0x80, s29;
	[sflag:s18] =	ssyncadd.s32 $0xFFFFC000  }
0x16: {  	[tilespmem:s22], [sflag:$0x2] =	stream.indirect.gather [hbm4b:s4+s20], $0x80, s0, s20, $0xb8;
	[tilespmem:$0x1E800] =	vst v63  }
0x17: {  	_ =	swait.ge [sflag:s23], $0x4000  }
0x18: {  	[sflag:s23] =	ssyncset.done $0x0  }
0x19: {  	s1 =	sadd.s32 $0x1400, s29;
	[sflag:s23] =	ssyncadd.s32 $0xFFFFC000  }
0x1a: {  	[spmem:s2] =	stream.indirect.scatter.add.f32 [tilespmem:s21], [sflag:$0x3], $0x80, s1, s20, $0xb8;
	[tilespmem:$0x1E800] =	vst v63  }
0x1b: {  	_ =	swait.ge [sflag:s18], $0x4000  }
0x1c: {  	[sflag:s18] =	ssyncset.done $0x0  }
0x1d: {  	s30 =	sadd.s32 $0x100, s29;
	[sflag:s18] =	ssyncadd.s32 $0xFFFFC000  }
0x1e: {  	[tilespmem:s21], [sflag:$0x1] =	stream.indirect.gather [hbm4b:s4+s20], $0x80, s30, s20, $0xb8;
	[tilespmem:$0x1E800] =	vst v63  }
0x1f: {  	_ =	swait.ge [sflag:s24], $0x4000  }
0x20: {  	[sflag:s24] =	ssyncset.done $0x0  }
0x21: {  	s31 =	sadd.s32 $0x1480, s29;
	[sflag:s24] =	ssyncadd.s32 $0xFFFFC000  }
0x22: {  	[spmem:s2] =	stream.indirect.scatter.add.f32 [tilespmem:s22], [sflag:$0x3], $0x80, s31, s20, $0xb8;
	[tilespmem:$0x1E800] =	vst v63  }
0x23: {  	_ =	swait.ge [sflag:s18], $0x4000  }
0x24: {  	[sflag:s18] =	ssyncset.done $0x0  }
0x25: {  	[sflag:s18] =	ssyncadd.s32 $0xFFFFC000  }
.LBB2_12:
0x26: {  	[tilespmem:s22], [sflag:$0x2] =	stream.indirect.gather [hbm4b:s4+s20], $0x80, s25, s20, $0xb8;
	[tilespmem:$0x1E800] =	vst v63  }
0x27: {  	_ =	swait.ge [sflag:s23], $0x4000  }
0x28: {  	[sflag:s23] =	ssyncset.done $0x0  }
0x29: {  	[sflag:s23] =	ssyncadd.s32 $0xFFFFC000  }
0x2a: {  	[spmem:s2] =	stream.indirect.scatter.add.f32 [tilespmem:s21], [sflag:$0x3], $0x80, s26, s20, $0xb8;
	[tilespmem:$0x1E800] =	vst v63  }
0x2b: {  	_ =	swait.ge [sflag:s18], $0x4000  }
0x2c: {  	[sflag:s18] =	ssyncset.done $0x0  }
0x2d: {  	[sflag:s18] =	ssyncadd.s32 $0xFFFFC000  }
0x2e: {  	_ =	swait.ge [sflag:s24], $0x4000  }
0x2f: {  	[sflag:s24] =	ssyncset.done $0x0  }
0x30: {  	[sflag:s24] =	ssyncadd.s32 $0xFFFFC000  }
0x31: {  	[spmem:s2] =	stream.indirect.scatter.add.f32 [tilespmem:s22], [sflag:$0x3], $0x80, s28, s20, $0xb8;
	[tilespmem:$0x1E800] =	vst v63  }
0x32: {  	_ =	swait.ge [sflag:s18], $0x4000  }
0x33: {  	s3 =	sadd.s32 $0x1, s3;
	[sflag:s18] =	ssyncset.done $0x0  }
0x34: {  	p1 =	sne.s32 s3, s8;
	[sflag:s18] =	ssyncadd.s32 $0xFFFFC000  }
.Ltmp1:
0x35: {  	[bflag:$0x0] =	sbarrier.arrive $0xFFFF;
	(pc) =	sbr.rel @!p1 .LBB2_13-.Ltmp1, $4  }
0x36: {  	[hbm:s7], [sflag:s6] =	dma.local [spmem:s17], $0x2800  }
0x37: {  	_ =	swait.ge [sflag:s18], $0x2800  }
0x38: {  	[sflag:s18] =	ssyncset.done $0x0  }
0x39: {  	[sflag:s18] =	ssyncadd.s32 $0xFFFFD800  }
.LBB2_1:
0x3a: {  	[spmem:s17], [sflag:s6] =	dma.local [hbm:s5], $0x2800  }
.Ltmp2:
0x3b: {  	_ =	swait.ge [sflag:s18], $0x2800;
	(pc) =	sbr.rel @!p0 .LBB2_2-.Ltmp2, $3  }
0x3c: {  	[sflag:s18] =	ssyncset.done $0x0  }
0x3d: {  	[sflag:s18] =	ssyncadd.s32 $0xFFFFD800  }
0x3e: {  	[bflag:$0x0] =	sbarrier.arrive $0xFFFF;
	_ =	sdelay $0x1  }
0x3f: {  	s0 =	simm.s32 $0x0  }
0x40: {  	[tilespmem:s0], [sflag:$0x3] =	stream.linear.gather [hbm4b:s13+s0], $0x1400, $0x38;
	[tilespmem:$0x1E800] =	vst v63  }
0x41: {  	_ =	swait.ge [sflag:s18], $0x1400  }
0x42: {  	[sflag:s18] =	ssyncset.done $0x0  }
0x43: {  	[sflag:s18] =	ssyncadd.s32 $0xFFFFEC00  }
0x44: {  	[tilespmem:s19], [sflag:$0x3] =	stream.linear.gather [hbm4b:s14+s0], $0x1400, $0x38;
	[tilespmem:$0x1E800] =	vst v63  }
0x45: {  	_ =	swait.ge [sflag:s18], $0x1400  }
0x46: {  	[sflag:s18] =	ssyncset.done $0x0  }
0x47: {  	[sflag:s18] =	ssyncadd.s32 $0xFFFFEC00  }
0x48: {  	[tilespmem:s21], [sflag:$0x1] =	stream.indirect.gather [hbm4b:s4+s20], $0x80, s0, s20, $0xb8;
	[tilespmem:$0x1E800] =	vst v63  }
0x49: {  	s1 =	simm.s32 $0x80  }
0x4a: {  	[tilespmem:s22], [sflag:$0x2] =	stream.indirect.gather [hbm4b:s4+s20], $0x80, s1, s20, $0xb8;
	[tilespmem:$0x1E800] =	vst v63  }
0x4b: {  	_ =	swait.ge [sflag:s23], $0x4000  }
0x4c: {  	[sflag:s23] =	ssyncset.done $0x0  }
0x4d: {  	s31 =	simm.s32 $0x1400;
	[sflag:s23] =	ssyncadd.s32 $0xFFFFC000  }
0x4e: {  	[spmem:s2] =	stream.indirect.scatter.add.f32 [tilespmem:s21], [sflag:$0x3], $0x80, s31, s20, $0xb8;
	[tilespmem:$0x1E800] =	vst v63  }
0x4f: {  	_ =	swait.ge [sflag:s18], $0x4000  }
0x50: {  	[sflag:s18] =	ssyncset.done $0x0  }
0x51: {  	s1 =	simm.s32 $0x100;
	[sflag:s18] =	ssyncadd.s32 $0xFFFFC000  }
0x52: {  	[tilespmem:s21], [sflag:$0x1] =	stream.indirect.gather [hbm4b:s4+s20], $0x80, s1, s20, $0xb8;
	[tilespmem:$0x1E800] =	vst v63  }
0x53: {  	_ =	swait.ge [sflag:s24], $0x4000  }
0x54: {  	[sflag:s24] =	ssyncset.done $0x0  }
0x55: {  	s31 =	simm.s32 $0x1480;
	[sflag:s24] =	ssyncadd.s32 $0xFFFFC000  }
0x56: {  	[spmem:s2] =	stream.indirect.scatter.add.f32 [tilespmem:s22], [sflag:$0x3], $0x80, s31, s20, $0xb8;
	[tilespmem:$0x1E800] =	vst v63  }
0x57: {  	_ =	swait.ge [sflag:s18], $0x4000  }
0x58: {  	s30 =	simm.s32 $0x800;
	s29 =	simm.s32 $0x100;
	[sflag:s18] =	ssyncset.done $0x0  }
.LBB2_8:
0x59: {  	s0 =	sadd.s32 $0x80, s29  }
0x5a: {  	[sflag:s18] =	ssyncadd.s32 $0xFFFFC000;
	s1 =	smov.u32 s30;
	s31 =	sadd.s32 $0x400, s30  }
0x5b: {  	[tilespmem:s22], [sflag:$0x2] =	stream.indirect.gather [hbm4b:s4+s20], $0x80, s0, s20, $0xb8;
	[tilespmem:$0x1E800] =	vst v63  }
0x5c: {  	p1 =	sne.s32 s30, $0x4800;
	_ =	swait.ge [sflag:s23], $0x4000  }
0x5d: {  	[sflag:s23] =	ssyncset.done $0x0  }
0x5e: {  	s0 =	sadd.s32 $0x1400, s29;
	[sflag:s23] =	ssyncadd.s32 $0xFFFFC000  }
0x5f: {  	[spmem:s2] =	stream.indirect.scatter.add.f32 [tilespmem:s21], [sflag:$0x3], $0x80, s0, s20, $0xb8;
	[tilespmem:$0x1E800] =	vst v63  }
0x60: {  	_ =	swait.ge [sflag:s18], $0x4000  }
0x61: {  	[sflag:s18] =	ssyncset.done $0x0  }
0x62: {  	s0 =	sadd.s32 $0x100, s29;
	[sflag:s18] =	ssyncadd.s32 $0xFFFFC000  }
0x63: {  	[tilespmem:s21], [sflag:$0x1] =	stream.indirect.gather [hbm4b:s4+s20], $0x80, s0, s20, $0xb8;
	[tilespmem:$0x1E800] =	vst v63  }
0x64: {  	_ =	swait.ge [sflag:s24], $0x4000  }
.Ltmp3:
0x65: {  	[sflag:s24] =	ssyncset.done $0x0;
	(pc) =	sbr.rel @p1 .LBB2_8-.Ltmp3, $4  }
0x66: {  	s0 =	sadd.s32 $0x1480, s29;
	[sflag:s24] =	ssyncadd.s32 $0xFFFFC000  }
0x67: {  	[spmem:s2] =	stream.indirect.scatter.add.f32 [tilespmem:s22], [sflag:$0x3], $0x80, s0, s20, $0xb8;
	[tilespmem:$0x1E800] =	vst v63  }
0x68: {  	_ =	swait.ge [sflag:s18], $0x4000  }
0x69: {  	s30 =	smov.u32 s31;
	s29 =	sshra.s32 s1, $0x2;
	[sflag:s18] =	ssyncset.done $0x0  }
0x6a: {  	s0 =	sadd.s32 $0x80, s29;
	[sflag:s18] =	ssyncadd.s32 $0xFFFFC000  }
0x6b: {  	[tilespmem:s22], [sflag:$0x2] =	stream.indirect.gather [hbm4b:s4+s20], $0x80, s0, s20, $0xb8;
	[tilespmem:$0x1E800] =	vst v63  }
0x6c: {  	_ =	swait.ge [sflag:s23], $0x4000  }
0x6d: {  	[sflag:s23] =	ssyncset.done $0x0  }
0x6e: {  	s1 =	sadd.s32 $0x1400, s29;
	[sflag:s23] =	ssyncadd.s32 $0xFFFFC000  }
0x6f: {  	[spmem:s2] =	stream.indirect.scatter.add.f32 [tilespmem:s21], [sflag:$0x3], $0x80, s1, s20, $0xb8;
	[tilespmem:$0x1E800] =	vst v63  }
0x70: {  	_ =	swait.ge [sflag:s18], $0x4000  }
0x71: {  	[sflag:s18] =	ssyncset.done $0x0  }
0x72: {  	s31 =	sadd.s32 $0x100, s29;
	[sflag:s18] =	ssyncadd.s32 $0xFFFFC000  }
0x73: {  	[tilespmem:s21], [sflag:$0x1] =	stream.indirect.gather [hbm4b:s4+s20], $0x80, s31, s20, $0xb8;
	[tilespmem:$0x1E800] =	vst v63  }
0x74: {  	_ =	swait.ge [sflag:s24], $0x4000  }
0x75: {  	[sflag:s24] =	ssyncset.done $0x0  }
0x76: {  	s1 =	sadd.s32 $0x1480, s29;
	[sflag:s24] =	ssyncadd.s32 $0xFFFFC000  }
0x77: {  	[spmem:s2] =	stream.indirect.scatter.add.f32 [tilespmem:s22], [sflag:$0x3], $0x80, s1, s20, $0xb8;
	[tilespmem:$0x1E800] =	vst v63  }
0x78: {  	_ =	swait.ge [sflag:s18], $0x4000  }
0x79: {  	[sflag:s18] =	ssyncset.done $0x0  }
0x7a: {  	[sflag:s18] =	ssyncadd.s32 $0xFFFFC000  }
0x7b: {  	[tilespmem:s22], [sflag:$0x2] =	stream.indirect.gather [hbm4b:s4+s20], $0x80, s25, s20, $0xb8;
	[tilespmem:$0x1E800] =	vst v63  }
0x7c: {  	_ =	swait.ge [sflag:s23], $0x4000  }
0x7d: {  	[sflag:s23] =	ssyncset.done $0x0  }
0x7e: {  	[sflag:s23] =	ssyncadd.s32 $0xFFFFC000  }
0x7f: {  	[spmem:s2] =	stream.indirect.scatter.add.f32 [tilespmem:s21], [sflag:$0x3], $0x80, s26, s20, $0xb8;
	[tilespmem:$0x1E800] =	vst v63  }
0x80: {  	_ =	swait.ge [sflag:s18], $0x4000  }
0x81: {  	[sflag:s18] =	ssyncset.done $0x0  }
0x82: {  	[sflag:s18] =	ssyncadd.s32 $0xFFFFC000  }
0x83: {  	_ =	swait.ge [sflag:s24], $0x4000  }
0x84: {  	[sflag:s24] =	ssyncset.done $0x0  }
0x85: {  	[sflag:s24] =	ssyncadd.s32 $0xFFFFC000  }
0x86: {  	[spmem:s2] =	stream.indirect.scatter.add.f32 [tilespmem:s22], [sflag:$0x3], $0x80, s28, s20, $0xb8;
	[tilespmem:$0x1E800] =	vst v63  }
0x87: {  	_ =	swait.ge [sflag:s18], $0x4000  }
0x88: {  	[sflag:s18] =	ssyncset.done $0x0  }
0x89: {  	s31 =	simm.s32 $0x0;
	[sflag:s18] =	ssyncadd.s32 $0xFFFFC000  }
0x8a: {  	[tilespmem:s31], [sflag:$0x3] =	stream.linear.gather [hbm4b:s15+s31], $0x1400, $0x38;
	[tilespmem:$0x1E800] =	vst v63  }
0x8b: {  	_ =	swait.ge [sflag:s18], $0x1400  }
0x8c: {  	[sflag:s18] =	ssyncset.done $0x0  }
0x8d: {  	[sflag:s18] =	ssyncadd.s32 $0xFFFFEC00  }
0x8e: {  	[tilespmem:s19], [sflag:$0x3] =	stream.linear.gather [hbm4b:s16+s31], $0x1400, $0x38;
	[tilespmem:$0x1E800] =	vst v63  }
0x8f: {  	_ =	swait.ge [sflag:s18], $0x1400  }
0x90: {  	[sflag:s18] =	ssyncset.done $0x0  }
0x91: {  	[sflag:s18] =	ssyncadd.s32 $0xFFFFEC00  }
0x92: {  	[tilespmem:s21], [sflag:$0x1] =	stream.indirect.gather [hbm4b:s4+s20], $0x80, s31, s20, $0xb8;
	[tilespmem:$0x1E800] =	vst v63  }
0x93: {  	s1 =	simm.s32 $0x80  }
0x94: {  	[tilespmem:s22], [sflag:$0x2] =	stream.indirect.gather [hbm4b:s4+s20], $0x80, s1, s20, $0xb8;
	[tilespmem:$0x1E800] =	vst v63  }
0x95: {  	_ =	swait.ge [sflag:s23], $0x4000  }
0x96: {  	[sflag:s23] =	ssyncset.done $0x0  }
0x97: {  	s31 =	simm.s32 $0x1400;
	[sflag:s23] =	ssyncadd.s32 $0xFFFFC000  }
0x98: {  	[spmem:s2] =	stream.indirect.scatter.add.f32 [tilespmem:s21], [sflag:$0x3], $0x80, s31, s20, $0xb8;
	[tilespmem:$0x1E800] =	vst v63  }
0x99: {  	_ =	swait.ge [sflag:s18], $0x4000  }
0x9a: {  	[sflag:s18] =	ssyncset.done $0x0  }
0x9b: {  	s1 =	simm.s32 $0x100;
	[sflag:s18] =	ssyncadd.s32 $0xFFFFC000  }
0x9c: {  	[tilespmem:s21], [sflag:$0x1] =	stream.indirect.gather [hbm4b:s4+s20], $0x80, s1, s20, $0xb8;
	[tilespmem:$0x1E800] =	vst v63  }
0x9d: {  	_ =	swait.ge [sflag:s24], $0x4000  }
0x9e: {  	[sflag:s24] =	ssyncset.done $0x0  }
0x9f: {  	s31 =	simm.s32 $0x1480;
	[sflag:s24] =	ssyncadd.s32 $0xFFFFC000  }
0xa0: {  	[spmem:s2] =	stream.indirect.scatter.add.f32 [tilespmem:s22], [sflag:$0x3], $0x80, s31, s20, $0xb8;
	[tilespmem:$0x1E800] =	vst v63  }
0xa1: {  	_ =	swait.ge [sflag:s18], $0x4000  }
0xa2: {  	s30 =	simm.s32 $0x800;
	s29 =	simm.s32 $0x100;
	[sflag:s18] =	ssyncset.done $0x0  }
.LBB2_10:
0xa3: {  	s0 =	sadd.s32 $0x80, s29  }
0xa4: {  	[sflag:s18] =	ssyncadd.s32 $0xFFFFC000;
	s1 =	smov.u32 s30;
	s31 =	sadd.s32 $0x400, s30  }
0xa5: {  	[tilespmem:s22], [sflag:$0x2] =	stream.indirect.gather [hbm4b:s4+s20], $0x80, s0, s20, $0xb8;
	[tilespmem:$0x1E800] =	vst v63  }
0xa6: {  	p1 =	sne.s32 s30, $0x4800;
	_ =	swait.ge [sflag:s23], $0x4000  }
0xa7: {  	[sflag:s23] =	ssyncset.done $0x0  }
0xa8: {  	s0 =	sadd.s32 $0x1400, s29;
	[sflag:s23] =	ssyncadd.s32 $0xFFFFC000  }
0xa9: {  	[spmem:s2] =	stream.indirect.scatter.add.f32 [tilespmem:s21], [sflag:$0x3], $0x80, s0, s20, $0xb8;
	[tilespmem:$0x1E800] =	vst v63  }
0xaa: {  	_ =	swait.ge [sflag:s18], $0x4000  }
0xab: {  	[sflag:s18] =	ssyncset.done $0x0  }
0xac: {  	s0 =	sadd.s32 $0x100, s29;
	[sflag:s18] =	ssyncadd.s32 $0xFFFFC000  }
0xad: {  	[tilespmem:s21], [sflag:$0x1] =	stream.indirect.gather [hbm4b:s4+s20], $0x80, s0, s20, $0xb8;
	[tilespmem:$0x1E800] =	vst v63  }
0xae: {  	_ =	swait.ge [sflag:s24], $0x4000  }
.Ltmp4:
0xaf: {  	[sflag:s24] =	ssyncset.done $0x0;
	(pc) =	sbr.rel @p1 .LBB2_10-.Ltmp4, $4  }
0xb0: {  	s0 =	sadd.s32 $0x1480, s29;
	[sflag:s24] =	ssyncadd.s32 $0xFFFFC000  }
0xb1: {  	[spmem:s2] =	stream.indirect.scatter.add.f32 [tilespmem:s22], [sflag:$0x3], $0x80, s0, s20, $0xb8;
	[tilespmem:$0x1E800] =	vst v63  }
0xb2: {  	_ =	swait.ge [sflag:s18], $0x4000  }
0xb3: {  	s30 =	smov.u32 s31;
	s29 =	sshra.s32 s1, $0x2;
	[sflag:s18] =	ssyncset.done $0x0  }
.Ltmp5:
0xb4: {  	_ = 	snop;
	(pc) =	sbr.rel .LBB2_11-.Ltmp5, $1  }
0xb5: {  	_ =	sdelay $0x3  }
.LBB2_2:
0xb6: {  	s29 =	simm.s32 $0x0  }
0xb7: {  	[tilespmem:s29], [sflag:$0x3] =	stream.linear.gather [hbm4b:s9+s29], $0x1400, $0x38;
	[tilespmem:$0x1E800] =	vst v63  }
0xb8: {  	_ =	swait.ge [sflag:s18], $0x1400  }
0xb9: {  	[sflag:s18] =	ssyncset.done $0x0  }
0xba: {  	[sflag:s18] =	ssyncadd.s32 $0xFFFFEC00  }
0xbb: {  	[tilespmem:s19], [sflag:$0x3] =	stream.linear.gather [hbm4b:s10+s29], $0x1400, $0x38;
	[tilespmem:$0x1E800] =	vst v63  }
0xbc: {  	_ =	swait.ge [sflag:s18], $0x1400  }
0xbd: {  	[sflag:s18] =	ssyncset.done $0x0  }
0xbe: {  	[sflag:s18] =	ssyncadd.s32 $0xFFFFEC00  }
0xbf: {  	[tilespmem:s21], [sflag:$0x1] =	stream.indirect.gather [hbm4b:s4+s20], $0x80, s29, s20, $0xb8;
	[tilespmem:$0x1E800] =	vst v63  }
0xc0: {  	s29 =	simm.s32 $0x80  }
0xc1: {  	[tilespmem:s22], [sflag:$0x2] =	stream.indirect.gather [hbm4b:s4+s20], $0x80, s29, s20, $0xb8;
	[tilespmem:$0x1E800] =	vst v63  }
0xc2: {  	_ =	swait.ge [sflag:s23], $0x4000  }
0xc3: {  	[sflag:s23] =	ssyncset.done $0x0  }
0xc4: {  	s29 =	simm.s32 $0x1400;
	[sflag:s23] =	ssyncadd.s32 $0xFFFFC000  }
0xc5: {  	[spmem:s2] =	stream.indirect.scatter.add.f32 [tilespmem:s21], [sflag:$0x3], $0x80, s29, s20, $0xb8;
	[tilespmem:$0x1E800] =	vst v63  }
0xc6: {  	_ =	swait.ge [sflag:s18], $0x4000  }
0xc7: {  	[sflag:s18] =	ssyncset.done $0x0  }
0xc8: {  	s29 =	simm.s32 $0x100;
	[sflag:s18] =	ssyncadd.s32 $0xFFFFC000  }
0xc9: {  	[tilespmem:s21], [sflag:$0x1] =	stream.indirect.gather [hbm4b:s4+s20], $0x80, s29, s20, $0xb8;
	[tilespmem:$0x1E800] =	vst v63  }
0xca: {  	_ =	swait.ge [sflag:s24], $0x4000  }
0xcb: {  	[sflag:s24] =	ssyncset.done $0x0  }
0xcc: {  	s29 =	simm.s32 $0x1480;
	[sflag:s24] =	ssyncadd.s32 $0xFFFFC000  }
0xcd: {  	[spmem:s2] =	stream.indirect.scatter.add.f32 [tilespmem:s22], [sflag:$0x3], $0x80, s29, s20, $0xb8;
	[tilespmem:$0x1E800] =	vst v63  }
0xce: {  	_ =	swait.ge [sflag:s18], $0x4000  }
0xcf: {  	s30 =	simm.s32 $0x800;
	s29 =	simm.s32 $0x100;
	[sflag:s18] =	ssyncset.done $0x0  }
.LBB2_3:
0xd0: {  	s31 =	sadd.s32 $0x80, s29  }
0xd1: {  	[sflag:s18] =	ssyncadd.s32 $0xFFFFC000;
	s0 =	smov.u32 s30;
	s1 =	sadd.s32 $0x400, s30  }
0xd2: {  	[tilespmem:s22], [sflag:$0x2] =	stream.indirect.gather [hbm4b:s4+s20], $0x80, s31, s20, $0xb8;
	[tilespmem:$0x1E800] =	vst v63  }
0xd3: {  	p1 =	sne.s32 s30, $0x4800;
	_ =	swait.ge [sflag:s23], $0x4000  }
0xd4: {  	[sflag:s23] =	ssyncset.done $0x0  }
0xd5: {  	s30 =	sadd.s32 $0x1400, s29;
	[sflag:s23] =	ssyncadd.s32 $0xFFFFC000  }
0xd6: {  	[spmem:s2] =	stream.indirect.scatter.add.f32 [tilespmem:s21], [sflag:$0x3], $0x80, s30, s20, $0xb8;
	[tilespmem:$0x1E800] =	vst v63  }
0xd7: {  	_ =	swait.ge [sflag:s18], $0x4000  }
0xd8: {  	[sflag:s18] =	ssyncset.done $0x0  }
0xd9: {  	s30 =	sadd.s32 $0x100, s29;
	[sflag:s18] =	ssyncadd.s32 $0xFFFFC000  }
0xda: {  	[tilespmem:s21], [sflag:$0x1] =	stream.indirect.gather [hbm4b:s4+s20], $0x80, s30, s20, $0xb8;
	[tilespmem:$0x1E800] =	vst v63  }
0xdb: {  	_ =	swait.ge [sflag:s24], $0x4000  }
.Ltmp6:
0xdc: {  	[sflag:s24] =	ssyncset.done $0x0;
	(pc) =	sbr.rel @p1 .LBB2_3-.Ltmp6, $4  }
0xdd: {  	s29 =	sadd.s32 $0x1480, s29;
	[sflag:s24] =	ssyncadd.s32 $0xFFFFC000  }
0xde: {  	[spmem:s2] =	stream.indirect.scatter.add.f32 [tilespmem:s22], [sflag:$0x3], $0x80, s29, s20, $0xb8;
	[tilespmem:$0x1E800] =	vst v63  }
0xdf: {  	_ =	swait.ge [sflag:s18], $0x4000  }
0xe0: {  	s30 =	smov.u32 s1;
	s29 =	sshra.s32 s0, $0x2;
	[sflag:s18] =	ssyncset.done $0x0  }
0xe1: {  	s0 =	sadd.s32 $0x80, s29;
	[sflag:s18] =	ssyncadd.s32 $0xFFFFC000  }
0xe2: {  	[tilespmem:s22], [sflag:$0x2] =	stream.indirect.gather [hbm4b:s4+s20], $0x80, s0, s20, $0xb8;
	[tilespmem:$0x1E800] =	vst v63  }
0xe3: {  	_ =	swait.ge [sflag:s23], $0x4000  }
0xe4: {  	[sflag:s23] =	ssyncset.done $0x0  }
0xe5: {  	s1 =	sadd.s32 $0x1400, s29;
	[sflag:s23] =	ssyncadd.s32 $0xFFFFC000  }
0xe6: {  	[spmem:s2] =	stream.indirect.scatter.add.f32 [tilespmem:s21], [sflag:$0x3], $0x80, s1, s20, $0xb8;
	[tilespmem:$0x1E800] =	vst v63  }
0xe7: {  	_ =	swait.ge [sflag:s18], $0x4000  }
0xe8: {  	[sflag:s18] =	ssyncset.done $0x0  }
0xe9: {  	s31 =	sadd.s32 $0x100, s29;
	[sflag:s18] =	ssyncadd.s32 $0xFFFFC000  }
0xea: {  	[tilespmem:s21], [sflag:$0x1] =	stream.indirect.gather [hbm4b:s4+s20], $0x80, s31, s20, $0xb8;
	[tilespmem:$0x1E800] =	vst v63  }
0xeb: {  	_ =	swait.ge [sflag:s24], $0x4000  }
0xec: {  	[sflag:s24] =	ssyncset.done $0x0  }
0xed: {  	s1 =	sadd.s32 $0x1480, s29;
	[sflag:s24] =	ssyncadd.s32 $0xFFFFC000  }
0xee: {  	[spmem:s2] =	stream.indirect.scatter.add.f32 [tilespmem:s22], [sflag:$0x3], $0x80, s1, s20, $0xb8;
	[tilespmem:$0x1E800] =	vst v63  }
0xef: {  	_ =	swait.ge [sflag:s18], $0x4000  }
0xf0: {  	[sflag:s18] =	ssyncset.done $0x0  }
0xf1: {  	[sflag:s18] =	ssyncadd.s32 $0xFFFFC000  }
0xf2: {  	[tilespmem:s22], [sflag:$0x2] =	stream.indirect.gather [hbm4b:s4+s20], $0x80, s25, s20, $0xb8;
	[tilespmem:$0x1E800] =	vst v63  }
0xf3: {  	_ =	swait.ge [sflag:s23], $0x4000  }
0xf4: {  	[sflag:s23] =	ssyncset.done $0x0  }
0xf5: {  	[sflag:s23] =	ssyncadd.s32 $0xFFFFC000  }
0xf6: {  	[spmem:s2] =	stream.indirect.scatter.add.f32 [tilespmem:s21], [sflag:$0x3], $0x80, s26, s20, $0xb8;
	[tilespmem:$0x1E800] =	vst v63  }
0xf7: {  	_ =	swait.ge [sflag:s18], $0x4000  }
0xf8: {  	[sflag:s18] =	ssyncset.done $0x0  }
0xf9: {  	[sflag:s18] =	ssyncadd.s32 $0xFFFFC000  }
0xfa: {  	_ =	swait.ge [sflag:s24], $0x4000  }
0xfb: {  	[sflag:s24] =	ssyncset.done $0x0  }
0xfc: {  	[sflag:s24] =	ssyncadd.s32 $0xFFFFC000  }
0xfd: {  	[spmem:s2] =	stream.indirect.scatter.add.f32 [tilespmem:s22], [sflag:$0x3], $0x80, s28, s20, $0xb8;
	[tilespmem:$0x1E800] =	vst v63  }
0xfe: {  	_ =	swait.ge [sflag:s18], $0x4000  }
0xff: {  	[sflag:s18] =	ssyncset.done $0x0  }
0x100: {  	s31 =	simm.s32 $0x0;
	[sflag:s18] =	ssyncadd.s32 $0xFFFFC000  }
0x101: {  	[tilespmem:s31], [sflag:$0x3] =	stream.linear.gather [hbm4b:s11+s31], $0x1400, $0x38;
	[tilespmem:$0x1E800] =	vst v63  }
0x102: {  	_ =	swait.ge [sflag:s18], $0x1400  }
0x103: {  	[sflag:s18] =	ssyncset.done $0x0  }
0x104: {  	[sflag:s18] =	ssyncadd.s32 $0xFFFFEC00  }
0x105: {  	[tilespmem:s19], [sflag:$0x3] =	stream.linear.gather [hbm4b:s12+s31], $0x1400, $0x38;
	[tilespmem:$0x1E800] =	vst v63  }
0x106: {  	_ =	swait.ge [sflag:s18], $0x1400  }
0x107: {  	[sflag:s18] =	ssyncset.done $0x0  }
0x108: {  	[sflag:s18] =	ssyncadd.s32 $0xFFFFEC00  }
0x109: {  	[tilespmem:s21], [sflag:$0x1] =	stream.indirect.gather [hbm4b:s4+s20], $0x80, s31, s20, $0xb8;
	[tilespmem:$0x1E800] =	vst v63  }
0x10a: {  	s1 =	simm.s32 $0x80  }
0x10b: {  	[tilespmem:s22], [sflag:$0x2] =	stream.indirect.gather [hbm4b:s4+s20], $0x80, s1, s20, $0xb8;
	[tilespmem:$0x1E800] =	vst v63  }
0x10c: {  	_ =	swait.ge [sflag:s23], $0x4000  }
0x10d: {  	[sflag:s23] =	ssyncset.done $0x0  }
0x10e: {  	s31 =	simm.s32 $0x1400;
	[sflag:s23] =	ssyncadd.s32 $0xFFFFC000  }
0x10f: {  	[spmem:s2] =	stream.indirect.scatter.add.f32 [tilespmem:s21], [sflag:$0x3], $0x80, s31, s20, $0xb8;
	[tilespmem:$0x1E800] =	vst v63  }
0x110: {  	_ =	swait.ge [sflag:s18], $0x4000  }
0x111: {  	[sflag:s18] =	ssyncset.done $0x0  }
0x112: {  	s1 =	simm.s32 $0x100;
	[sflag:s18] =	ssyncadd.s32 $0xFFFFC000  }
0x113: {  	[tilespmem:s21], [sflag:$0x1] =	stream.indirect.gather [hbm4b:s4+s20], $0x80, s1, s20, $0xb8;
	[tilespmem:$0x1E800] =	vst v63  }
0x114: {  	_ =	swait.ge [sflag:s24], $0x4000  }
0x115: {  	[sflag:s24] =	ssyncset.done $0x0  }
0x116: {  	s31 =	simm.s32 $0x1480;
	[sflag:s24] =	ssyncadd.s32 $0xFFFFC000  }
0x117: {  	[spmem:s2] =	stream.indirect.scatter.add.f32 [tilespmem:s22], [sflag:$0x3], $0x80, s31, s20, $0xb8;
	[tilespmem:$0x1E800] =	vst v63  }
0x118: {  	_ =	swait.ge [sflag:s18], $0x4000  }
0x119: {  	s30 =	simm.s32 $0x800;
	s29 =	simm.s32 $0x100;
	[sflag:s18] =	ssyncset.done $0x0  }
.LBB2_5:
0x11a: {  	s0 =	sadd.s32 $0x80, s29  }
0x11b: {  	[sflag:s18] =	ssyncadd.s32 $0xFFFFC000;
	s1 =	smov.u32 s30;
	s31 =	sadd.s32 $0x400, s30  }
0x11c: {  	[tilespmem:s22], [sflag:$0x2] =	stream.indirect.gather [hbm4b:s4+s20], $0x80, s0, s20, $0xb8;
	[tilespmem:$0x1E800] =	vst v63  }
0x11d: {  	p1 =	seq.s32 s30, $0x4800;
	_ =	swait.ge [sflag:s23], $0x4000  }
0x11e: {  	[sflag:s23] =	ssyncset.done $0x0  }
0x11f: {  	s0 =	sadd.s32 $0x1400, s29;
	[sflag:s23] =	ssyncadd.s32 $0xFFFFC000  }
0x120: {  	[spmem:s2] =	stream.indirect.scatter.add.f32 [tilespmem:s21], [sflag:$0x3], $0x80, s0, s20, $0xb8;
	[tilespmem:$0x1E800] =	vst v63  }
0x121: {  	_ =	swait.ge [sflag:s18], $0x4000  }
0x122: {  	[sflag:s18] =	ssyncset.done $0x0  }
0x123: {  	s0 =	sadd.s32 $0x100, s29;
	[sflag:s18] =	ssyncadd.s32 $0xFFFFC000  }
0x124: {  	[tilespmem:s21], [sflag:$0x1] =	stream.indirect.gather [hbm4b:s4+s20], $0x80, s0, s20, $0xb8;
	[tilespmem:$0x1E800] =	vst v63  }
0x125: {  	_ =	swait.ge [sflag:s24], $0x4000  }
.Ltmp7:
0x126: {  	[sflag:s24] =	ssyncset.done $0x0;
	(pc) =	sbr.rel @!p1 .LBB2_5-.Ltmp7, $4  }
0x127: {  	s0 =	sadd.s32 $0x1480, s29;
	[sflag:s24] =	ssyncadd.s32 $0xFFFFC000  }
0x128: {  	[spmem:s2] =	stream.indirect.scatter.add.f32 [tilespmem:s22], [sflag:$0x3], $0x80, s0, s20, $0xb8;
	[tilespmem:$0x1E800] =	vst v63  }
0x129: {  	_ =	swait.ge [sflag:s18], $0x4000  }
0x12a: {  	s30 =	smov.u32 s31;
	s29 =	sshra.s32 s1, $0x2;
	[sflag:s18] =	ssyncset.done $0x0  }
0x12b: {  	s0 =	sadd.s32 $0x80, s29;
	[sflag:s18] =	ssyncadd.s32 $0xFFFFC000  }
0x12c: {  	[tilespmem:s22], [sflag:$0x2] =	stream.indirect.gather [hbm4b:s4+s20], $0x80, s0, s20, $0xb8;
	[tilespmem:$0x1E800] =	vst v63  }
0x12d: {  	_ =	swait.ge [sflag:s23], $0x4000  }
0x12e: {  	[sflag:s23] =	ssyncset.done $0x0  }
0x12f: {  	s1 =	sadd.s32 $0x1400, s29;
	[sflag:s23] =	ssyncadd.s32 $0xFFFFC000  }
0x130: {  	[spmem:s2] =	stream.indirect.scatter.add.f32 [tilespmem:s21], [sflag:$0x3], $0x80, s1, s20, $0xb8;
	[tilespmem:$0x1E800] =	vst v63  }
0x131: {  	_ =	swait.ge [sflag:s18], $0x4000  }
0x132: {  	[sflag:s18] =	ssyncset.done $0x0  }
0x133: {  	s30 =	sadd.s32 $0x100, s29;
	[sflag:s18] =	ssyncadd.s32 $0xFFFFC000  }
0x134: {  	[tilespmem:s21], [sflag:$0x1] =	stream.indirect.gather [hbm4b:s4+s20], $0x80, s30, s20, $0xb8;
	[tilespmem:$0x1E800] =	vst v63  }
0x135: {  	_ =	swait.ge [sflag:s24], $0x4000  }
0x136: {  	[sflag:s24] =	ssyncset.done $0x0  }
.Ltmp8:
0x137: {  	s31 =	sadd.s32 $0x1480, s29;
	[sflag:s24] =	ssyncadd.s32 $0xFFFFC000;
	(pc) =	sbr.rel .LBB2_12-.Ltmp8, $4  }
0x138: {  	[spmem:s2] =	stream.indirect.scatter.add.f32 [tilespmem:s22], [sflag:$0x3], $0x80, s31, s20, $0xb8;
	[tilespmem:$0x1E800] =	vst v63  }
0x139: {  	_ =	swait.ge [sflag:s18], $0x4000  }
0x13a: {  	[sflag:s18] =	ssyncset.done $0x0  }
0x13b: {  	[sflag:s18] =	ssyncadd.s32 $0xFFFFC000  }
.LBB2_13:
0x13c: {  	_ =	sfence.sel $0x180000  }
0x13d: {  	[bflag:$0x0] =	sbarrier.arrive $0xFFFF  }
0x13e: {  	_ =	strace $0x9000004D  }
0x13f: {  	s0 =	stileid.u32;
	[bflag:$0x2] =	sbarrier.arrive $0xFFFF  }
0x140: {  	p0 =	sne.s32 s0, $0x0;
	s0 =	rddreg [dreg:$0x3]  }
0x141: {  	s0 =	sadd.s32 @!p0 $0x100000, s0  }
0x142: {  	[sflag:s0] =	ssyncadd.tile.s32 @!p0 $0x1;
	_ =	shalt  }
.Lfunc_end2:
_tile_overlayer_lowered:
.L_overlay_start_2:
0x143: {  	(tag) =	ssettag $0x2  }
0x144: {  	s0 =	rddreg [dreg:$0x0];
	s2 =	stileid.u32  }
0x145: {  	s1 =	rddreg [dreg:$0x1];
	p0 =	sne.s32 s2, $0x0  }
0x146: {  	s3 =	rddreg [dreg:$0x2];
	[bflag:$0x3] =	sbarrier.arrive $0xFFFF;
	s2 =	simm.s32 @!p0 $0x1C03  }
0x147: {  	[timem:s3], [sflag:s2] =	dma.local @!p0 [hbm:s0], s1  }
0x148: {  	s0 =	simm.s32 @!p0 $0x3  }
0x149: {  	_ =	swait.ge @!p0 [sflag:s0], s1  }
0x14a: {  	s1 =	ssub.s32 @!p0 $0x0, s1;
	[sflag:s0] =	ssyncset.done @!p0 $0x0  }
0x14b: {  	[sflag:s0] =	ssyncadd.s32 @!p0 s1  }
0x14c: {  	[bflag:$0x3] =	sbarrier.arrive $0xFFFF  }
0x14d: {  	_ =	shalt  }

// kernel: kernel.8.cloned.1.call-start
scs
__scs_entry_jumppad:
0x0: {  	(pc) =	sbr.rel $0x88, $3  }
0x1: {  	(tag) =	ssettag $0x0;
	lr =	simm.s32 $0x1  }
0x2: {  	[smem:$0x3F9B] =	sst lr;
	_ =	strace $0xD0000000  }
0x3: {  	_ = 	snop  }
0x4: {  	_ = 	snop  }
0x5: {  	_ = 	snop  }
0x6: {  	_ = 	snop  }
0x7: {  	_ = 	snop  }
__scs_overlays_trampoline_lowered:
0x8: {  	[smem:$0x3FAA] =	sst s0  }
0x9: {  	[smem:$0x3FAB] =	sst s1  }
0xa: {  	[smem:$0x3FAC] =	sst s2  }
0xb: {  	[smem:$0x3FAD] =	sst s3  }
0xc: {  	[smem:$0x3FAE] =	sst s4  }
0xd: {  	[smem:$0x3FAF] =	sst s5  }
0xe: {  	[smem:$0x3FB0] =	sst s6  }
0xf: {  	[smem:$0x3FB1] =	sst s7  }
0x10: {  	[smem:$0x3FB2] =	sst s8  }
0x11: {  	[smem:$0x3FB3] =	sst s9;
	s0 =	simm.s32 @!p0 $0x0  }
0x12: {  	s1 =	sld [smem:$0x3F99];
	s0 =	simm.s32 @p0 $0x1  }
0x13: {  	[smem:$0x3FB4] =	sst s0;
	s0 =	simm.s32 @!p1 $0x0  }
0x14: {  	s2 =	sld [smem:$0x3F98];
	s0 =	simm.s32 @p1 $0x1  }
0x15: {  	[smem:$0x3FB5] =	sst s0;
	s0 =	simm.s32 @!p2 $0x0  }
0x16: {  	s3 =	sld [smem:$0x3FDB];
	s0 =	simm.s32 @p2 $0x1  }
0x17: {  	s4 =	simm.s32 $0x1BF5;
	[smem:$0x3FB7] =	sst s0  }
0x18: {  	s0 =	sld [smem:$0x3F9A];
	_ =	swait.ge [sflag:s4], $0x0  }
0x19: {  	s7 =	sld [smem:$0x3F9B]  }
0x1a: {  	s8 =	sadd.s32 $0xFFFFE003, lr  }
0x1b: {  	s9 =	sadd.s32 $0xFFFFFEF7, lr;
	s5 =	simm.s32 $0xFFFFFFFF;
	p2 =	slt.u32 s8, $0xFFFFF086  }
0x1c: {  	p1 =	slt.u32 s9, $0xF7A;
	s5 =	simm.s32 @!p2 $0x0  }
0x1d: {  	s5 =	simm.s32 @p1 $0x1;
	p0 =	seq.s32 s7, s2  }
0x1e: {  	s7 =	smul.u32 @!p0 $0xF7A, s2;
	p2 =	seq.s32 @!p0 s5, $0x0  }
0x1f: {  	s9 =	smul.u32 $0xF7A, s1;
	s8 =	simm.s32 @!p0 $0x1BF5;
	p2 =	por !p2, p0  }
0x20: {  	[sflag:s8] =	ssyncset.s32 @!p0 $0xFFFFF086;
	s6 =	sadd.s32 @!p0 s3, s7;
	s7 =	simm.s32 @!p0 $0x108  }
0x21: {  	s3 =	sadd.s32 s3, s9;
	s6 =	sadd.s32 @!p0 $0x88, s6;
	s7 =	simm.s32 @p2 $0x1082  }
0x22: {  	[simem:s7], [sflag:s8] =	dma.local @!p0 [hbm:s6], $0xF7A  }
0x23: {  	s9 =	sor.u32 $0xD0000000, s2;
	s6 =	simm.s32 $0x108;
	_ =	swait.ge @!p0 [sflag:s8], $0x0  }
0x24: {  	s3 =	sadd.s32 $0x88, s3;
	s6 =	simm.s32 @!p1 $0x1082;
	[sflag:s4] =	ssyncset.s32 $0xFFFFF086  }
0x25: {  	[simem:s6], [sflag:s4] =	dma.local [hbm:s3], $0xF7A  }
0x26: {  	[smem:$0x3F9B] =	sst s1;
	(tag) =	ssettag s2;
	_ =	strace s9  }
0x27: {  	s1 =	sld [smem:$0x3FAB]  }
0x28: {  	s2 =	sld [smem:$0x3FAC]  }
0x29: {  	s4 =	sld [smem:$0x3FAE]  }
0x2a: {  	p0 =	seq.s32 s5, $0x0;
	s5 =	sld [smem:$0x3FAF]  }
0x2b: {  	s6 =	sld [smem:$0x3FB0]  }
0x2c: {  	s7 =	sld [smem:$0x3FB1]  }
0x2d: {  	s3 =	simm.s32 $0x108;
	s8 =	sld [smem:$0x3FB2]  }
0x2e: {  	s3 =	simm.s32 @!p0 $0x1082;
	s9 =	sld [smem:$0x3FB3]  }
0x2f: {  	lr =	sadd.s32 s0, s3;
	s0 =	sld [smem:$0x3FAA]  }
0x30: {  	s3 =	sld [smem:$0x3FAD]  }
0x31: {  	[smem:$0x3FB6] =	sst s10  }
0x32: {  	s10 =	sld [smem:$0x3FB4];
	_ =	sdelay $0x3  }
0x33: {  	p0 =	seq.s32 s10, $0x1;
	s10 =	sld [smem:$0x3FB6];
	_ =	sdelay $0x3  }
0x34: {  	[smem:$0x3FB6] =	sst s10  }
0x35: {  	s10 =	sld [smem:$0x3FB5];
	_ =	sdelay $0x3  }
0x36: {  	p1 =	seq.s32 s10, $0x1;
	s10 =	sld [smem:$0x3FB6];
	_ =	sdelay $0x3  }
0x37: {  	[smem:$0x3FB6] =	sst s10  }
0x38: {  	s10 =	sld [smem:$0x3FB7]  }
0x39: {  	_ = 	snop;
	(pc) =	sbr.ind lr, $3  }
0x3a: {  	_ = 	snop  }
0x3b: {  	_ = 	snop  }
0x3c: {  	p2 =	seq.s32 s10, $0x1;
	s10 =	sld [smem:$0x3FB6]  }
0x3d: {  	_ =	shalt  }
0x3e: {  	_ =	shalt  }
0x3f: {  	_ =	shalt  }
0x40: {  	_ =	shalt  }
0x41: {  	_ =	shalt  }
0x42: {  	_ =	shalt  }
0x43: {  	_ =	shalt  }
0x44: {  	_ =	shalt  }
0x45: {  	_ =	shalt  }
0x46: {  	_ =	shalt  }
0x47: {  	_ =	shalt  }
0x48: {  	_ =	shalt  }
0x49: {  	_ =	shalt  }
0x4a: {  	_ =	shalt  }
0x4b: {  	_ =	shalt  }
0x4c: {  	_ =	shalt  }
0x4d: {  	_ =	shalt  }
0x4e: {  	_ =	shalt  }
0x4f: {  	_ =	shalt  }
0x50: {  	_ =	shalt  }
0x51: {  	_ =	shalt  }
0x52: {  	_ =	shalt  }
0x53: {  	_ =	shalt  }
0x54: {  	_ =	shalt  }
0x55: {  	_ =	shalt  }
0x56: {  	_ =	shalt  }
0x57: {  	_ =	shalt  }
0x58: {  	_ =	shalt  }
0x59: {  	_ =	shalt  }
0x5a: {  	_ =	shalt  }
0x5b: {  	_ =	shalt  }
0x5c: {  	_ =	shalt  }
0x5d: {  	_ =	shalt  }
0x5e: {  	_ =	shalt  }
0x5f: {  	_ =	shalt  }
0x60: {  	_ =	shalt  }
0x61: {  	_ =	shalt  }
0x62: {  	_ =	shalt  }
0x63: {  	_ =	shalt  }
0x64: {  	_ =	shalt  }
0x65: {  	_ =	shalt  }
0x66: {  	_ =	shalt  }
0x67: {  	_ =	shalt  }
0x68: {  	_ =	shalt  }
0x69: {  	_ =	shalt  }
0x6a: {  	_ =	shalt  }
0x6b: {  	_ =	shalt  }
0x6c: {  	_ =	shalt  }
0x6d: {  	_ =	shalt  }
0x6e: {  	_ =	shalt  }
0x6f: {  	_ =	shalt  }
0x70: {  	_ =	shalt  }
0x71: {  	_ =	shalt  }
0x72: {  	_ =	shalt  }
0x73: {  	_ =	shalt  }
0x74: {  	_ =	shalt  }
0x75: {  	_ =	shalt  }
0x76: {  	_ =	shalt  }
0x77: {  	_ =	shalt  }
0x78: {  	_ =	shalt  }
0x79: {  	_ =	shalt  }
0x7a: {  	_ =	shalt  }
0x7b: {  	_ =	shalt  }
0x7c: {  	_ =	shalt  }
0x7d: {  	_ =	shalt  }
0x7e: {  	_ =	shalt  }
0x7f: {  	_ =	shalt  }
0x80: {  	_ =	shalt  }
0x81: {  	_ =	shalt  }
0x82: {  	_ =	shalt  }
0x83: {  	_ =	shalt  }
0x84: {  	_ =	shalt  }
0x85: {  	_ =	shalt  }
0x86: {  	_ =	shalt  }
0x87: {  	_ =	shalt  }
.Lfunc_end0:
.L_simem_size_0:
called_computation_lowered:
.L_overlay_start_0:
0x88: {  	s2 =	sld [smem:$0x3FD9]  }
0x89: {  	s3 =	sld [smem:$0x3FFE];
	_ =	sdelay $0x1  }
0x8a: {  	s1 =	srdreg.scid  }
0x8b: {  	s0 =	sand.u32 $0x1, s1  }
0x8c: {  	s16 =	sshll.u32 s0, $0xA;
	s2 =	sadd.s32 s3, s2  }
0x8d: {  	s2 =	sadd.s32 s2, s16  }
0x8e: {  	[smem:$0x3FC2] =	sst s2  }
0x8f: {  	_ = 	snop  }
0x90: {  	(tm) =	ssettm $0x1  }
0x91: {  	s17 =	sld [smem:$0x3FFB];
	_ =	sdelay $0x3  }
0x92: {  	_ =	strace s17  }
0x93: {  	s2 =	sld [smem:$0x3FFC];
	_ =	sdelay $0x3  }
0x94: {  	_ =	strace s2  }
0x95: {  	s2 =	sld [smem:$0x3FFD];
	_ =	sdelay $0x3  }
0x96: {  	_ =	strace s2  }
0x97: {  	_ =	strace $0x8FFFFFFF  }
0x98: {  	s18 =	sld [smem:$0x3FDB];
	_ =	sdelay $0x1  }
0x99: {  	s19 =	simm.s32 $_scs_section_size  }
0x9a: {  	s4 =	simm.s32 $_size__tile_overlayer_lowered;
	s5 =	simm.s32 $_tile_overlayer_lowered  }
0x9b: {  	s22 =	simm.s32 $0x1BFF;
	s21 =	sshll.u32 s5, $0x1;
	s2 =	sadd.s32 s19, s18  }
0x9c: {  	s6 =	simm.s32 $0x0;
	s20 =	sshll.u32 s4, $0x1;
	s4 =	sadd.s32 s21, s2  }
0x9d: {  	[timem:s6], [sflag:s22] =	dma.local [hbm:s4], s20  }
0x9e: {  	_ =	swait.ge [sflag:s22], s20  }
0x9f: {  	s3 =	ssub.s32 $0x0, s20;
	[sflag:s22] =	ssyncset.done $0x0  }
0xa0: {  	[sflag:s22] =	ssyncadd.s32 s3;
	_ =	sdelay $0x1  }
0xa1: {  	s23 =	simm.s32 $0x1B8B  }
0xa2: {  	_ =	swait.ge [sflag:s23], $0x1  }
0xa3: {  	[sflag:s23] =	ssyncset.done $0x0  }
0xa4: {  	s25 =	simm.s32 $0x1B8E;
	s24 =	sld [smem:$0x3FFE];
	[sflag:s23] =	ssyncadd.s32 $0xFFFFFFFF  }
0xa5: {  	s26 =	simm.s32 $execute0_lowered;
	[smem:$0x3FD2] =	sst s25  }
0xa6: {  	s4 =	sshll.u32 s26, $0x1;
	_ =	strace $0x80000046;
	[dreg:$0x1] =	wrdreg $0xFFFFFFFF  }
0xa7: {  	s28 =	simm.s32 $_size_execute0_lowered;
	s2 =	sadd.s32 s2, s4;
	[dreg:$0x0] =	wrdreg $0x0  }
0xa8: {  	s4 =	sshll.u32 s28, $0x1;
	[dreg:$0x2] =	wrdreg s2  }
0xa9: {  	[dreg:$0x3] =	wrdreg s4  }
0xaa: {  	[dreg:$0x4] =	wrdreg $0xC0  }
0xab: {  	_ =	task [dreg:s6], $0x5FFFF  }
0xac: {  	[dreg:$0x1] =	wrdreg $0xFFFFFFFF  }
0xad: {  	[dreg:$0x0] =	wrdreg $0x60  }
0xae: {  	[dreg:$0x2] =	wrdreg s24  }
0xaf: {  	[dreg:$0x3] =	wrdreg $0x2B000  }
0xb0: {  	[dreg:$0x4] =	wrdreg $0x9  }
0xb1: {  	_ =	task.clear_ibuf [dreg:s6], $0x5FFFF;
	_ =	strace $0x90000046  }
0xb2: {  	s29 =	simm.s32 $0x9;
	_ =	strace $0x80000048  }
0xb3: {  	_ =	swait.ge [sflag:s29], $0x1  }
0xb4: {  	[sflag:s29] =	ssyncadd.s32 $0xFFFFFFFF  }
0xb5: {  	_ =	strace $0x90000048  }
0xb6: {  	_ =	sfence  }
0xb7: {  	s30 =	sld [smem:$0x0];
	_ =	sdelay $0x2  }
0xb8: {  	s31 =	sshll.u32 s1, $0xD;
	s1 =	sshrl.u32 s1, $0x2  }
0xb9: {  	s3 =	sand.u32 $0x4000, s31;
	s1 =	sadd.s32 s1, s30  }
0xba: {  	s0 =	sor.u32 s3, s0;
	s1 =	sshll.u32 s1, $0x11  }
0xbb: {  	s0 =	sor.u32 s1, s0  }
0xbc: {  	s0 =	sadd.s32 $0x8F2B, s0  }
0xbd: {  	[sflag:s0] =	ssyncadd.remote.s32 $0x1  }
0xbe: {  	_ =	sfence.sel $0xFFFF  }
0xbf: {  	[dreg:$0x0] =	wrdreg $0xFFFFFFFF;
	(pc) =	sbr.abs _section_cstart, $3  }
0xc0: {  	[dreg:$0x1] =	wrdreg $0xFFFFFFFF  }
0xc1: {  	_ =	task.clear_ibuf [dreg:s6], $0x2FFFF;
	_ =	strace $0x9FFFFFFF  }
0xc2: {  	(tm) =	ssettm $0x7FFFFFFF  }
0xc3: {  	_ =	shalt  }
tec
execute0_lowered:
.L_overlay_start_1:
0x0: {  	(tag) =	ssettag $0x1  }
0x1: {  	s6 =	rddreg [dreg:$0x0]  }
0x2: {  	s0 =	srdreg.scid;
	s2 =	rddreg [dreg:$0x1]  }
0x3: {  	s3 =	simm.s32 $0x0;
	s13 =	simm.s32 $0x2800;
	s14 =	simm.s32 $0x80  }
0x4: {  	s15 =	simm.s32 $0x2880;
	s5 =	sand.u32 $0x1, s0;
	s0 =	stileid.u32  }
0x5: {  	s16 =	simm.s32 $0x100;
	s17 =	simm.s32 $0x0;
	s7 =	smul.u32 $0x500, s0  }
0x6: {  	[smem:$0x7FF] =	sst s3;
	s1 =	sshll.u32 s5, $0x4;
	s8 =	smul.u32 $0x280, s0  }
0x7: {  	s9 =	sshll.u32 s5, $0x7;
	s5 =	ssub.s32 $0x2, s5;
	s31 =	sshll.u32 s0, $0x6  }
0x8: {  	s4 =	sor.u32 s0, s1;
	s1 =	rddreg [dreg:$0x2];
	_ =	strace $0x80000047  }
0x9: {  	s30 =	sshrl.u32 s5, $0x1;
	s4 =	smul.u32 $0x500, s4;
	s7 =	sor.u32 s9, s7  }
0xa: {  	s29 =	sshrl.u32 s8, $0x3;
	s12 =	ssub.s32 s5, s30;
	s5 =	sadd.s32 s8, s2  }
0xb: {  	s7 =	sshrl.u32 s7, $0x3;
	s9 =	sadd.s32 s29, s6;
	s10 =	sadd.s32 s4, s6  }
0xc: {  	s4 =	sadd.s32 $0xCA00, s6;
	s11 =	sadd.s32 s7, s6;
	s6 =	sadd.s32 $0xCC00, s9  }
0xd: {  	s7 =	sor.u32 $0x1C01, s31;
	s8 =	sadd.s32 $0x2A00, s10;
	s9 =	sadd.s32 $0xD200, s11  }
0xe: {  	s10 =	smax.u32 s12, $0x1;
	s11 =	sshrl.u32 s5, $0x3;
	s12 =	simm.s32 $0x1  }
.LBB2_1:
0xf: {  	[spmem:s11], [sflag:s7] =	dma.local [hbm:s6], $0x50  }
0x10: {  	_ =	swait.ge [sflag:s12], $0x50  }
0x11: {  	[sflag:s12] =	ssyncset.done $0x0  }
0x12: {  	[sflag:s12] =	ssyncadd.s32 $0xFFFFFFB0  }
0x13: {  	[tilespmem:s13], [sflag:$0x1] =	stream.linear.gather [hbm4b:s4+s3], $0x80, $0x38;
	[tilespmem:$0x2D80] =	vst v63  }
0x14: {  	_ =	swait.ge [sflag:s12], $0x80  }
0x15: {  	[sflag:s12] =	ssyncset.done $0x0  }
0x16: {  	[sflag:s12] =	ssyncadd.s32 $0xFFFFFF80  }
0x17: {  	[tilespmem:s3], [sflag:$0x1] =	stream.linear.gather [hbm4b:s8+s3], $0x2800, $0x38;
	[tilespmem:$0x2D80] =	vst v63  }
0x18: {  	_ =	swait.ge [sflag:s12], $0x2800  }
0x19: {  	[sflag:s12] =	ssyncset.done $0x0  }
0x1a: {  	[sflag:s12] =	ssyncadd.s32 $0xFFFFD800  }
0x1b: {  	s18 =	simm.s32 $0x0;
	[bflag:$0x0] =	sbarrier.arrive $0xFFFF  }
0x1c: {  	[spmem:s2] =	stream.indirect.scatter.add.f32 [tilespmem:s13], [sflag:$0x1], $0x1, s18, s14, $0xb8;
	[tilespmem:$0x2D80] =	vst v63  }
0x1d: {  	_ =	swait.ge [sflag:s12], $0x80  }
0x1e: {  	s18 =	simm.s32 $0x200;
	[sflag:s12] =	ssyncset.done $0x0  }
.LBB2_2:
0x1f: {  	s19 =	sshra.s32 s18, $0x2;
	[sflag:s12] =	ssyncadd.s32 $0xFFFFFF80;
	p0 =	sne.s32 s18, $0x9E00  }
0x20: {  	[spmem:s2] =	stream.indirect.scatter.add.f32 [tilespmem:s13], [sflag:$0x1], $0x1, s19, s14, $0xb8;
	[tilespmem:$0x2D80] =	vst v63  }
.Ltmp0:
0x21: {  	_ = 	snop;
	(pc) =	sbr.rel @p0 .LBB2_2-.Ltmp0, $4  }
0x22: {  	_ = 	snop  }
0x23: {  	s18 =	sadd.s32 $0x200, s18  }
0x24: {  	_ =	swait.ge [sflag:s12], $0x80  }
0x25: {  	[sflag:s12] =	ssyncset.done $0x0  }
0x26: {  	[sflag:s12] =	ssyncadd.s32 $0xFFFFFF80  }
0x27: {  	[bflag:$0x0] =	sbarrier.arrive $0xFFFF  }
0x28: {  	[tilespmem:s15], [sflag:$0x1] =	stream.linear.gather [spmem:s5], $0x280, $0x38;
	[tilespmem:$0x2D80] =	vst v63  }
0x29: {  	s17 =	sadd.s32 $0x1, s17;
	_ =	swait.ge [sflag:s12], $0x280  }
0x2a: {  	p0 =	sne.s32 s17, s10;
	[sflag:s12] =	ssyncset.done $0x0  }
.Ltmp1:
0x2b: {  	[sflag:s12] =	ssyncadd.s32 $0xFFFFFD80;
	(pc) =	sbr.rel @p0 .LBB2_1-.Ltmp1, $4  }
0x2c: {  	[hbm4b:s9+s14] =	stream.strided.scatter [tilespmem:s15], [sflag:$0x1], $0x280, s16, s14, $0x38;
	[tilespmem:$0x2D80] =	vst v63  }
0x2d: {  	_ =	swait.ge [sflag:s12], $0x280  }
0x2e: {  	[sflag:s12] =	ssyncset.done $0x0  }
0x2f: {  	[sflag:s12] =	ssyncadd.s32 $0xFFFFFD80  }
0x30: {  	_ =	sfence.sel $0x180000  }
0x31: {  	[bflag:$0x0] =	sbarrier.arrive $0xFFFF  }
0x32: {  	p0 =	sne.s32 s0, $0x0;
	_ =	strace $0x90000047  }
0x33: {  	s0 =	sadd.s32 @!p0 $0x100000, s1;
	[bflag:$0x2] =	sbarrier.arrive $0xFFFF  }
0x34: {  	[sflag:s0] =	ssyncadd.tile.s32 @!p0 $0x1;
	_ =	shalt  }
.Lfunc_end2:
_tile_overlayer_lowered:
.L_overlay_start_2:
0x35: {  	(tag) =	ssettag $0x2  }
0x36: {  	s0 =	rddreg [dreg:$0x0];
	s2 =	stileid.u32  }
0x37: {  	s1 =	rddreg [dreg:$0x1];
	p0 =	sne.s32 s2, $0x0  }
0x38: {  	s3 =	rddreg [dreg:$0x2];
	[bflag:$0x3] =	sbarrier.arrive $0xFFFF;
	s2 =	simm.s32 @!p0 $0x1C01  }
0x39: {  	[timem:s3], [sflag:s2] =	dma.local @!p0 [hbm:s0], s1  }
0x3a: {  	s0 =	simm.s32 @!p0 $0x1  }
0x3b: {  	_ =	swait.ge @!p0 [sflag:s0], s1  }
0x3c: {  	s1 =	ssub.s32 @!p0 $0x0, s1;
	[sflag:s0] =	ssyncset.done @!p0 $0x0  }
0x3d: {  	[sflag:s0] =	ssyncadd.s32 @!p0 s1  }
0x3e: {  	[bflag:$0x3] =	sbarrier.arrive $0xFFFF  }
0x3f: {  	_ =	shalt  }

</sc_bundles>
